<compile_context>
chip_gen: v7x
topology: tpu7x:2x2x1
jax: 0.10.2.dev20260603
libtpu: 0.0.44.dev20260713+nightly
codegen_flags: <defaults>
</compile_context>

<pallas_src>
import functools

import jax
import jax.numpy as jnp
from jax import lax
from jax.experimental import pallas as pl
from jax.experimental.pallas import tpu as pltpu
from jax.experimental.pallas import tpu_sc as plsc

N = 10000
E = 320000
F = 128
K = 16
NC = 2
NS = 16
NW = NC * NS
CB = 128
NCH = 80
EW = NCH * CB
E_PAD = NW * EW
N_ACC = N + 128
NBUF = 4
ZC = 80
NZCH = N // ZC


def _mesh():
    return plsc.VectorSubcoreMesh(core_axis_name="c", subcore_axis_name="s",
                                  num_cores=NC, num_subcores=NS)


def _zero_fill(zb, width):
    def body(i, carry):
        for k8 in range(width // 16):
            zb[i, pl.ds(k8 * 16, 16)] = jnp.zeros((16,), jnp.float32)
        return carry
    lax.fori_loop(0, ZC, body, 0)


def _zero_acc(zb, acc, sid):
    def body(k, carry):
        c = sid + k * NS

        @pl.when(c < NZCH)
        def _():
            pltpu.sync_copy(zb, acc.at[pl.ds(c * ZC, ZC)])
        return carry
    lax.fori_loop(0, (NZCH + NS - 1) // NS, body, 0)


def _write_out(acc, out_hbm, cid, width, h, sid):
    def body(k, carry):
        c = sid + k * NS

        @pl.when(c < NZCH)
        def _():
            pltpu.sync_copy(acc.at[pl.ds(c * ZC, ZC)],
                            out_hbm.at[cid, pl.ds(c * ZC, ZC),
                                       pl.ds(h * width, width)])
        return carry
    lax.fori_loop(0, (NZCH + NS - 1) // NS, body, 0)


def _sc_deg_body(dst_hbm, out_hbm, idx_v, ones_v, zb_v, acc, sem):
    cid = lax.axis_index("c")
    sid = lax.axis_index("s")
    wid = sid * NC + cid

    def fill_ones(i, carry):
        ones_v[i, :] = jnp.full((16,), 1.0, jnp.float32)
        return carry
    lax.fori_loop(0, CB, fill_ones, 0)
    _zero_fill(zb_v, K)
    _zero_acc(zb_v, acc, sid)
    plsc.subcore_barrier()

    pltpu.sync_copy(dst_hbm.at[wid], idx_v)

    def body(j, carry):
        pltpu.async_copy(ones_v, acc.at[idx_v.at[j]], sem, add=True)
        return carry
    lax.fori_loop(0, NCH, body, 0)

    def drain(j, carry):
        pltpu.make_async_copy(ones_v, acc.at[idx_v.at[j]], sem).wait()
        return carry
    lax.fori_loop(0, NCH, drain, 0)
    plsc.subcore_barrier()

    _write_out(acc, out_hbm, cid, K, 0, sid)


NBK = 8


def _sc_edge_k_body(rows_hbm, src_hbm, dst_hbm, out_hbm, idxs_v, idxd_v,
                    *refs):
    bufs = refs[:NBK]
    zb_v, acc = refs[NBK:NBK + 2]
    gsems = refs[NBK + 2:2 * NBK + 2]
    ssem = refs[2 * NBK + 2]
    cid = lax.axis_index("c")
    sid = lax.axis_index("s")
    wid = sid * NC + cid

    _zero_fill(zb_v, K)
    _zero_acc(zb_v, acc, sid)
    plsc.subcore_barrier()

    pltpu.sync_copy(src_hbm.at[wid], idxs_v)
    pltpu.sync_copy(dst_hbm.at[wid], idxd_v)

    def rnd(r, carry):
        j0 = r * NBK
        for b in range(NBK):
            pltpu.async_copy(rows_hbm.at[idxs_v.at[j0 + b]], bufs[b],
                             gsems[b])
        for b in range(NBK):
            pltpu.make_async_copy(rows_hbm.at[idxs_v.at[j0 + b]], bufs[b],
                                  gsems[b]).wait()
            pltpu.async_copy(bufs[b], acc.at[idxd_v.at[j0 + b]], ssem,
                             add=True)
        for b in range(NBK):
            pltpu.make_async_copy(bufs[b], acc.at[idxd_v.at[j0 + b]],
                                  ssem).wait()
        return carry
    lax.fori_loop(0, NCH // NBK, rnd, 0)
    plsc.subcore_barrier()

    _write_out(acc, out_hbm, cid, K, 0, sid)


NCH2 = E_PAD // (NS * CB)


def _sc_edge_split_body(rows_hbm, src_hbm, dst_hbm, out_hbm,
                        idxs_v, idxd_v, b0, b1, b2, b3, zb_v, acc,
                        s0, s1, s2, s3):
    bufs = (b0, b1, b2, b3)
    sems = (s0, s1, s2, s3)
    cid = lax.axis_index("c")
    sid = lax.axis_index("s")

    _zero_fill(zb_v, F // 2)
    _zero_acc(zb_v, acc, sid)

    pltpu.sync_copy(src_hbm.at[sid], idxs_v)
    pltpu.sync_copy(dst_hbm.at[sid], idxd_v)

    def xform(i, carry):
        for k8 in range(CB // 16):
            v = idxs_v[i, pl.ds(k8 * 16, 16)]
            idxs_v[i, pl.ds(k8 * 16, 16)] = v * 2 + cid
        return carry
    lax.fori_loop(0, NCH2, xform, 0)
    plsc.subcore_barrier()

    for b in range(NBUF):
        pltpu.async_copy(rows_hbm.at[idxs_v.at[b]], bufs[b], sems[b])

    def outer(o, carry):
        j0 = o * NBUF
        for b in range(NBUF):
            j = j0 + b
            pltpu.make_async_copy(rows_hbm.at[idxs_v.at[j]],
                                  bufs[b], sems[b]).wait()
            pltpu.sync_copy(bufs[b], acc.at[idxd_v.at[j]], add=True)

            @pl.when(j + NBUF < NCH2)
            def _():
                pltpu.async_copy(rows_hbm.at[idxs_v.at[j + NBUF]],
                                 bufs[b], sems[b])
        return carry
    lax.fori_loop(0, NCH2 // NBUF, outer, 0)
    plsc.subcore_barrier()

    def wout(k, carry):
        c = sid + k * NS

        @pl.when(c < NZCH)
        def _():
            pltpu.sync_copy(acc.at[pl.ds(c * ZC, ZC)],
                            out_hbm.at[pl.ds(c * ZC, ZC),
                                       pl.ds(cid * (F // 2), F // 2)])
        return carry
    lax.fori_loop(0, (NZCH + NS - 1) // NS, wout, 0)


def _make_edge_split_kernel():
    return pl.kernel(
        _sc_edge_split_body,
        out_type=jax.ShapeDtypeStruct((N, F), jnp.float32),
        mesh=_mesh(),
        compiler_params=pltpu.CompilerParams(use_tc_tiling_on_sc=False),
        scratch_types=(
            [pltpu.VMEM((NCH2, CB), jnp.int32),
             pltpu.VMEM((NCH2, CB), jnp.int32)]
            + [pltpu.VMEM((CB, F // 2), jnp.float32) for _ in range(NBUF)]
            + [pltpu.VMEM((ZC, F // 2), jnp.float32),
               pltpu.VMEM_SHARED((N_ACC, F // 2), jnp.float32)]
            + [pltpu.SemaphoreType.DMA for _ in range(NBUF)]
        ),
    )


def _make_deg_kernel():
    return pl.kernel(
        _sc_deg_body,
        out_type=jax.ShapeDtypeStruct((NC, N, F), jnp.float32),
        mesh=_mesh(),
        compiler_params=pltpu.CompilerParams(use_tc_tiling_on_sc=False),
        scratch_types=[
            pltpu.VMEM((NCH, CB), jnp.int32),
            pltpu.VMEM((CB, K), jnp.float32),
            pltpu.VMEM((ZC, K), jnp.float32),
            pltpu.VMEM_SHARED((N_ACC, K), jnp.float32),
            pltpu.SemaphoreType.DMA,
        ],
    )


def _make_edge_k_kernel():
    return pl.kernel(
        _sc_edge_k_body,
        out_type=jax.ShapeDtypeStruct((NC, N, F), jnp.float32),
        mesh=_mesh(),
        compiler_params=pltpu.CompilerParams(use_tc_tiling_on_sc=False),
        scratch_types=(
            [pltpu.VMEM((NCH, CB), jnp.int32),
             pltpu.VMEM((NCH, CB), jnp.int32)]
            + [pltpu.VMEM((CB, K), jnp.float32) for _ in range(NBK)]
            + [pltpu.VMEM((ZC, K), jnp.float32),
               pltpu.VMEM_SHARED((N_ACC, K), jnp.float32)]
            + [pltpu.SemaphoreType.DMA for _ in range(NBK)]
            + [pltpu.SemaphoreType.DMA]
        ),
    )


_BR = 1000


def _tc1a_body(x_ref, w1_ref, h1_ref):
    h1_ref[...] = jnp.dot(x_ref[...], w1_ref[...],
                          preferred_element_type=jnp.float32)


def _tc1b_body(h1_ref, degp_ref, h1p_ref, dinv_ref):
    deg = degp_ref[0, :, 0:1] + degp_ref[1, :, 0:1] + 1.0
    dinv = lax.rsqrt(deg)
    h1p_ref[...] = dinv * h1_ref[...]
    dinv_ref[...] = jnp.broadcast_to(dinv, (_BR, F))


def _tc2a_body(aggb_ref, h1p_ref, dinv_ref, b1_ref, w2_ref,
               h_ref, h2p_ref):
    dinv = dinv_ref[:, 0:1]
    agg = aggb_ref[...] + h1p_ref[...]
    h = jnp.maximum(dinv * agg + b1_ref[...], 0.0)
    h_ref[...] = h
    h2 = jnp.dot(h, w2_ref[...], preferred_element_type=jnp.float32)
    h2p_ref[...] = dinv * h2


def _tc2b_body(h_ref, ct_ref, csq_ref, q_ref):
    h = h_ref[...]
    hsq = jnp.sum(h * h, axis=1, keepdims=True)
    cross = jnp.dot(h, ct_ref[...], preferred_element_type=jnp.float32)
    dist = hsq - 2.0 * cross + csq_ref[...]
    qun = 1.0 / (1.0 + dist)
    q_ref[...] = qun / jnp.sum(qun, axis=1, keepdims=True)


def _tc3_body(aggc_ref, h2p_ref, dinv_ref, b2_ref, out_ref):
    aggc = aggc_ref[0, :, :K] + aggc_ref[1, :, :K]
    logits = dinv_ref[:, 0:1] * (aggc + h2p_ref[...])
    logits = logits + b2_ref[...]
    m = jnp.max(logits, axis=1, keepdims=True)
    s = logits - m
    out_ref[...] = s - jnp.log(jnp.sum(jnp.exp(s), axis=1, keepdims=True))


def _row_spec(width):
    return pl.BlockSpec((_BR, width), lambda i: (i, 0))


def _full_spec(shape):
    return pl.BlockSpec(shape, lambda i: tuple(0 for _ in shape))


def _part_spec(width):
    return pl.BlockSpec((NC, _BR, width), lambda i: (0, i, 0))


_GRID = N // _BR


def kernel(x, edge_index, W1, b1, W2, b2, cluster_centers):
    ei = edge_index.astype(jnp.int32)
    pad_ids = jnp.arange(E_PAD - E, dtype=jnp.int32)
    fill = jnp.stack([pad_ids % N, N + (pad_ids % 128)])
    ei = jnp.concatenate([ei, fill], axis=1)
    src3 = ei[0].reshape(NW, NCH, CB)
    dst3 = ei[1].reshape(NW, NCH, CB)
    src2 = ei[0].reshape(NS, NCH2, CB)
    dst2 = ei[1].reshape(NS, NCH2, CB)

    degp = _make_deg_kernel()(dst3)

    h1 = pl.pallas_call(
        _tc1a_body,
        grid=(_GRID,),
        in_specs=[_row_spec(F), _full_spec((F, F))],
        out_specs=_row_spec(F),
        out_shape=jax.ShapeDtypeStruct((N, F), jnp.float32),
    )(x, W1)

    h1p, dinv = pl.pallas_call(
        _tc1b_body,
        grid=(_GRID,),
        in_specs=[_row_spec(F), _part_spec(F)],
        out_specs=[_row_spec(F), _row_spec(F)],
        out_shape=[jax.ShapeDtypeStruct((N, F), jnp.float32),
                   jax.ShapeDtypeStruct((N, F), jnp.float32)],
    )(h1, degp)

    aggb = _make_edge_split_kernel()(
        h1p.reshape(2 * N, F // 2), src2, dst2)

    b1r = b1.reshape(1, F)
    b2r = b2.reshape(1, K)
    ct = cluster_centers.T
    csq = jnp.sum(cluster_centers * cluster_centers, axis=1).reshape(1, K)

    h, h2p = pl.pallas_call(
        _tc2a_body,
        grid=(_GRID,),
        in_specs=[_row_spec(F), _row_spec(F), _row_spec(F),
                  _full_spec((1, F)), _full_spec((F, K))],
        out_specs=[_row_spec(F), _row_spec(K)],
        out_shape=[jax.ShapeDtypeStruct((N, F), jnp.float32),
                   jax.ShapeDtypeStruct((N, K), jnp.float32)],
    )(aggb, h1p, dinv, b1r, W2)

    aggc = _make_edge_k_kernel()(h2p, src3, dst3)

    q = pl.pallas_call(
        _tc2b_body,
        grid=(_GRID,),
        in_specs=[_row_spec(F), _full_spec((F, K)), _full_spec((1, K))],
        out_specs=_row_spec(K),
        out_shape=jax.ShapeDtypeStruct((N, K), jnp.float32),
    )(h, ct, csq)

    logsm = pl.pallas_call(
        _tc3_body,
        grid=(_GRID,),
        in_specs=[_part_spec(F), _row_spec(K), _row_spec(F),
                  _full_spec((1, K))],
        out_specs=_row_spec(K),
        out_shape=jax.ShapeDtypeStruct((N, K), jnp.float32),
    )(aggc, h2p, dinv, b2r)

    return (logsm, q)

# --- scband reference (transcript-rebuilt; emitter-appended) ---
"""Pipeline reference for scband-self-optimizing-vgae-21217138442568 (READ-ONLY COPY).

The authoritative reference and input builder live on the scoring server;
editing this copy changes nothing except your own understanding.
"""

import jax, jax.numpy as jnp
import numpy as np

N_NODES = 10000

def gcn_conv(x, edge_index, W, b, num_nodes):
    h = x @ W
    src = edge_index[0]
    dst = edge_index[1]
    loop = jnp.arange(num_nodes, dtype=src.dtype)
    src = jnp.concatenate([src, loop])
    dst = jnp.concatenate([dst, loop])
    deg = jnp.zeros((num_nodes,), dtype=h.dtype).at[dst].add(1.0)
    dinv = jnp.where(deg > 0, jax.lax.rsqrt(deg), 0.0)
    norm = dinv[src] * dinv[dst]
    msg = h[src] * norm[:, None]
    out = jnp.zeros((num_nodes, h.shape[1]), dtype=h.dtype).at[dst].add(msg)
    return out + b

def setup_inputs(seed: int = 0) -> dict:
    key = jax.random.key(seed)
    k1, k2, k3, k4, k5, k6 = jax.random.split(key, 6)
    num_features, middle_dim, num_clusters = 128, 128, 16
    x = jax.random.normal(k1, (N_NODES, num_features), dtype=jnp.float32)
    edge_index = jax.random.randint(k2, (2, 320000), 0, N_NODES, dtype=jnp.int64)
    W1 = jax.random.normal(k3, (num_features, middle_dim), dtype=jnp.float32) * (1.0 / np.sqrt(num_features))
    b1 = jnp.zeros((middle_dim,), dtype=jnp.float32)
    W2 = jax.random.normal(k4, (middle_dim, num_clusters), dtype=jnp.float32) * (1.0 / np.sqrt(middle_dim))
    b2 = jnp.zeros((num_clusters,), dtype=jnp.float32)
    cluster_centers = jax.random.normal(k5, (num_clusters, middle_dim), dtype=jnp.float32) * np.sqrt(2.0 / middle_dim)
    return {"x": x, "edge_index": edge_index, "W1": W1, "b1": b1, "W2": W2, "b2": b2, "cluster_centers": cluster_centers}

def reference(x, edge_index, W1, b1, W2, b2, cluster_centers):
    num_nodes = x.shape[0]
    h = jax.nn.relu(gcn_conv(x, edge_index, W1, b1, num_nodes))
    embeddings = h
    logits = gcn_conv(h, edge_index, W2, b2, num_nodes)
    diff = embeddings[:, None, :] - cluster_centers[None, :, :]
    dist = jnp.sum(diff * diff, axis=2)
    q = 1.0 / (1.0 + dist)
    q = q ** ((1.0 + 1.0) / 2.0)
    q = q / jnp.sum(q, axis=1, keepdims=True)
    return (jax.nn.log_softmax(logits, axis=1), q)

if __name__ == "__main__":
    import jax
    _d = setup_inputs()
    print(jax.jit(kernel)(*tuple(_d.values())))

</pallas_src>

<mosaic_0001>
#map = affine_map<(d0, d1) -> (0, 0, 0)>
module attributes {stable_mosaic.version = 14 : i64} {
  func.func @_sc_deg_body(%arg0: i32, %arg1: i32, %arg2: memref<32x80x128xi32, #tpu.memory_space<hbm>>, %arg3: memref<2x10000x128xf32, #tpu.memory_space<hbm>>, %arg4: memref<80x128xi32, #tpu.memory_space<vmem>>, %arg5: memref<128x16xf32, #tpu.memory_space<vmem>>, %arg6: memref<80x16xf32, #tpu.memory_space<vmem>>, %arg7: memref<10128x16xf32, #tpu.memory_space<vmem_shared>>, %arg8: memref<!tpu.dma_semaphore, #tpu.memory_space<semaphore_mem>>) attributes {dimension_semantics = [#tpu.dimension_semantics<core_parallel>, #tpu.dimension_semantics<subcore_parallel>], iteration_bounds = array<i64: 2, 16>, scalar_prefetch = 0 : i64, scratch_operands = 5 : i64, tpu.core_type = #tpu.core_type<sc_vector_subcore>, window_params = [{transform_indices = #map}, {transform_indices = #map}]} {
    %mul3A = arith.constant 2 : i32
    %mul3A_0 = arith.muli %arg1, %mul3A : i32
    %add3A = arith.addi %mul3A_0, %arg0 : i32
    %scan3A = arith.constant 0 : i32
    %scan3A_1 = arith.constant 0 : i32
    %scan3A_2 = arith.constant 128 : i32
    %scan3A_3 = arith.addi %scan3A_1, %scan3A_2 : i32
    %scan3A_4 = arith.constant 1 : i32
    scf.for %scan3A_37 = %scan3A_1 to %scan3A_3 step %scan3A_4  : i32 {
      %broadcast_in_dim3A = arith.constant 1.000000e+00 : f32
      %broadcast_in_dim3A_38 = vector.broadcast %broadcast_in_dim3A : f32 to vector<16xf32>
      %swap3A = arith.index_cast %scan3A_37 : i32 to index
      %swap3A_39 = arith.constant 0 : index
      %swap3A_40 = tpu.vector_load %arg5[%swap3A, %swap3A_39] {strides = array<i32>} : memref<128x16xf32, #tpu.memory_space<vmem>>, vector<1x16xf32>,
      %swap3A_41 = vector.shape_cast %swap3A_40 : vector<1x16xf32> to vector<16xf32>
      %swap3A_42 = vector.shape_cast %broadcast_in_dim3A_38 : vector<16xf32> to vector<1x16xf32>
      tpu.vector_store %arg5[%swap3A, %swap3A_39], %swap3A_42 {strides = array<i32>} : memref<128x16xf32, #tpu.memory_space<vmem>>, vector<1x16xf32>,
    }
    %scan3A_5 = arith.constant 128 : i32
    %scan3A_6 = arith.constant 0 : i32
    %scan3A_7 = arith.constant 0 : i32
    %scan3A_8 = arith.constant 80 : i32
    %scan3A_9 = arith.addi %scan3A_7, %scan3A_8 : i32
    %scan3A_10 = arith.constant 1 : i32
    scf.for %scan3A_37 = %scan3A_7 to %scan3A_9 step %scan3A_10  : i32 {
      %broadcast_in_dim3A = arith.constant 0.000000e+00 : f32
      %broadcast_in_dim3A_38 = vector.broadcast %broadcast_in_dim3A : f32 to vector<16xf32>
      %swap3A = arith.index_cast %scan3A_37 : i32 to index
      %swap3A_39 = arith.constant 0 : index
      %swap3A_40 = tpu.vector_load %arg6[%swap3A, %swap3A_39] {strides = array<i32>} : memref<80x16xf32, #tpu.memory_space<vmem>>, vector<1x16xf32>,
      %swap3A_41 = vector.shape_cast %swap3A_40 : vector<1x16xf32> to vector<16xf32>
      %swap3A_42 = vector.shape_cast %broadcast_in_dim3A_38 : vector<16xf32> to vector<1x16xf32>
      tpu.vector_store %arg6[%swap3A, %swap3A_39], %swap3A_42 {strides = array<i32>} : memref<80x16xf32, #tpu.memory_space<vmem>>, vector<1x16xf32>,
    }
    %scan3A_11 = arith.constant 80 : i32
    %scan3A_12 = arith.constant 0 : i32
    %scan3A_13 = arith.constant 0 : i32
    %scan3A_14 = arith.constant 8 : i32
    %scan3A_15 = arith.addi %scan3A_13, %scan3A_14 : i32
    %scan3A_16 = arith.constant 1 : i32
    scf.for %scan3A_37 = %scan3A_13 to %scan3A_15 step %scan3A_16  : i32 {
      %mul3A_38 = arith.constant 16 : i32
      %mul3A_39 = arith.muli %scan3A_37, %mul3A_38 : i32
      %add3A_40 = arith.addi %arg1, %mul3A_39 : i32
      %lt3A = arith.constant 125 : i32
      %lt3A_41 = arith.cmpi slt, %add3A_40, %lt3A : i32
      %convert_element_type3A = arith.extui %lt3A_41 : i1 to i32
      %cond3A = arith.constant 0 : i32
      %cond3A_42 = arith.cmpi ne, %convert_element_type3A, %cond3A : i32
      scf.if %cond3A_42 {
        %mul3A_43 = arith.constant 80 : i32
        %mul3A_44 = arith.muli %add3A_40, %mul3A_43 : i32
        "tpu.region"() ({
          %run_scoped3A = tpu.sem_alloc : memref<!tpu.dma_semaphore, #tpu.memory_space<semaphore_mem>>
          %dma_start3A = arith.constant 0 : i32
          %dma_start3A_45 = tpu.memref_slice %arg7[%mul3A_44, %dma_start3A] : memref<10128x16xf32, #tpu.memory_space<vmem_shared>> -> memref<80x16xf32, #tpu.memory_space<vmem_shared>>
          %dma_start3A_46 = arith.constant 0 : i32
          %dma_start3A_47 = tpu.memref_slice %arg7[%mul3A_44, %dma_start3A_46] : memref<10128x16xf32, #tpu.memory_space<vmem_shared>> -> memref<80x16xf32, #tpu.memory_space<vmem_shared>>
          tpu.enqueue_dma source(%arg6 : memref<80x16xf32, #tpu.memory_space<vmem>>) target(%dma_start3A_47 : memref<80x16xf32, #tpu.memory_space<vmem_shared>>) target_semaphore(%run_scoped3A : memref<!tpu.dma_semaphore, #tpu.memory_space<semaphore_mem>>)
          %dma_wait3A = arith.constant 0 : i32
          %dma_wait3A_48 = tpu.memref_slice %arg7[%mul3A_44, %dma_wait3A] : memref<10128x16xf32, #tpu.memory_space<vmem_shared>> -> memref<80x16xf32, #tpu.memory_space<vmem_shared>>
          %dma_wait3A_49 = arith.constant 0 : i32
          %dma_wait3A_50 = tpu.memref_slice %arg7[%mul3A_44, %dma_wait3A_49] : memref<10128x16xf32, #tpu.memory_space<vmem_shared>> -> memref<80x16xf32, #tpu.memory_space<vmem_shared>>
          tpu.wait_dma2 semaphore(%run_scoped3A : memref<!tpu.dma_semaphore, #tpu.memory_space<semaphore_mem>>) src(%arg6 : memref<80x16xf32, #tpu.memory_space<vmem>>) dst(%dma_wait3A_50 : memref<80x16xf32, #tpu.memory_space<vmem_shared>>)
          tpu.yield
        }) : () -> ()
      } else {
      }
    }
    %scan3A_17 = arith.constant 8 : i32
    %barrier3A = arith.constant 0 : index
    tpu.barrier barrier_id(%barrier3A)
    "tpu.region"() ({
      %run_scoped3A = tpu.sem_alloc : memref<!tpu.dma_semaphore, #tpu.memory_space<semaphore_mem>>
      %dma_start3A = arith.constant 0 : i32
      %dma_start3A_37 = arith.constant 0 : i32
      %dma_start3A_38 = tpu.memref_slice %arg2[%add3A, %dma_start3A, %dma_start3A_37] : memref<32x80x128xi32, #tpu.memory_space<hbm>> -> memref<1x80x128xi32, #tpu.memory_space<hbm>>
      %dma_start3A_39 = tpu.memref_squeeze %dma_start3A_38 : memref<1x80x128xi32, #tpu.memory_space<hbm>> -> memref<80x128xi32, #tpu.memory_space<hbm>>
      %dma_start3A_40 = arith.constant 0 : i32
      %dma_start3A_41 = arith.constant 0 : i32
      %dma_start3A_42 = tpu.memref_slice %arg2[%add3A, %dma_start3A_40, %dma_start3A_41] : memref<32x80x128xi32, #tpu.memory_space<hbm>> -> memref<1x80x128xi32, #tpu.memory_space<hbm>>
      %dma_start3A_43 = tpu.memref_squeeze %dma_start3A_42 : memref<1x80x128xi32, #tpu.memory_space<hbm>> -> memref<80x128xi32, #tpu.memory_space<hbm>>
      tpu.enqueue_dma source(%dma_start3A_43 : memref<80x128xi32, #tpu.memory_space<hbm>>) target(%arg4 : memref<80x128xi32, #tpu.memory_space<vmem>>) target_semaphore(%run_scoped3A : memref<!tpu.dma_semaphore, #tpu.memory_space<semaphore_mem>>)
      %dma_wait3A = arith.constant 0 : i32
      %dma_wait3A_44 = arith.constant 0 : i32
      %dma_wait3A_45 = tpu.memref_slice %arg2[%add3A, %dma_wait3A, %dma_wait3A_44] : memref<32x80x128xi32, #tpu.memory_space<hbm>> -> memref<1x80x128xi32, #tpu.memory_space<hbm>>
      %dma_wait3A_46 = tpu.memref_squeeze %dma_wait3A_45 : memref<1x80x128xi32, #tpu.memory_space<hbm>> -> memref<80x128xi32, #tpu.memory_space<hbm>>
      %dma_wait3A_47 = arith.constant 0 : i32
      %dma_wait3A_48 = arith.constant 0 : i32
      %dma_wait3A_49 = tpu.memref_slice %arg2[%add3A, %dma_wait3A_47, %dma_wait3A_48] : memref<32x80x128xi32, #tpu.memory_space<hbm>> -> memref<1x80x128xi32, #tpu.memory_space<hbm>>
      %dma_wait3A_50 = tpu.memref_squeeze %dma_wait3A_49 : memref<1x80x128xi32, #tpu.memory_space<hbm>> -> memref<80x128xi32, #tpu.memory_space<hbm>>
      tpu.wait_dma2 semaphore(%run_scoped3A : memref<!tpu.dma_semaphore, #tpu.memory_space<semaphore_mem>>) src(%dma_wait3A_50 : memref<80x128xi32, #tpu.memory_space<hbm>>) dst(%arg4 : memref<80x128xi32, #tpu.memory_space<vmem>>)
      tpu.yield
    }) : () -> ()
    %scan3A_18 = arith.constant 0 : i32
    %scan3A_19 = arith.constant 0 : i32
    %scan3A_20 = arith.constant 80 : i32
    %scan3A_21 = arith.addi %scan3A_19, %scan3A_20 : i32
    %scan3A_22 = arith.constant 1 : i32
    scf.for %scan3A_37 = %scan3A_19 to %scan3A_21 step %scan3A_22  : i32 {
      %dma_start3A = arith.constant 0 : i32
      %dma_start3A_38 = tpu.memref_slice %arg4[%scan3A_37, %dma_start3A] : memref<80x128xi32, #tpu.memory_space<vmem>> -> memref<1x128xi32, #tpu.memory_space<vmem>>
      %dma_start3A_39 = tpu.memref_squeeze %dma_start3A_38 : memref<1x128xi32, #tpu.memory_space<vmem>> -> memref<128xi32, #tpu.memory_space<vmem>>
      %dma_start3A_40 = arith.constant 0 : i32
      %dma_start3A_41 = arith.constant 0 : i32
      %dma_start3A_42 = tpu.memref_slice %arg7[%dma_start3A_40, %dma_start3A_41] : memref<10128x16xf32, #tpu.memory_space<vmem_shared>> -> memref<10128x16xf32, #tpu.memory_space<vmem_shared>>
      tpu.enqueue_indirect_dma source(%arg5 : memref<128x16xf32, #tpu.memory_space<vmem>>) target(%dma_start3A_42 : memref<10128x16xf32, #tpu.memory_space<vmem_shared>>) offsets(%dma_start3A_39 : memref<128xi32, #tpu.memory_space<vmem>>) semaphore(%arg8 : memref<!tpu.dma_semaphore, #tpu.memory_space<semaphore_mem>>) {add = true}
    }
    %scan3A_23 = arith.constant 80 : i32
    %scan3A_24 = arith.constant 0 : i32
    %scan3A_25 = arith.constant 0 : i32
    %scan3A_26 = arith.constant 80 : i32
    %scan3A_27 = arith.addi %scan3A_25, %scan3A_26 : i32
    %scan3A_28 = arith.constant 1 : i32
    scf.for %scan3A_37 = %scan3A_25 to %scan3A_27 step %scan3A_28  : i32 {
      %dma_wait3A = arith.constant 0 : i32
      %dma_wait3A_38 = tpu.memref_slice %arg4[%scan3A_37, %dma_wait3A] : memref<80x128xi32, #tpu.memory_space<vmem>> -> memref<1x128xi32, #tpu.memory_space<vmem>>
      %dma_wait3A_39 = tpu.memref_squeeze %dma_wait3A_38 : memref<1x128xi32, #tpu.memory_space<vmem>> -> memref<128xi32, #tpu.memory_space<vmem>>
      %dma_wait3A_40 = arith.constant 0 : i32
      %dma_wait3A_41 = arith.constant 0 : i32
      %dma_wait3A_42 = tpu.memref_slice %arg7[%dma_wait3A_40, %dma_wait3A_41] : memref<10128x16xf32, #tpu.memory_space<vmem_shared>> -> memref<10128x16xf32, #tpu.memory_space<vmem_shared>>
      tpu.wait_indirect_dma semaphore(%arg8 : memref<!tpu.dma_semaphore, #tpu.memory_space<semaphore_mem>>) src(%arg5 : memref<128x16xf32, #tpu.memory_space<vmem>>) dst(%dma_wait3A_42 : memref<10128x16xf32, #tpu.memory_space<vmem_shared>>)
    }
    %scan3A_29 = arith.constant 80 : i32
    %barrier3A_30 = arith.constant 0 : index
    tpu.barrier barrier_id(%barrier3A_30)
    %scan3A_31 = arith.constant 0 : i32
    %scan3A_32 = arith.constant 0 : i32
    %scan3A_33 = arith.constant 8 : i32
    %scan3A_34 = arith.addi %scan3A_32, %scan3A_33 : i32
    %scan3A_35 = arith.constant 1 : i32
    scf.for %scan3A_37 = %scan3A_32 to %scan3A_34 step %scan3A_35  : i32 {
      %mul3A_38 = arith.constant 16 : i32
      %mul3A_39 = arith.muli %scan3A_37, %mul3A_38 : i32
      %add3A_40 = arith.addi %arg1, %mul3A_39 : i32
      %lt3A = arith.constant 125 : i32
      %lt3A_41 = arith.cmpi slt, %add3A_40, %lt3A : i32
      %convert_element_type3A = arith.extui %lt3A_41 : i1 to i32
      %cond3A = arith.constant 0 : i32
      %cond3A_42 = arith.cmpi ne, %convert_element_type3A, %cond3A : i32
      scf.if %cond3A_42 {
        %mul3A_43 = arith.constant 80 : i32
        %mul3A_44 = arith.muli %add3A_40, %mul3A_43 : i32
        %mul3A_45 = arith.constant 80 : i32
        %mul3A_46 = arith.muli %add3A_40, %mul3A_45 : i32
        "tpu.region"() ({
          %run_scoped3A = tpu.sem_alloc : memref<!tpu.dma_semaphore, #tpu.memory_space<semaphore_mem>>
          %dma_start3A = arith.constant 0 : i32
          %dma_start3A_47 = tpu.memref_slice %arg3[%arg0, %mul3A_46, %dma_start3A] : memref<2x10000x128xf32, #tpu.memory_space<hbm>> -> memref<1x80x16xf32, #tpu.memory_space<hbm>>
          %dma_start3A_48 = tpu.memref_squeeze %dma_start3A_47 : memref<1x80x16xf32, #tpu.memory_space<hbm>> -> memref<80x16xf32, #tpu.memory_space<hbm>>
          %dma_start3A_49 = arith.constant 0 : i32
          %dma_start3A_50 = tpu.memref_slice %arg7[%mul3A_44, %dma_start3A_49] : memref<10128x16xf32, #tpu.memory_space<vmem_shared>> -> memref<80x16xf32, #tpu.memory_space<vmem_shared>>
          tpu.enqueue_dma source(%dma_start3A_50 : memref<80x16xf32, #tpu.memory_space<vmem_shared>>) target(%dma_start3A_48 : memref<80x16xf32, #tpu.memory_space<hbm>>) target_semaphore(%run_scoped3A : memref<!tpu.dma_semaphore, #tpu.memory_space<semaphore_mem>>)
          %dma_wait3A = arith.constant 0 : i32
          %dma_wait3A_51 = tpu.memref_slice %arg3[%arg0, %mul3A_46, %dma_wait3A] : memref<2x10000x128xf32, #tpu.memory_space<hbm>> -> memref<1x80x16xf32, #tpu.memory_space<hbm>>
          %dma_wait3A_52 = tpu.memref_squeeze %dma_wait3A_51 : memref<1x80x16xf32, #tpu.memory_space<hbm>> -> memref<80x16xf32, #tpu.memory_space<hbm>>
          %dma_wait3A_53 = arith.constant 0 : i32
          %dma_wait3A_54 = tpu.memref_slice %arg7[%mul3A_44, %dma_wait3A_53] : memref<10128x16xf32, #tpu.memory_space<vmem_shared>> -> memref<80x16xf32, #tpu.memory_space<vmem_shared>>
          tpu.wait_dma2 semaphore(%run_scoped3A : memref<!tpu.dma_semaphore, #tpu.memory_space<semaphore_mem>>) src(%dma_wait3A_54 : memref<80x16xf32, #tpu.memory_space<vmem_shared>>) dst(%dma_wait3A_52 : memref<80x16xf32, #tpu.memory_space<hbm>>)
          tpu.yield
        }) : () -> ()
      } else {
      }
    }
    %scan3A_36 = arith.constant 8 : i32
    return
  }
}

#map = affine_map<(d0, d1) -> (0, 0)>
#map1 = affine_map<(d0, d1) -> (0, 0, 0)>
module attributes {stable_mosaic.version = 14 : i64} {
  func.func @_sc_edge_split_body(%arg0: i32, %arg1: i32, %arg2: memref<20000x64xf32, #tpu.memory_space<hbm>>, %arg3: memref<16x160x128xi32, #tpu.memory_space<hbm>>, %arg4: memref<16x160x128xi32, #tpu.memory_space<hbm>>, %arg5: memref<10000x128xf32, #tpu.memory_space<hbm>>, %arg6: memref<160x128xi32, #tpu.memory_space<vmem>>, %arg7: memref<160x128xi32, #tpu.memory_space<vmem>>, %arg8: memref<128x64xf32, #tpu.memory_space<vmem>>, %arg9: memref<128x64xf32, #tpu.memory_space<vmem>>, %arg10: memref<128x64xf32, #tpu.memory_space<vmem>>, %arg11: memref<128x64xf32, #tpu.memory_space<vmem>>, %arg12: memref<80x64xf32, #tpu.memory_space<vmem>>, %arg13: memref<10128x64xf32, #tpu.memory_space<vmem_shared>>, %arg14: memref<!tpu.dma_semaphore, #tpu.memory_space<semaphore_mem>>, %arg15: memref<!tpu.dma_semaphore, #tpu.memory_space<semaphore_mem>>, %arg16: memref<!tpu.dma_semaphore, #tpu.memory_space<semaphore_mem>>, %arg17: memref<!tpu.dma_semaphore, #tpu.memory_space<semaphore_mem>>) attributes {dimension_semantics = [#tpu.dimension_semantics<core_parallel>, #tpu.dimension_semantics<subcore_parallel>], iteration_bounds = array<i64: 2, 16>, scalar_prefetch = 0 : i64, scratch_operands = 12 : i64, tpu.core_type = #tpu.core_type<sc_vector_subcore>, window_params = [{transform_indices = #map}, {transform_indices = #map1}, {transform_indices = #map1}, {transform_indices = #map}]} {
    %scan3A = arith.constant 0 : i32
    %scan3A_0 = arith.constant 0 : i32
    %scan3A_1 = arith.constant 80 : i32
    %scan3A_2 = arith.addi %scan3A_0, %scan3A_1 : i32
    %scan3A_3 = arith.constant 1 : i32
    scf.for %scan3A_57 = %scan3A_0 to %scan3A_2 step %scan3A_3  : i32 {
      %broadcast_in_dim3A = arith.constant 0.000000e+00 : f32
      %broadcast_in_dim3A_58 = vector.broadcast %broadcast_in_dim3A : f32 to vector<16xf32>
      %swap3A = arith.index_cast %scan3A_57 : i32 to index
      %swap3A_59 = arith.constant 0 : index
      %swap3A_60 = tpu.vector_load %arg12[%swap3A, %swap3A_59] {strides = array<i32>} : memref<80x64xf32, #tpu.memory_space<vmem>>, vector<1x16xf32>,
      %swap3A_61 = vector.shape_cast %swap3A_60 : vector<1x16xf32> to vector<16xf32>
      %swap3A_62 = vector.shape_cast %broadcast_in_dim3A_58 : vector<16xf32> to vector<1x16xf32>
      tpu.vector_store %arg12[%swap3A, %swap3A_59], %swap3A_62 {strides = array<i32>} : memref<80x64xf32, #tpu.memory_space<vmem>>, vector<1x16xf32>,
      %broadcast_in_dim3A_63 = arith.constant 0.000000e+00 : f32
      %broadcast_in_dim3A_64 = vector.broadcast %broadcast_in_dim3A_63 : f32 to vector<16xf32>
      %swap3A_65 = arith.index_cast %scan3A_57 : i32 to index
      %swap3A_66 = arith.constant 16 : index
      %swap3A_67 = tpu.vector_load %arg12[%swap3A_65, %swap3A_66] {strides = array<i32>} : memref<80x64xf32, #tpu.memory_space<vmem>>, vector<1x16xf32>,
      %swap3A_68 = vector.shape_cast %swap3A_67 : vector<1x16xf32> to vector<16xf32>
      %swap3A_69 = vector.shape_cast %broadcast_in_dim3A_64 : vector<16xf32> to vector<1x16xf32>
      tpu.vector_store %arg12[%swap3A_65, %swap3A_66], %swap3A_69 {strides = array<i32>} : memref<80x64xf32, #tpu.memory_space<vmem>>, vector<1x16xf32>,
      %broadcast_in_dim3A_70 = arith.constant 0.000000e+00 : f32
      %broadcast_in_dim3A_71 = vector.broadcast %broadcast_in_dim3A_70 : f32 to vector<16xf32>
      %swap3A_72 = arith.index_cast %scan3A_57 : i32 to index
      %swap3A_73 = arith.constant 32 : index
      %swap3A_74 = tpu.vector_load %arg12[%swap3A_72, %swap3A_73] {strides = array<i32>} : memref<80x64xf32, #tpu.memory_space<vmem>>, vector<1x16xf32>,
      %swap3A_75 = vector.shape_cast %swap3A_74 : vector<1x16xf32> to vector<16xf32>
      %swap3A_76 = vector.shape_cast %broadcast_in_dim3A_71 : vector<16xf32> to vector<1x16xf32>
      tpu.vector_store %arg12[%swap3A_72, %swap3A_73], %swap3A_76 {strides = array<i32>} : memref<80x64xf32, #tpu.memory_space<vmem>>, vector<1x16xf32>,
      %broadcast_in_dim3A_77 = arith.constant 0.000000e+00 : f32
      %broadcast_in_dim3A_78 = vector.broadcast %broadcast_in_dim3A_77 : f32 to vector<16xf32>
      %swap3A_79 = arith.index_cast %scan3A_57 : i32 to index
      %swap3A_80 = arith.constant 48 : index
      %swap3A_81 = tpu.vector_load %arg12[%swap3A_79, %swap3A_80] {strides = array<i32>} : memref<80x64xf32, #tpu.memory_space<vmem>>, vector<1x16xf32>,
      %swap3A_82 = vector.shape_cast %swap3A_81 : vector<1x16xf32> to vector<16xf32>
      %swap3A_83 = vector.shape_cast %broadcast_in_dim3A_78 : vector<16xf32> to vector<1x16xf32>
      tpu.vector_store %arg12[%swap3A_79, %swap3A_80], %swap3A_83 {strides = array<i32>} : memref<80x64xf32, #tpu.memory_space<vmem>>, vector<1x16xf32>,
    }
    %scan3A_4 = arith.constant 80 : i32
    %scan3A_5 = arith.constant 0 : i32
    %scan3A_6 = arith.constant 0 : i32
    %scan3A_7 = arith.constant 8 : i32
    %scan3A_8 = arith.addi %scan3A_6, %scan3A_7 : i32
    %scan3A_9 = arith.constant 1 : i32
    scf.for %scan3A_57 = %scan3A_6 to %scan3A_8 step %scan3A_9  : i32 {
      %mul3A = arith.constant 16 : i32
      %mul3A_58 = arith.muli %scan3A_57, %mul3A : i32
      %add3A = arith.addi %arg1, %mul3A_58 : i32
      %lt3A = arith.constant 125 : i32
      %lt3A_59 = arith.cmpi slt, %add3A, %lt3A : i32
      %convert_element_type3A = arith.extui %lt3A_59 : i1 to i32
      %cond3A = arith.constant 0 : i32
      %cond3A_60 = arith.cmpi ne, %convert_element_type3A, %cond3A : i32
      scf.if %cond3A_60 {
        %mul3A_61 = arith.constant 80 : i32
        %mul3A_62 = arith.muli %add3A, %mul3A_61 : i32
        "tpu.region"() ({
          %run_scoped3A = tpu.sem_alloc : memref<!tpu.dma_semaphore, #tpu.memory_space<semaphore_mem>>
          %dma_start3A_63 = arith.constant 0 : i32
          %dma_start3A_64 = tpu.memref_slice %arg13[%mul3A_62, %dma_start3A_63] : memref<10128x64xf32, #tpu.memory_space<vmem_shared>> -> memref<80x64xf32, #tpu.memory_space<vmem_shared>>
          %dma_start3A_65 = arith.constant 0 : i32
          %dma_start3A_66 = tpu.memref_slice %arg13[%mul3A_62, %dma_start3A_65] : memref<10128x64xf32, #tpu.memory_space<vmem_shared>> -> memref<80x64xf32, #tpu.memory_space<vmem_shared>>
          tpu.enqueue_dma source(%arg12 : memref<80x64xf32, #tpu.memory_space<vmem>>) target(%dma_start3A_66 : memref<80x64xf32, #tpu.memory_space<vmem_shared>>) target_semaphore(%run_scoped3A : memref<!tpu.dma_semaphore, #tpu.memory_space<semaphore_mem>>)
          %dma_wait3A = arith.constant 0 : i32
          %dma_wait3A_67 = tpu.memref_slice %arg13[%mul3A_62, %dma_wait3A] : memref<10128x64xf32, #tpu.memory_space<vmem_shared>> -> memref<80x64xf32, #tpu.memory_space<vmem_shared>>
          %dma_wait3A_68 = arith.constant 0 : i32
          %dma_wait3A_69 = tpu.memref_slice %arg13[%mul3A_62, %dma_wait3A_68] : memref<10128x64xf32, #tpu.memory_space<vmem_shared>> -> memref<80x64xf32, #tpu.memory_space<vmem_shared>>
          tpu.wait_dma2 semaphore(%run_scoped3A : memref<!tpu.dma_semaphore, #tpu.memory_space<semaphore_mem>>) src(%arg12 : memref<80x64xf32, #tpu.memory_space<vmem>>) dst(%dma_wait3A_69 : memref<80x64xf32, #tpu.memory_space<vmem_shared>>)
          tpu.yield
        }) : () -> ()
      } else {
      }
    }
    %scan3A_10 = arith.constant 8 : i32
    "tpu.region"() ({
      %run_scoped3A = tpu.sem_alloc : memref<!tpu.dma_semaphore, #tpu.memory_space<semaphore_mem>>
      %dma_start3A_57 = arith.constant 0 : i32
      %dma_start3A_58 = arith.constant 0 : i32
      %dma_start3A_59 = tpu.memref_slice %arg3[%arg1, %dma_start3A_57, %dma_start3A_58] : memref<16x160x128xi32, #tpu.memory_space<hbm>> -> memref<1x160x128xi32, #tpu.memory_space<hbm>>
      %dma_start3A_60 = tpu.memref_squeeze %dma_start3A_59 : memref<1x160x128xi32, #tpu.memory_space<hbm>> -> memref<160x128xi32, #tpu.memory_space<hbm>>
      %dma_start3A_61 = arith.constant 0 : i32
      %dma_start3A_62 = arith.constant 0 : i32
      %dma_start3A_63 = tpu.memref_slice %arg3[%arg1, %dma_start3A_61, %dma_start3A_62] : memref<16x160x128xi32, #tpu.memory_space<hbm>> -> memref<1x160x128xi32, #tpu.memory_space<hbm>>
      %dma_start3A_64 = tpu.memref_squeeze %dma_start3A_63 : memref<1x160x128xi32, #tpu.memory_space<hbm>> -> memref<160x128xi32, #tpu.memory_space<hbm>>
      tpu.enqueue_dma source(%dma_start3A_64 : memref<160x128xi32, #tpu.memory_space<hbm>>) target(%arg6 : memref<160x128xi32, #tpu.memory_space<vmem>>) target_semaphore(%run_scoped3A : memref<!tpu.dma_semaphore, #tpu.memory_space<semaphore_mem>>)
      %dma_wait3A = arith.constant 0 : i32
      %dma_wait3A_65 = arith.constant 0 : i32
      %dma_wait3A_66 = tpu.memref_slice %arg3[%arg1, %dma_wait3A, %dma_wait3A_65] : memref<16x160x128xi32, #tpu.memory_space<hbm>> -> memref<1x160x128xi32, #tpu.memory_space<hbm>>
      %dma_wait3A_67 = tpu.memref_squeeze %dma_wait3A_66 : memref<1x160x128xi32, #tpu.memory_space<hbm>> -> memref<160x128xi32, #tpu.memory_space<hbm>>
      %dma_wait3A_68 = arith.constant 0 : i32
      %dma_wait3A_69 = arith.constant 0 : i32
      %dma_wait3A_70 = tpu.memref_slice %arg3[%arg1, %dma_wait3A_68, %dma_wait3A_69] : memref<16x160x128xi32, #tpu.memory_space<hbm>> -> memref<1x160x128xi32, #tpu.memory_space<hbm>>
      %dma_wait3A_71 = tpu.memref_squeeze %dma_wait3A_70 : memref<1x160x128xi32, #tpu.memory_space<hbm>> -> memref<160x128xi32, #tpu.memory_space<hbm>>
      tpu.wait_dma2 semaphore(%run_scoped3A : memref<!tpu.dma_semaphore, #tpu.memory_space<semaphore_mem>>) src(%dma_wait3A_71 : memref<160x128xi32, #tpu.memory_space<hbm>>) dst(%arg6 : memref<160x128xi32, #tpu.memory_space<vmem>>)
      tpu.yield
    }) : () -> ()
    "tpu.region"() ({
      %run_scoped3A = tpu.sem_alloc : memref<!tpu.dma_semaphore, #tpu.memory_space<semaphore_mem>>
      %dma_start3A_57 = arith.constant 0 : i32
      %dma_start3A_58 = arith.constant 0 : i32
      %dma_start3A_59 = tpu.memref_slice %arg4[%arg1, %dma_start3A_57, %dma_start3A_58] : memref<16x160x128xi32, #tpu.memory_space<hbm>> -> memref<1x160x128xi32, #tpu.memory_space<hbm>>
      %dma_start3A_60 = tpu.memref_squeeze %dma_start3A_59 : memref<1x160x128xi32, #tpu.memory_space<hbm>> -> memref<160x128xi32, #tpu.memory_space<hbm>>
      %dma_start3A_61 = arith.constant 0 : i32
      %dma_start3A_62 = arith.constant 0 : i32
      %dma_start3A_63 = tpu.memref_slice %arg4[%arg1, %dma_start3A_61, %dma_start3A_62] : memref<16x160x128xi32, #tpu.memory_space<hbm>> -> memref<1x160x128xi32, #tpu.memory_space<hbm>>
      %dma_start3A_64 = tpu.memref_squeeze %dma_start3A_63 : memref<1x160x128xi32, #tpu.memory_space<hbm>> -> memref<160x128xi32, #tpu.memory_space<hbm>>
      tpu.enqueue_dma source(%dma_start3A_64 : memref<160x128xi32, #tpu.memory_space<hbm>>) target(%arg7 : memref<160x128xi32, #tpu.memory_space<vmem>>) target_semaphore(%run_scoped3A : memref<!tpu.dma_semaphore, #tpu.memory_space<semaphore_mem>>)
      %dma_wait3A = arith.constant 0 : i32
      %dma_wait3A_65 = arith.constant 0 : i32
      %dma_wait3A_66 = tpu.memref_slice %arg4[%arg1, %dma_wait3A, %dma_wait3A_65] : memref<16x160x128xi32, #tpu.memory_space<hbm>> -> memref<1x160x128xi32, #tpu.memory_space<hbm>>
      %dma_wait3A_67 = tpu.memref_squeeze %dma_wait3A_66 : memref<1x160x128xi32, #tpu.memory_space<hbm>> -> memref<160x128xi32, #tpu.memory_space<hbm>>
      %dma_wait3A_68 = arith.constant 0 : i32
      %dma_wait3A_69 = arith.constant 0 : i32
      %dma_wait3A_70 = tpu.memref_slice %arg4[%arg1, %dma_wait3A_68, %dma_wait3A_69] : memref<16x160x128xi32, #tpu.memory_space<hbm>> -> memref<1x160x128xi32, #tpu.memory_space<hbm>>
      %dma_wait3A_71 = tpu.memref_squeeze %dma_wait3A_70 : memref<1x160x128xi32, #tpu.memory_space<hbm>> -> memref<160x128xi32, #tpu.memory_space<hbm>>
      tpu.wait_dma2 semaphore(%run_scoped3A : memref<!tpu.dma_semaphore, #tpu.memory_space<semaphore_mem>>) src(%dma_wait3A_71 : memref<160x128xi32, #tpu.memory_space<hbm>>) dst(%arg7 : memref<160x128xi32, #tpu.memory_space<vmem>>)
      tpu.yield
    }) : () -> ()
    %scan3A_11 = arith.constant 0 : i32
    %scan3A_12 = arith.constant 0 : i32
    %scan3A_13 = arith.constant 160 : i32
    %scan3A_14 = arith.addi %scan3A_12, %scan3A_13 : i32
    %scan3A_15 = arith.constant 1 : i32
    scf.for %scan3A_57 = %scan3A_12 to %scan3A_14 step %scan3A_15  : i32 {
      %get3A = arith.index_cast %scan3A_57 : i32 to index
      %get3A_58 = arith.constant 0 : index
      %get3A_59 = tpu.vector_load %arg6[%get3A, %get3A_58] {strides = array<i32>} : memref<160x128xi32, #tpu.memory_space<vmem>>, vector<1x16xi32>,
      %get3A_60 = vector.shape_cast %get3A_59 : vector<1x16xi32> to vector<16xi32>
      %mul3A = arith.constant 2 : i32
      %mul3A_61 = vector.broadcast %mul3A : i32 to vector<16xi32>
      %mul3A_62 = arith.muli %get3A_60, %mul3A_61 : vector<16xi32>
      %add3A = vector.broadcast %arg0 : i32 to vector<16xi32>
      %add3A_63 = arith.addi %mul3A_62, %add3A : vector<16xi32>
      %swap3A = arith.index_cast %scan3A_57 : i32 to index
      %swap3A_64 = arith.constant 0 : index
      %swap3A_65 = tpu.vector_load %arg6[%swap3A, %swap3A_64] {strides = array<i32>} : memref<160x128xi32, #tpu.memory_space<vmem>>, vector<1x16xi32>,
      %swap3A_66 = vector.shape_cast %swap3A_65 : vector<1x16xi32> to vector<16xi32>
      %swap3A_67 = vector.shape_cast %add3A_63 : vector<16xi32> to vector<1x16xi32>
      tpu.vector_store %arg6[%swap3A, %swap3A_64], %swap3A_67 {strides = array<i32>} : memref<160x128xi32, #tpu.memory_space<vmem>>, vector<1x16xi32>,
      %get3A_68 = arith.index_cast %scan3A_57 : i32 to index
      %get3A_69 = arith.constant 16 : index
      %get3A_70 = tpu.vector_load %arg6[%get3A_68, %get3A_69] {strides = array<i32>} : memref<160x128xi32, #tpu.memory_space<vmem>>, vector<1x16xi32>,
      %get3A_71 = vector.shape_cast %get3A_70 : vector<1x16xi32> to vector<16xi32>
      %mul3A_72 = arith.constant 2 : i32
      %mul3A_73 = vector.broadcast %mul3A_72 : i32 to vector<16xi32>
      %mul3A_74 = arith.muli %get3A_71, %mul3A_73 : vector<16xi32>
      %add3A_75 = vector.broadcast %arg0 : i32 to vector<16xi32>
      %add3A_76 = arith.addi %mul3A_74, %add3A_75 : vector<16xi32>
      %swap3A_77 = arith.index_cast %scan3A_57 : i32 to index
      %swap3A_78 = arith.constant 16 : index
      %swap3A_79 = tpu.vector_load %arg6[%swap3A_77, %swap3A_78] {strides = array<i32>} : memref<160x128xi32, #tpu.memory_space<vmem>>, vector<1x16xi32>,
      %swap3A_80 = vector.shape_cast %swap3A_79 : vector<1x16xi32> to vector<16xi32>
      %swap3A_81 = vector.shape_cast %add3A_76 : vector<16xi32> to vector<1x16xi32>
      tpu.vector_store %arg6[%swap3A_77, %swap3A_78], %swap3A_81 {strides = array<i32>} : memref<160x128xi32, #tpu.memory_space<vmem>>, vector<1x16xi32>,
      %get3A_82 = arith.index_cast %scan3A_57 : i32 to index
      %get3A_83 = arith.constant 32 : index
      %get3A_84 = tpu.vector_load %arg6[%get3A_82, %get3A_83] {strides = array<i32>} : memref<160x128xi32, #tpu.memory_space<vmem>>, vector<1x16xi32>,
      %get3A_85 = vector.shape_cast %get3A_84 : vector<1x16xi32> to vector<16xi32>
      %mul3A_86 = arith.constant 2 : i32
      %mul3A_87 = vector.broadcast %mul3A_86 : i32 to vector<16xi32>
      %mul3A_88 = arith.muli %get3A_85, %mul3A_87 : vector<16xi32>
      %add3A_89 = vector.broadcast %arg0 : i32 to vector<16xi32>
      %add3A_90 = arith.addi %mul3A_88, %add3A_89 : vector<16xi32>
      %swap3A_91 = arith.index_cast %scan3A_57 : i32 to index
      %swap3A_92 = arith.constant 32 : index
      %swap3A_93 = tpu.vector_load %arg6[%swap3A_91, %swap3A_92] {strides = array<i32>} : memref<160x128xi32, #tpu.memory_space<vmem>>, vector<1x16xi32>,
      %swap3A_94 = vector.shape_cast %swap3A_93 : vector<1x16xi32> to vector<16xi32>
      %swap3A_95 = vector.shape_cast %add3A_90 : vector<16xi32> to vector<1x16xi32>
      tpu.vector_store %arg6[%swap3A_91, %swap3A_92], %swap3A_95 {strides = array<i32>} : memref<160x128xi32, #tpu.memory_space<vmem>>, vector<1x16xi32>,
      %get3A_96 = arith.index_cast %scan3A_57 : i32 to index
      %get3A_97 = arith.constant 48 : index
      %get3A_98 = tpu.vector_load %arg6[%get3A_96, %get3A_97] {strides = array<i32>} : memref<160x128xi32, #tpu.memory_space<vmem>>, vector<1x16xi32>,
      %get3A_99 = vector.shape_cast %get3A_98 : vector<1x16xi32> to vector<16xi32>
      %mul3A_100 = arith.constant 2 : i32
      %mul3A_101 = vector.broadcast %mul3A_100 : i32 to vector<16xi32>
      %mul3A_102 = arith.muli %get3A_99, %mul3A_101 : vector<16xi32>
      %add3A_103 = vector.broadcast %arg0 : i32 to vector<16xi32>
      %add3A_104 = arith.addi %mul3A_102, %add3A_103 : vector<16xi32>
      %swap3A_105 = arith.index_cast %scan3A_57 : i32 to index
      %swap3A_106 = arith.constant 48 : index
      %swap3A_107 = tpu.vector_load %arg6[%swap3A_105, %swap3A_106] {strides = array<i32>} : memref<160x128xi32, #tpu.memory_space<vmem>>, vector<1x16xi32>,
      %swap3A_108 = vector.shape_cast %swap3A_107 : vector<1x16xi32> to vector<16xi32>
      %swap3A_109 = vector.shape_cast %add3A_104 : vector<16xi32> to vector<1x16xi32>
      tpu.vector_store %arg6[%swap3A_105, %swap3A_106], %swap3A_109 {strides = array<i32>} : memref<160x128xi32, #tpu.memory_space<vmem>>, vector<1x16xi32>,
      %get3A_110 = arith.index_cast %scan3A_57 : i32 to index
      %get3A_111 = arith.constant 64 : index
      %get3A_112 = tpu.vector_load %arg6[%get3A_110, %get3A_111] {strides = array<i32>} : memref<160x128xi32, #tpu.memory_space<vmem>>, vector<1x16xi32>,
      %get3A_113 = vector.shape_cast %get3A_112 : vector<1x16xi32> to vector<16xi32>
      %mul3A_114 = arith.constant 2 : i32
      %mul3A_115 = vector.broadcast %mul3A_114 : i32 to vector<16xi32>
      %mul3A_116 = arith.muli %get3A_113, %mul3A_115 : vector<16xi32>
      %add3A_117 = vector.broadcast %arg0 : i32 to vector<16xi32>
      %add3A_118 = arith.addi %mul3A_116, %add3A_117 : vector<16xi32>
      %swap3A_119 = arith.index_cast %scan3A_57 : i32 to index
      %swap3A_120 = arith.constant 64 : index
      %swap3A_121 = tpu.vector_load %arg6[%swap3A_119, %swap3A_120] {strides = array<i32>} : memref<160x128xi32, #tpu.memory_space<vmem>>, vector<1x16xi32>,
      %swap3A_122 = vector.shape_cast %swap3A_121 : vector<1x16xi32> to vector<16xi32>
      %swap3A_123 = vector.shape_cast %add3A_118 : vector<16xi32> to vector<1x16xi32>
      tpu.vector_store %arg6[%swap3A_119, %swap3A_120], %swap3A_123 {strides = array<i32>} : memref<160x128xi32, #tpu.memory_space<vmem>>, vector<1x16xi32>,
      %get3A_124 = arith.index_cast %scan3A_57 : i32 to index
      %get3A_125 = arith.constant 80 : index
      %get3A_126 = tpu.vector_load %arg6[%get3A_124, %get3A_125] {strides = array<i32>} : memref<160x128xi32, #tpu.memory_space<vmem>>, vector<1x16xi32>,
      %get3A_127 = vector.shape_cast %get3A_126 : vector<1x16xi32> to vector<16xi32>
      %mul3A_128 = arith.constant 2 : i32
      %mul3A_129 = vector.broadcast %mul3A_128 : i32 to vector<16xi32>
      %mul3A_130 = arith.muli %get3A_127, %mul3A_129 : vector<16xi32>
      %add3A_131 = vector.broadcast %arg0 : i32 to vector<16xi32>
      %add3A_132 = arith.addi %mul3A_130, %add3A_131 : vector<16xi32>
      %swap3A_133 = arith.index_cast %scan3A_57 : i32 to index
      %swap3A_134 = arith.constant 80 : index
      %swap3A_135 = tpu.vector_load %arg6[%swap3A_133, %swap3A_134] {strides = array<i32>} : memref<160x128xi32, #tpu.memory_space<vmem>>, vector<1x16xi32>,
      %swap3A_136 = vector.shape_cast %swap3A_135 : vector<1x16xi32> to vector<16xi32>
      %swap3A_137 = vector.shape_cast %add3A_132 : vector<16xi32> to vector<1x16xi32>
      tpu.vector_store %arg6[%swap3A_133, %swap3A_134], %swap3A_137 {strides = array<i32>} : memref<160x128xi32, #tpu.memory_space<vmem>>, vector<1x16xi32>,
      %get3A_138 = arith.index_cast %scan3A_57 : i32 to index
      %get3A_139 = arith.constant 96 : index
      %get3A_140 = tpu.vector_load %arg6[%get3A_138, %get3A_139] {strides = array<i32>} : memref<160x128xi32, #tpu.memory_space<vmem>>, vector<1x16xi32>,
      %get3A_141 = vector.shape_cast %get3A_140 : vector<1x16xi32> to vector<16xi32>
      %mul3A_142 = arith.constant 2 : i32
      %mul3A_143 = vector.broadcast %mul3A_142 : i32 to vector<16xi32>
      %mul3A_144 = arith.muli %get3A_141, %mul3A_143 : vector<16xi32>
      %add3A_145 = vector.broadcast %arg0 : i32 to vector<16xi32>
      %add3A_146 = arith.addi %mul3A_144, %add3A_145 : vector<16xi32>
      %swap3A_147 = arith.index_cast %scan3A_57 : i32 to index
      %swap3A_148 = arith.constant 96 : index
      %swap3A_149 = tpu.vector_load %arg6[%swap3A_147, %swap3A_148] {strides = array<i32>} : memref<160x128xi32, #tpu.memory_space<vmem>>, vector<1x16xi32>,
      %swap3A_150 = vector.shape_cast %swap3A_149 : vector<1x16xi32> to vector<16xi32>
      %swap3A_151 = vector.shape_cast %add3A_146 : vector<16xi32> to vector<1x16xi32>
      tpu.vector_store %arg6[%swap3A_147, %swap3A_148], %swap3A_151 {strides = array<i32>} : memref<160x128xi32, #tpu.memory_space<vmem>>, vector<1x16xi32>,
      %get3A_152 = arith.index_cast %scan3A_57 : i32 to index
      %get3A_153 = arith.constant 112 : index
      %get3A_154 = tpu.vector_load %arg6[%get3A_152, %get3A_153] {strides = array<i32>} : memref<160x128xi32, #tpu.memory_space<vmem>>, vector<1x16xi32>,
      %get3A_155 = vector.shape_cast %get3A_154 : vector<1x16xi32> to vector<16xi32>
      %mul3A_156 = arith.constant 2 : i32
      %mul3A_157 = vector.broadcast %mul3A_156 : i32 to vector<16xi32>
      %mul3A_158 = arith.muli %get3A_155, %mul3A_157 : vector<16xi32>
      %add3A_159 = vector.broadcast %arg0 : i32 to vector<16xi32>
      %add3A_160 = arith.addi %mul3A_158, %add3A_159 : vector<16xi32>
      %swap3A_161 = arith.index_cast %scan3A_57 : i32 to index
      %swap3A_162 = arith.constant 112 : index
      %swap3A_163 = tpu.vector_load %arg6[%swap3A_161, %swap3A_162] {strides = array<i32>} : memref<160x128xi32, #tpu.memory_space<vmem>>, vector<1x16xi32>,
      %swap3A_164 = vector.shape_cast %swap3A_163 : vector<1x16xi32> to vector<16xi32>
      %swap3A_165 = vector.shape_cast %add3A_160 : vector<16xi32> to vector<1x16xi32>
      tpu.vector_store %arg6[%swap3A_161, %swap3A_162], %swap3A_165 {strides = array<i32>} : memref<160x128xi32, #tpu.memory_space<vmem>>, vector<1x16xi32>,
    }
    %scan3A_16 = arith.constant 160 : i32
    %barrier3A = arith.constant 0 : index
    tpu.barrier barrier_id(%barrier3A)
    %dma_start3A = arith.constant 0 : i32
    %dma_start3A_17 = arith.constant 0 : i32
    %dma_start3A_18 = tpu.memref_slice %arg6[%dma_start3A, %dma_start3A_17] : memref<160x128xi32, #tpu.memory_space<vmem>> -> memref<1x128xi32, #tpu.memory_space<vmem>>
    %dma_start3A_19 = tpu.memref_squeeze %dma_start3A_18 : memref<1x128xi32, #tpu.memory_space<vmem>> -> memref<128xi32, #tpu.memory_space<vmem>>
    %dma_start3A_20 = arith.constant 0 : i32
    %dma_start3A_21 = arith.constant 0 : i32
    %dma_start3A_22 = tpu.memref_slice %arg2[%dma_start3A_20, %dma_start3A_21] : memref<20000x64xf32, #tpu.memory_space<hbm>> -> memref<20000x64xf32, #tpu.memory_space<hbm>>
    tpu.enqueue_indirect_dma source(%dma_start3A_22 : memref<20000x64xf32, #tpu.memory_space<hbm>>) target(%arg8 : memref<128x64xf32, #tpu.memory_space<vmem>>) offsets(%dma_start3A_19 : memref<128xi32, #tpu.memory_space<vmem>>) semaphore(%arg14 : memref<!tpu.dma_semaphore, #tpu.memory_space<semaphore_mem>>)
    %dma_start3A_23 = arith.constant 1 : i32
    %dma_start3A_24 = arith.constant 0 : i32
    %dma_start3A_25 = tpu.memref_slice %arg6[%dma_start3A_23, %dma_start3A_24] : memref<160x128xi32, #tpu.memory_space<vmem>> -> memref<1x128xi32, #tpu.memory_space<vmem>>
    %dma_start3A_26 = tpu.memref_squeeze %dma_start3A_25 : memref<1x128xi32, #tpu.memory_space<vmem>> -> memref<128xi32, #tpu.memory_space<vmem>>
    %dma_start3A_27 = arith.constant 0 : i32
    %dma_start3A_28 = arith.constant 0 : i32
    %dma_start3A_29 = tpu.memref_slice %arg2[%dma_start3A_27, %dma_start3A_28] : memref<20000x64xf32, #tpu.memory_space<hbm>> -> memref<20000x64xf32, #tpu.memory_space<hbm>>
    tpu.enqueue_indirect_dma source(%dma_start3A_29 : memref<20000x64xf32, #tpu.memory_space<hbm>>) target(%arg9 : memref<128x64xf32, #tpu.memory_space<vmem>>) offsets(%dma_start3A_26 : memref<128xi32, #tpu.memory_space<vmem>>) semaphore(%arg15 : memref<!tpu.dma_semaphore, #tpu.memory_space<semaphore_mem>>)
    %dma_start3A_30 = arith.constant 2 : i32
    %dma_start3A_31 = arith.constant 0 : i32
    %dma_start3A_32 = tpu.memref_slice %arg6[%dma_start3A_30, %dma_start3A_31] : memref<160x128xi32, #tpu.memory_space<vmem>> -> memref<1x128xi32, #tpu.memory_space<vmem>>
    %dma_start3A_33 = tpu.memref_squeeze %dma_start3A_32 : memref<1x128xi32, #tpu.memory_space<vmem>> -> memref<128xi32, #tpu.memory_space<vmem>>
    %dma_start3A_34 = arith.constant 0 : i32
    %dma_start3A_35 = arith.constant 0 : i32
    %dma_start3A_36 = tpu.memref_slice %arg2[%dma_start3A_34, %dma_start3A_35] : memref<20000x64xf32, #tpu.memory_space<hbm>> -> memref<20000x64xf32, #tpu.memory_space<hbm>>
    tpu.enqueue_indirect_dma source(%dma_start3A_36 : memref<20000x64xf32, #tpu.memory_space<hbm>>) target(%arg10 : memref<128x64xf32, #tpu.memory_space<vmem>>) offsets(%dma_start3A_33 : memref<128xi32, #tpu.memory_space<vmem>>) semaphore(%arg16 : memref<!tpu.dma_semaphore, #tpu.memory_space<semaphore_mem>>)
    %dma_start3A_37 = arith.constant 3 : i32
    %dma_start3A_38 = arith.constant 0 : i32
    %dma_start3A_39 = tpu.memref_slice %arg6[%dma_start3A_37, %dma_start3A_38] : memref<160x128xi32, #tpu.memory_space<vmem>> -> memref<1x128xi32, #tpu.memory_space<vmem>>
    %dma_start3A_40 = tpu.memref_squeeze %dma_start3A_39 : memref<1x128xi32, #tpu.memory_space<vmem>> -> memref<128xi32, #tpu.memory_space<vmem>>
    %dma_start3A_41 = arith.constant 0 : i32
    %dma_start3A_42 = arith.constant 0 : i32
    %dma_start3A_43 = tpu.memref_slice %arg2[%dma_start3A_41, %dma_start3A_42] : memref<20000x64xf32, #tpu.memory_space<hbm>> -> memref<20000x64xf32, #tpu.memory_space<hbm>>
    tpu.enqueue_indirect_dma source(%dma_start3A_43 : memref<20000x64xf32, #tpu.memory_space<hbm>>) target(%arg11 : memref<128x64xf32, #tpu.memory_space<vmem>>) offsets(%dma_start3A_40 : memref<128xi32, #tpu.memory_space<vmem>>) semaphore(%arg17 : memref<!tpu.dma_semaphore, #tpu.memory_space<semaphore_mem>>)
    %scan3A_44 = arith.constant 0 : i32
    %scan3A_45 = arith.constant 0 : i32
    %scan3A_46 = arith.constant 40 : i32
    %scan3A_47 = arith.addi %scan3A_45, %scan3A_46 : i32
    %scan3A_48 = arith.constant 1 : i32
    scf.for %scan3A_57 = %scan3A_45 to %scan3A_47 step %scan3A_48  : i32 {
      %mul3A = arith.constant 4 : i32
      %mul3A_58 = arith.muli %scan3A_57, %mul3A : i32
      %add3A = arith.constant 0 : i32
      %add3A_59 = arith.addi %mul3A_58, %add3A : i32
      %dma_wait3A = arith.constant 0 : i32
      %dma_wait3A_60 = tpu.memref_slice %arg6[%add3A_59, %dma_wait3A] : memref<160x128xi32, #tpu.memory_space<vmem>> -> memref<1x128xi32, #tpu.memory_space<vmem>>
      %dma_wait3A_61 = tpu.memref_squeeze %dma_wait3A_60 : memref<1x128xi32, #tpu.memory_space<vmem>> -> memref<128xi32, #tpu.memory_space<vmem>>
      %dma_wait3A_62 = arith.constant 0 : i32
      %dma_wait3A_63 = arith.constant 0 : i32
      %dma_wait3A_64 = tpu.memref_slice %arg2[%dma_wait3A_62, %dma_wait3A_63] : memref<20000x64xf32, #tpu.memory_space<hbm>> -> memref<20000x64xf32, #tpu.memory_space<hbm>>
      tpu.wait_indirect_dma semaphore(%arg14 : memref<!tpu.dma_semaphore, #tpu.memory_space<semaphore_mem>>) src(%dma_wait3A_64 : memref<20000x64xf32, #tpu.memory_space<hbm>>) dst(%arg8 : memref<128x64xf32, #tpu.memory_space<vmem>>)
      "tpu.region"() ({
        %run_scoped3A = tpu.sem_alloc : memref<!tpu.dma_semaphore, #tpu.memory_space<semaphore_mem>>
        %dma_start3A_114 = arith.constant 0 : i32
        %dma_start3A_115 = tpu.memref_slice %arg7[%add3A_59, %dma_start3A_114] : memref<160x128xi32, #tpu.memory_space<vmem>> -> memref<1x128xi32, #tpu.memory_space<vmem>>
        %dma_start3A_116 = tpu.memref_squeeze %dma_start3A_115 : memref<1x128xi32, #tpu.memory_space<vmem>> -> memref<128xi32, #tpu.memory_space<vmem>>
        %dma_start3A_117 = arith.constant 0 : i32
        %dma_start3A_118 = arith.constant 0 : i32
        %dma_start3A_119 = tpu.memref_slice %arg13[%dma_start3A_117, %dma_start3A_118] : memref<10128x64xf32, #tpu.memory_space<vmem_shared>> -> memref<10128x64xf32, #tpu.memory_space<vmem_shared>>
        tpu.enqueue_indirect_dma source(%arg8 : memref<128x64xf32, #tpu.memory_space<vmem>>) target(%dma_start3A_119 : memref<10128x64xf32, #tpu.memory_space<vmem_shared>>) offsets(%dma_start3A_116 : memref<128xi32, #tpu.memory_space<vmem>>) semaphore(%run_scoped3A : memref<!tpu.dma_semaphore, #tpu.memory_space<semaphore_mem>>) {add = true}
        %dma_wait3A_120 = arith.constant 0 : i32
        %dma_wait3A_121 = tpu.memref_slice %arg7[%add3A_59, %dma_wait3A_120] : memref<160x128xi32, #tpu.memory_space<vmem>> -> memref<1x128xi32, #tpu.memory_space<vmem>>
        %dma_wait3A_122 = tpu.memref_squeeze %dma_wait3A_121 : memref<1x128xi32, #tpu.memory_space<vmem>> -> memref<128xi32, #tpu.memory_space<vmem>>
        %dma_wait3A_123 = arith.constant 0 : i32
        %dma_wait3A_124 = arith.constant 0 : i32
        %dma_wait3A_125 = tpu.memref_slice %arg13[%dma_wait3A_123, %dma_wait3A_124] : memref<10128x64xf32, #tpu.memory_space<vmem_shared>> -> memref<10128x64xf32, #tpu.memory_space<vmem_shared>>
        tpu.wait_indirect_dma semaphore(%run_scoped3A : memref<!tpu.dma_semaphore, #tpu.memory_space<semaphore_mem>>) src(%arg8 : memref<128x64xf32, #tpu.memory_space<vmem>>) dst(%dma_wait3A_125 : memref<10128x64xf32, #tpu.memory_space<vmem_shared>>)
        tpu.yield
      }) : () -> ()
      %add3A_65 = arith.constant 4 : i32
      %add3A_66 = arith.addi %add3A_59, %add3A_65 : i32
      %lt3A = arith.constant 160 : i32
      %lt3A_67 = arith.cmpi slt, %add3A_66, %lt3A : i32
      %convert_element_type3A = arith.extui %lt3A_67 : i1 to i32
      %cond3A = arith.constant 0 : i32
      %cond3A_68 = arith.cmpi ne, %convert_element_type3A, %cond3A : i32
      scf.if %cond3A_68 {
        %add3A_114 = arith.constant 4 : i32
        %add3A_115 = arith.addi %add3A_59, %add3A_114 : i32
        %dma_start3A_116 = arith.constant 0 : i32
        %dma_start3A_117 = tpu.memref_slice %arg6[%add3A_115, %dma_start3A_116] : memref<160x128xi32, #tpu.memory_space<vmem>> -> memref<1x128xi32, #tpu.memory_space<vmem>>
        %dma_start3A_118 = tpu.memref_squeeze %dma_start3A_117 : memref<1x128xi32, #tpu.memory_space<vmem>> -> memref<128xi32, #tpu.memory_space<vmem>>
        %dma_start3A_119 = arith.constant 0 : i32
        %dma_start3A_120 = arith.constant 0 : i32
        %dma_start3A_121 = tpu.memref_slice %arg2[%dma_start3A_119, %dma_start3A_120] : memref<20000x64xf32, #tpu.memory_space<hbm>> -> memref<20000x64xf32, #tpu.memory_space<hbm>>
        tpu.enqueue_indirect_dma source(%dma_start3A_121 : memref<20000x64xf32, #tpu.memory_space<hbm>>) target(%arg8 : memref<128x64xf32, #tpu.memory_space<vmem>>) offsets(%dma_start3A_118 : memref<128xi32, #tpu.memory_space<vmem>>) semaphore(%arg14 : memref<!tpu.dma_semaphore, #tpu.memory_space<semaphore_mem>>)
      } else {
      }
      %add3A_69 = arith.constant 1 : i32
      %add3A_70 = arith.addi %mul3A_58, %add3A_69 : i32
      %dma_wait3A_71 = arith.constant 0 : i32
      %dma_wait3A_72 = tpu.memref_slice %arg6[%add3A_70, %dma_wait3A_71] : memref<160x128xi32, #tpu.memory_space<vmem>> -> memref<1x128xi32, #tpu.memory_space<vmem>>
      %dma_wait3A_73 = tpu.memref_squeeze %dma_wait3A_72 : memref<1x128xi32, #tpu.memory_space<vmem>> -> memref<128xi32, #tpu.memory_space<vmem>>
      %dma_wait3A_74 = arith.constant 0 : i32
      %dma_wait3A_75 = arith.constant 0 : i32
      %dma_wait3A_76 = tpu.memref_slice %arg2[%dma_wait3A_74, %dma_wait3A_75] : memref<20000x64xf32, #tpu.memory_space<hbm>> -> memref<20000x64xf32, #tpu.memory_space<hbm>>
      tpu.wait_indirect_dma semaphore(%arg15 : memref<!tpu.dma_semaphore, #tpu.memory_space<semaphore_mem>>) src(%dma_wait3A_76 : memref<20000x64xf32, #tpu.memory_space<hbm>>) dst(%arg9 : memref<128x64xf32, #tpu.memory_space<vmem>>)
      "tpu.region"() ({
        %run_scoped3A = tpu.sem_alloc : memref<!tpu.dma_semaphore, #tpu.memory_space<semaphore_mem>>
        %dma_start3A_114 = arith.constant 0 : i32
        %dma_start3A_115 = tpu.memref_slice %arg7[%add3A_70, %dma_start3A_114] : memref<160x128xi32, #tpu.memory_space<vmem>> -> memref<1x128xi32, #tpu.memory_space<vmem>>
        %dma_start3A_116 = tpu.memref_squeeze %dma_start3A_115 : memref<1x128xi32, #tpu.memory_space<vmem>> -> memref<128xi32, #tpu.memory_space<vmem>>
        %dma_start3A_117 = arith.constant 0 : i32
        %dma_start3A_118 = arith.constant 0 : i32
        %dma_start3A_119 = tpu.memref_slice %arg13[%dma_start3A_117, %dma_start3A_118] : memref<10128x64xf32, #tpu.memory_space<vmem_shared>> -> memref<10128x64xf32, #tpu.memory_space<vmem_shared>>
        tpu.enqueue_indirect_dma source(%arg9 : memref<128x64xf32, #tpu.memory_space<vmem>>) target(%dma_start3A_119 : memref<10128x64xf32, #tpu.memory_space<vmem_shared>>) offsets(%dma_start3A_116 : memref<128xi32, #tpu.memory_space<vmem>>) semaphore(%run_scoped3A : memref<!tpu.dma_semaphore, #tpu.memory_space<semaphore_mem>>) {add = true}
        %dma_wait3A_120 = arith.constant 0 : i32
        %dma_wait3A_121 = tpu.memref_slice %arg7[%add3A_70, %dma_wait3A_120] : memref<160x128xi32, #tpu.memory_space<vmem>> -> memref<1x128xi32, #tpu.memory_space<vmem>>
        %dma_wait3A_122 = tpu.memref_squeeze %dma_wait3A_121 : memref<1x128xi32, #tpu.memory_space<vmem>> -> memref<128xi32, #tpu.memory_space<vmem>>
        %dma_wait3A_123 = arith.constant 0 : i32
        %dma_wait3A_124 = arith.constant 0 : i32
        %dma_wait3A_125 = tpu.memref_slice %arg13[%dma_wait3A_123, %dma_wait3A_124] : memref<10128x64xf32, #tpu.memory_space<vmem_shared>> -> memref<10128x64xf32, #tpu.memory_space<vmem_shared>>
        tpu.wait_indirect_dma semaphore(%run_scoped3A : memref<!tpu.dma_semaphore, #tpu.memory_space<semaphore_mem>>) src(%arg9 : memref<128x64xf32, #tpu.memory_space<vmem>>) dst(%dma_wait3A_125 : memref<10128x64xf32, #tpu.memory_space<vmem_shared>>)
        tpu.yield
      }) : () -> ()
      %add3A_77 = arith.constant 4 : i32
      %add3A_78 = arith.addi %add3A_70, %add3A_77 : i32
      %lt3A_79 = arith.constant 160 : i32
      %lt3A_80 = arith.cmpi slt, %add3A_78, %lt3A_79 : i32
      %convert_element_type3A_81 = arith.extui %lt3A_80 : i1 to i32
      %cond3A_82 = arith.constant 0 : i32
      %cond3A_83 = arith.cmpi ne, %convert_element_type3A_81, %cond3A_82 : i32
      scf.if %cond3A_83 {
        %add3A_114 = arith.constant 4 : i32
        %add3A_115 = arith.addi %add3A_70, %add3A_114 : i32
        %dma_start3A_116 = arith.constant 0 : i32
        %dma_start3A_117 = tpu.memref_slice %arg6[%add3A_115, %dma_start3A_116] : memref<160x128xi32, #tpu.memory_space<vmem>> -> memref<1x128xi32, #tpu.memory_space<vmem>>
        %dma_start3A_118 = tpu.memref_squeeze %dma_start3A_117 : memref<1x128xi32, #tpu.memory_space<vmem>> -> memref<128xi32, #tpu.memory_space<vmem>>
        %dma_start3A_119 = arith.constant 0 : i32
        %dma_start3A_120 = arith.constant 0 : i32
        %dma_start3A_121 = tpu.memref_slice %arg2[%dma_start3A_119, %dma_start3A_120] : memref<20000x64xf32, #tpu.memory_space<hbm>> -> memref<20000x64xf32, #tpu.memory_space<hbm>>
        tpu.enqueue_indirect_dma source(%dma_start3A_121 : memref<20000x64xf32, #tpu.memory_space<hbm>>) target(%arg9 : memref<128x64xf32, #tpu.memory_space<vmem>>) offsets(%dma_start3A_118 : memref<128xi32, #tpu.memory_space<vmem>>) semaphore(%arg15 : memref<!tpu.dma_semaphore, #tpu.memory_space<semaphore_mem>>)
      } else {
      }
      %add3A_84 = arith.constant 2 : i32
      %add3A_85 = arith.addi %mul3A_58, %add3A_84 : i32
      %dma_wait3A_86 = arith.constant 0 : i32
      %dma_wait3A_87 = tpu.memref_slice %arg6[%add3A_85, %dma_wait3A_86] : memref<160x128xi32, #tpu.memory_space<vmem>> -> memref<1x128xi32, #tpu.memory_space<vmem>>
      %dma_wait3A_88 = tpu.memref_squeeze %dma_wait3A_87 : memref<1x128xi32, #tpu.memory_space<vmem>> -> memref<128xi32, #tpu.memory_space<vmem>>
      %dma_wait3A_89 = arith.constant 0 : i32
      %dma_wait3A_90 = arith.constant 0 : i32
      %dma_wait3A_91 = tpu.memref_slice %arg2[%dma_wait3A_89, %dma_wait3A_90] : memref<20000x64xf32, #tpu.memory_space<hbm>> -> memref<20000x64xf32, #tpu.memory_space<hbm>>
      tpu.wait_indirect_dma semaphore(%arg16 : memref<!tpu.dma_semaphore, #tpu.memory_space<semaphore_mem>>) src(%dma_wait3A_91 : memref<20000x64xf32, #tpu.memory_space<hbm>>) dst(%arg10 : memref<128x64xf32, #tpu.memory_space<vmem>>)
      "tpu.region"() ({
        %run_scoped3A = tpu.sem_alloc : memref<!tpu.dma_semaphore, #tpu.memory_space<semaphore_mem>>
        %dma_start3A_114 = arith.constant 0 : i32
        %dma_start3A_115 = tpu.memref_slice %arg7[%add3A_85, %dma_start3A_114] : memref<160x128xi32, #tpu.memory_space<vmem>> -> memref<1x128xi32, #tpu.memory_space<vmem>>
        %dma_start3A_116 = tpu.memref_squeeze %dma_start3A_115 : memref<1x128xi32, #tpu.memory_space<vmem>> -> memref<128xi32, #tpu.memory_space<vmem>>
        %dma_start3A_117 = arith.constant 0 : i32
        %dma_start3A_118 = arith.constant 0 : i32
        %dma_start3A_119 = tpu.memref_slice %arg13[%dma_start3A_117, %dma_start3A_118] : memref<10128x64xf32, #tpu.memory_space<vmem_shared>> -> memref<10128x64xf32, #tpu.memory_space<vmem_shared>>
        tpu.enqueue_indirect_dma source(%arg10 : memref<128x64xf32, #tpu.memory_space<vmem>>) target(%dma_start3A_119 : memref<10128x64xf32, #tpu.memory_space<vmem_shared>>) offsets(%dma_start3A_116 : memref<128xi32, #tpu.memory_space<vmem>>) semaphore(%run_scoped3A : memref<!tpu.dma_semaphore, #tpu.memory_space<semaphore_mem>>) {add = true}
        %dma_wait3A_120 = arith.constant 0 : i32
        %dma_wait3A_121 = tpu.memref_slice %arg7[%add3A_85, %dma_wait3A_120] : memref<160x128xi32, #tpu.memory_space<vmem>> -> memref<1x128xi32, #tpu.memory_space<vmem>>
        %dma_wait3A_122 = tpu.memref_squeeze %dma_wait3A_121 : memref<1x128xi32, #tpu.memory_space<vmem>> -> memref<128xi32, #tpu.memory_space<vmem>>
        %dma_wait3A_123 = arith.constant 0 : i32
        %dma_wait3A_124 = arith.constant 0 : i32
        %dma_wait3A_125 = tpu.memref_slice %arg13[%dma_wait3A_123, %dma_wait3A_124] : memref<10128x64xf32, #tpu.memory_space<vmem_shared>> -> memref<10128x64xf32, #tpu.memory_space<vmem_shared>>
        tpu.wait_indirect_dma semaphore(%run_scoped3A : memref<!tpu.dma_semaphore, #tpu.memory_space<semaphore_mem>>) src(%arg10 : memref<128x64xf32, #tpu.memory_space<vmem>>) dst(%dma_wait3A_125 : memref<10128x64xf32, #tpu.memory_space<vmem_shared>>)
        tpu.yield
      }) : () -> ()
      %add3A_92 = arith.constant 4 : i32
      %add3A_93 = arith.addi %add3A_85, %add3A_92 : i32
      %lt3A_94 = arith.constant 160 : i32
      %lt3A_95 = arith.cmpi slt, %add3A_93, %lt3A_94 : i32
      %convert_element_type3A_96 = arith.extui %lt3A_95 : i1 to i32
      %cond3A_97 = arith.constant 0 : i32
      %cond3A_98 = arith.cmpi ne, %convert_element_type3A_96, %cond3A_97 : i32
      scf.if %cond3A_98 {
        %add3A_114 = arith.constant 4 : i32
        %add3A_115 = arith.addi %add3A_85, %add3A_114 : i32
        %dma_start3A_116 = arith.constant 0 : i32
        %dma_start3A_117 = tpu.memref_slice %arg6[%add3A_115, %dma_start3A_116] : memref<160x128xi32, #tpu.memory_space<vmem>> -> memref<1x128xi32, #tpu.memory_space<vmem>>
        %dma_start3A_118 = tpu.memref_squeeze %dma_start3A_117 : memref<1x128xi32, #tpu.memory_space<vmem>> -> memref<128xi32, #tpu.memory_space<vmem>>
        %dma_start3A_119 = arith.constant 0 : i32
        %dma_start3A_120 = arith.constant 0 : i32
        %dma_start3A_121 = tpu.memref_slice %arg2[%dma_start3A_119, %dma_start3A_120] : memref<20000x64xf32, #tpu.memory_space<hbm>> -> memref<20000x64xf32, #tpu.memory_space<hbm>>
        tpu.enqueue_indirect_dma source(%dma_start3A_121 : memref<20000x64xf32, #tpu.memory_space<hbm>>) target(%arg10 : memref<128x64xf32, #tpu.memory_space<vmem>>) offsets(%dma_start3A_118 : memref<128xi32, #tpu.memory_space<vmem>>) semaphore(%arg16 : memref<!tpu.dma_semaphore, #tpu.memory_space<semaphore_mem>>)
      } else {
      }
      %add3A_99 = arith.constant 3 : i32
      %add3A_100 = arith.addi %mul3A_58, %add3A_99 : i32
      %dma_wait3A_101 = arith.constant 0 : i32
      %dma_wait3A_102 = tpu.memref_slice %arg6[%add3A_100, %dma_wait3A_101] : memref<160x128xi32, #tpu.memory_space<vmem>> -> memref<1x128xi32, #tpu.memory_space<vmem>>
      %dma_wait3A_103 = tpu.memref_squeeze %dma_wait3A_102 : memref<1x128xi32, #tpu.memory_space<vmem>> -> memref<128xi32, #tpu.memory_space<vmem>>
      %dma_wait3A_104 = arith.constant 0 : i32
      %dma_wait3A_105 = arith.constant 0 : i32
      %dma_wait3A_106 = tpu.memref_slice %arg2[%dma_wait3A_104, %dma_wait3A_105] : memref<20000x64xf32, #tpu.memory_space<hbm>> -> memref<20000x64xf32, #tpu.memory_space<hbm>>
      tpu.wait_indirect_dma semaphore(%arg17 : memref<!tpu.dma_semaphore, #tpu.memory_space<semaphore_mem>>) src(%dma_wait3A_106 : memref<20000x64xf32, #tpu.memory_space<hbm>>) dst(%arg11 : memref<128x64xf32, #tpu.memory_space<vmem>>)
      "tpu.region"() ({
        %run_scoped3A = tpu.sem_alloc : memref<!tpu.dma_semaphore, #tpu.memory_space<semaphore_mem>>
        %dma_start3A_114 = arith.constant 0 : i32
        %dma_start3A_115 = tpu.memref_slice %arg7[%add3A_100, %dma_start3A_114] : memref<160x128xi32, #tpu.memory_space<vmem>> -> memref<1x128xi32, #tpu.memory_space<vmem>>
        %dma_start3A_116 = tpu.memref_squeeze %dma_start3A_115 : memref<1x128xi32, #tpu.memory_space<vmem>> -> memref<128xi32, #tpu.memory_space<vmem>>
        %dma_start3A_117 = arith.constant 0 : i32
        %dma_start3A_118 = arith.constant 0 : i32
        %dma_start3A_119 = tpu.memref_slice %arg13[%dma_start3A_117, %dma_start3A_118] : memref<10128x64xf32, #tpu.memory_space<vmem_shared>> -> memref<10128x64xf32, #tpu.memory_space<vmem_shared>>
        tpu.enqueue_indirect_dma source(%arg11 : memref<128x64xf32, #tpu.memory_space<vmem>>) target(%dma_start3A_119 : memref<10128x64xf32, #tpu.memory_space<vmem_shared>>) offsets(%dma_start3A_116 : memref<128xi32, #tpu.memory_space<vmem>>) semaphore(%run_scoped3A : memref<!tpu.dma_semaphore, #tpu.memory_space<semaphore_mem>>) {add = true}
        %dma_wait3A_120 = arith.constant 0 : i32
        %dma_wait3A_121 = tpu.memref_slice %arg7[%add3A_100, %dma_wait3A_120] : memref<160x128xi32, #tpu.memory_space<vmem>> -> memref<1x128xi32, #tpu.memory_space<vmem>>
        %dma_wait3A_122 = tpu.memref_squeeze %dma_wait3A_121 : memref<1x128xi32, #tpu.memory_space<vmem>> -> memref<128xi32, #tpu.memory_space<vmem>>
        %dma_wait3A_123 = arith.constant 0 : i32
        %dma_wait3A_124 = arith.constant 0 : i32
        %dma_wait3A_125 = tpu.memref_slice %arg13[%dma_wait3A_123, %dma_wait3A_124] : memref<10128x64xf32, #tpu.memory_space<vmem_shared>> -> memref<10128x64xf32, #tpu.memory_space<vmem_shared>>
        tpu.wait_indirect_dma semaphore(%run_scoped3A : memref<!tpu.dma_semaphore, #tpu.memory_space<semaphore_mem>>) src(%arg11 : memref<128x64xf32, #tpu.memory_space<vmem>>) dst(%dma_wait3A_125 : memref<10128x64xf32, #tpu.memory_space<vmem_shared>>)
        tpu.yield
      }) : () -> ()
      %add3A_107 = arith.constant 4 : i32
      %add3A_108 = arith.addi %add3A_100, %add3A_107 : i32
      %lt3A_109 = arith.constant 160 : i32
      %lt3A_110 = arith.cmpi slt, %add3A_108, %lt3A_109 : i32
      %convert_element_type3A_111 = arith.extui %lt3A_110 : i1 to i32
      %cond3A_112 = arith.constant 0 : i32
      %cond3A_113 = arith.cmpi ne, %convert_element_type3A_111, %cond3A_112 : i32
      scf.if %cond3A_113 {
        %add3A_114 = arith.constant 4 : i32
        %add3A_115 = arith.addi %add3A_100, %add3A_114 : i32
        %dma_start3A_116 = arith.constant 0 : i32
        %dma_start3A_117 = tpu.memref_slice %arg6[%add3A_115, %dma_start3A_116] : memref<160x128xi32, #tpu.memory_space<vmem>> -> memref<1x128xi32, #tpu.memory_space<vmem>>
        %dma_start3A_118 = tpu.memref_squeeze %dma_start3A_117 : memref<1x128xi32, #tpu.memory_space<vmem>> -> memref<128xi32, #tpu.memory_space<vmem>>
        %dma_start3A_119 = arith.constant 0 : i32
        %dma_start3A_120 = arith.constant 0 : i32
        %dma_start3A_121 = tpu.memref_slice %arg2[%dma_start3A_119, %dma_start3A_120] : memref<20000x64xf32, #tpu.memory_space<hbm>> -> memref<20000x64xf32, #tpu.memory_space<hbm>>
        tpu.enqueue_indirect_dma source(%dma_start3A_121 : memref<20000x64xf32, #tpu.memory_space<hbm>>) target(%arg11 : memref<128x64xf32, #tpu.memory_space<vmem>>) offsets(%dma_start3A_118 : memref<128xi32, #tpu.memory_space<vmem>>) semaphore(%arg17 : memref<!tpu.dma_semaphore, #tpu.memory_space<semaphore_mem>>)
      } else {
      }
    }
    %scan3A_49 = arith.constant 40 : i32
    %barrier3A_50 = arith.constant 0 : index
    tpu.barrier barrier_id(%barrier3A_50)
    %scan3A_51 = arith.constant 0 : i32
    %scan3A_52 = arith.constant 0 : i32
    %scan3A_53 = arith.constant 8 : i32
    %scan3A_54 = arith.addi %scan3A_52, %scan3A_53 : i32
    %scan3A_55 = arith.constant 1 : i32
    scf.for %scan3A_57 = %scan3A_52 to %scan3A_54 step %scan3A_55  : i32 {
      %mul3A = arith.constant 16 : i32
      %mul3A_58 = arith.muli %scan3A_57, %mul3A : i32
      %add3A = arith.addi %arg1, %mul3A_58 : i32
      %lt3A = arith.constant 125 : i32
      %lt3A_59 = arith.cmpi slt, %add3A, %lt3A : i32
      %convert_element_type3A = arith.extui %lt3A_59 : i1 to i32
      %cond3A = arith.constant 0 : i32
      %cond3A_60 = arith.cmpi ne, %convert_element_type3A, %cond3A : i32
      scf.if %cond3A_60 {
        %mul3A_61 = arith.constant 80 : i32
        %mul3A_62 = arith.muli %add3A, %mul3A_61 : i32
        %mul3A_63 = arith.constant 80 : i32
        %mul3A_64 = arith.muli %add3A, %mul3A_63 : i32
        %mul3A_65 = arith.constant 64 : i32
        %mul3A_66 = arith.muli %arg0, %mul3A_65 : i32
        "tpu.region"() ({
          %run_scoped3A = tpu.sem_alloc : memref<!tpu.dma_semaphore, #tpu.memory_space<semaphore_mem>>
          %dma_start3A_67 = tpu.memref_slice %arg5[%mul3A_64, %mul3A_66] : memref<10000x128xf32, #tpu.memory_space<hbm>> -> memref<80x64xf32, #tpu.memory_space<hbm>>
          %dma_start3A_68 = arith.constant 0 : i32
          %dma_start3A_69 = tpu.memref_slice %arg13[%mul3A_62, %dma_start3A_68] : memref<10128x64xf32, #tpu.memory_space<vmem_shared>> -> memref<80x64xf32, #tpu.memory_space<vmem_shared>>
          tpu.enqueue_dma source(%dma_start3A_69 : memref<80x64xf32, #tpu.memory_space<vmem_shared>>) target(%dma_start3A_67 : memref<80x64xf32, #tpu.memory_space<hbm>>) target_semaphore(%run_scoped3A : memref<!tpu.dma_semaphore, #tpu.memory_space<semaphore_mem>>)
          %dma_wait3A = tpu.memref_slice %arg5[%mul3A_64, %mul3A_66] : memref<10000x128xf32, #tpu.memory_space<hbm>> -> memref<80x64xf32, #tpu.memory_space<hbm>>
          %dma_wait3A_70 = arith.constant 0 : i32
          %dma_wait3A_71 = tpu.memref_slice %arg13[%mul3A_62, %dma_wait3A_70] : memref<10128x64xf32, #tpu.memory_space<vmem_shared>> -> memref<80x64xf32, #tpu.memory_space<vmem_shared>>
          tpu.wait_dma2 semaphore(%run_scoped3A : memref<!tpu.dma_semaphore, #tpu.memory_space<semaphore_mem>>) src(%dma_wait3A_71 : memref<80x64xf32, #tpu.memory_space<vmem_shared>>) dst(%dma_wait3A : memref<80x64xf32, #tpu.memory_space<hbm>>)
          tpu.yield
        }) : () -> ()
      } else {
      }
    }
    %scan3A_56 = arith.constant 8 : i32
    return
  }
}

#map = affine_map<(d0, d1) -> (0, 0)>
#map1 = affine_map<(d0, d1) -> (0, 0, 0)>
module attributes {stable_mosaic.version = 14 : i64} {
  func.func @_sc_edge_k_body(%arg0: i32, %arg1: i32, %arg2: memref<10000x16xf32, #tpu.memory_space<hbm>>, %arg3: memref<32x80x128xi32, #tpu.memory_space<hbm>>, %arg4: memref<32x80x128xi32, #tpu.memory_space<hbm>>, %arg5: memref<2x10000x128xf32, #tpu.memory_space<hbm>>, %arg6: memref<80x128xi32, #tpu.memory_space<vmem>>, %arg7: memref<80x128xi32, #tpu.memory_space<vmem>>, %arg8: memref<128x16xf32, #tpu.memory_space<vmem>>, %arg9: memref<128x16xf32, #tpu.memory_space<vmem>>, %arg10: memref<128x16xf32, #tpu.memory_space<vmem>>, %arg11: memref<128x16xf32, #tpu.memory_space<vmem>>, %arg12: memref<128x16xf32, #tpu.memory_space<vmem>>, %arg13: memref<128x16xf32, #tpu.memory_space<vmem>>, %arg14: memref<128x16xf32, #tpu.memory_space<vmem>>, %arg15: memref<128x16xf32, #tpu.memory_space<vmem>>, %arg16: memref<80x16xf32, #tpu.memory_space<vmem>>, %arg17: memref<10128x16xf32, #tpu.memory_space<vmem_shared>>, %arg18: memref<!tpu.dma_semaphore, #tpu.memory_space<semaphore_mem>>, %arg19: memref<!tpu.dma_semaphore, #tpu.memory_space<semaphore_mem>>, %arg20: memref<!tpu.dma_semaphore, #tpu.memory_space<semaphore_mem>>, %arg21: memref<!tpu.dma_semaphore, #tpu.memory_space<semaphore_mem>>, %arg22: memref<!tpu.dma_semaphore, #tpu.memory_space<semaphore_mem>>, %arg23: memref<!tpu.dma_semaphore, #tpu.memory_space<semaphore_mem>>, %arg24: memref<!tpu.dma_semaphore, #tpu.memory_space<semaphore_mem>>, %arg25: memref<!tpu.dma_semaphore, #tpu.memory_space<semaphore_mem>>, %arg26: memref<!tpu.dma_semaphore, #tpu.memory_space<semaphore_mem>>) attributes {dimension_semantics = [#tpu.dimension_semantics<core_parallel>, #tpu.dimension_semantics<subcore_parallel>], iteration_bounds = array<i64: 2, 16>, scalar_prefetch = 0 : i64, scratch_operands = 21 : i64, tpu.core_type = #tpu.core_type<sc_vector_subcore>, window_params = [{transform_indices = #map}, {transform_indices = #map1}, {transform_indices = #map1}, {transform_indices = #map1}]} {
    %mul3A = arith.constant 2 : i32
    %mul3A_0 = arith.muli %arg1, %mul3A : i32
    %add3A = arith.addi %mul3A_0, %arg0 : i32
    %scan3A = arith.constant 0 : i32
    %scan3A_1 = arith.constant 0 : i32
    %scan3A_2 = arith.constant 80 : i32
    %scan3A_3 = arith.addi %scan3A_1, %scan3A_2 : i32
    %scan3A_4 = arith.constant 1 : i32
    scf.for %scan3A_25 = %scan3A_1 to %scan3A_3 step %scan3A_4  : i32 {
      %broadcast_in_dim3A = arith.constant 0.000000e+00 : f32
      %broadcast_in_dim3A_26 = vector.broadcast %broadcast_in_dim3A : f32 to vector<16xf32>
      %swap3A = arith.index_cast %scan3A_25 : i32 to index
      %swap3A_27 = arith.constant 0 : index
      %swap3A_28 = tpu.vector_load %arg16[%swap3A, %swap3A_27] {strides = array<i32>} : memref<80x16xf32, #tpu.memory_space<vmem>>, vector<1x16xf32>,
      %swap3A_29 = vector.shape_cast %swap3A_28 : vector<1x16xf32> to vector<16xf32>
      %swap3A_30 = vector.shape_cast %broadcast_in_dim3A_26 : vector<16xf32> to vector<1x16xf32>
      tpu.vector_store %arg16[%swap3A, %swap3A_27], %swap3A_30 {strides = array<i32>} : memref<80x16xf32, #tpu.memory_space<vmem>>, vector<1x16xf32>,
    }
    %scan3A_5 = arith.constant 80 : i32
    %scan3A_6 = arith.constant 0 : i32
    %scan3A_7 = arith.constant 0 : i32
    %scan3A_8 = arith.constant 8 : i32
    %scan3A_9 = arith.addi %scan3A_7, %scan3A_8 : i32
    %scan3A_10 = arith.constant 1 : i32
    scf.for %scan3A_25 = %scan3A_7 to %scan3A_9 step %scan3A_10  : i32 {
      %mul3A_26 = arith.constant 16 : i32
      %mul3A_27 = arith.muli %scan3A_25, %mul3A_26 : i32
      %add3A_28 = arith.addi %arg1, %mul3A_27 : i32
      %lt3A = arith.constant 125 : i32
      %lt3A_29 = arith.cmpi slt, %add3A_28, %lt3A : i32
      %convert_element_type3A = arith.extui %lt3A_29 : i1 to i32
      %cond3A = arith.constant 0 : i32
      %cond3A_30 = arith.cmpi ne, %convert_element_type3A, %cond3A : i32
      scf.if %cond3A_30 {
        %mul3A_31 = arith.constant 80 : i32
        %mul3A_32 = arith.muli %add3A_28, %mul3A_31 : i32
        "tpu.region"() ({
          %run_scoped3A = tpu.sem_alloc : memref<!tpu.dma_semaphore, #tpu.memory_space<semaphore_mem>>
          %dma_start3A = arith.constant 0 : i32
          %dma_start3A_33 = tpu.memref_slice %arg17[%mul3A_32, %dma_start3A] : memref<10128x16xf32, #tpu.memory_space<vmem_shared>> -> memref<80x16xf32, #tpu.memory_space<vmem_shared>>
          %dma_start3A_34 = arith.constant 0 : i32
          %dma_start3A_35 = tpu.memref_slice %arg17[%mul3A_32, %dma_start3A_34] : memref<10128x16xf32, #tpu.memory_space<vmem_shared>> -> memref<80x16xf32, #tpu.memory_space<vmem_shared>>
          tpu.enqueue_dma source(%arg16 : memref<80x16xf32, #tpu.memory_space<vmem>>) target(%dma_start3A_35 : memref<80x16xf32, #tpu.memory_space<vmem_shared>>) target_semaphore(%run_scoped3A : memref<!tpu.dma_semaphore, #tpu.memory_space<semaphore_mem>>)
          %dma_wait3A = arith.constant 0 : i32
          %dma_wait3A_36 = tpu.memref_slice %arg17[%mul3A_32, %dma_wait3A] : memref<10128x16xf32, #tpu.memory_space<vmem_shared>> -> memref<80x16xf32, #tpu.memory_space<vmem_shared>>
          %dma_wait3A_37 = arith.constant 0 : i32
          %dma_wait3A_38 = tpu.memref_slice %arg17[%mul3A_32, %dma_wait3A_37] : memref<10128x16xf32, #tpu.memory_space<vmem_shared>> -> memref<80x16xf32, #tpu.memory_space<vmem_shared>>
          tpu.wait_dma2 semaphore(%run_scoped3A : memref<!tpu.dma_semaphore, #tpu.memory_space<semaphore_mem>>) src(%arg16 : memref<80x16xf32, #tpu.memory_space<vmem>>) dst(%dma_wait3A_38 : memref<80x16xf32, #tpu.memory_space<vmem_shared>>)
          tpu.yield
        }) : () -> ()
      } else {
      }
    }
    %scan3A_11 = arith.constant 8 : i32
    %barrier3A = arith.constant 0 : index
    tpu.barrier barrier_id(%barrier3A)
    "tpu.region"() ({
      %run_scoped3A = tpu.sem_alloc : memref<!tpu.dma_semaphore, #tpu.memory_space<semaphore_mem>>
      %dma_start3A = arith.constant 0 : i32
      %dma_start3A_25 = arith.constant 0 : i32
      %dma_start3A_26 = tpu.memref_slice %arg3[%add3A, %dma_start3A, %dma_start3A_25] : memref<32x80x128xi32, #tpu.memory_space<hbm>> -> memref<1x80x128xi32, #tpu.memory_space<hbm>>
      %dma_start3A_27 = tpu.memref_squeeze %dma_start3A_26 : memref<1x80x128xi32, #tpu.memory_space<hbm>> -> memref<80x128xi32, #tpu.memory_space<hbm>>
      %dma_start3A_28 = arith.constant 0 : i32
      %dma_start3A_29 = arith.constant 0 : i32
      %dma_start3A_30 = tpu.memref_slice %arg3[%add3A, %dma_start3A_28, %dma_start3A_29] : memref<32x80x128xi32, #tpu.memory_space<hbm>> -> memref<1x80x128xi32, #tpu.memory_space<hbm>>
      %dma_start3A_31 = tpu.memref_squeeze %dma_start3A_30 : memref<1x80x128xi32, #tpu.memory_space<hbm>> -> memref<80x128xi32, #tpu.memory_space<hbm>>
      tpu.enqueue_dma source(%dma_start3A_31 : memref<80x128xi32, #tpu.memory_space<hbm>>) target(%arg6 : memref<80x128xi32, #tpu.memory_space<vmem>>) target_semaphore(%run_scoped3A : memref<!tpu.dma_semaphore, #tpu.memory_space<semaphore_mem>>)
      %dma_wait3A = arith.constant 0 : i32
      %dma_wait3A_32 = arith.constant 0 : i32
      %dma_wait3A_33 = tpu.memref_slice %arg3[%add3A, %dma_wait3A, %dma_wait3A_32] : memref<32x80x128xi32, #tpu.memory_space<hbm>> -> memref<1x80x128xi32, #tpu.memory_space<hbm>>
      %dma_wait3A_34 = tpu.memref_squeeze %dma_wait3A_33 : memref<1x80x128xi32, #tpu.memory_space<hbm>> -> memref<80x128xi32, #tpu.memory_space<hbm>>
      %dma_wait3A_35 = arith.constant 0 : i32
      %dma_wait3A_36 = arith.constant 0 : i32
      %dma_wait3A_37 = tpu.memref_slice %arg3[%add3A, %dma_wait3A_35, %dma_wait3A_36] : memref<32x80x128xi32, #tpu.memory_space<hbm>> -> memref<1x80x128xi32, #tpu.memory_space<hbm>>
      %dma_wait3A_38 = tpu.memref_squeeze %dma_wait3A_37 : memref<1x80x128xi32, #tpu.memory_space<hbm>> -> memref<80x128xi32, #tpu.memory_space<hbm>>
      tpu.wait_dma2 semaphore(%run_scoped3A : memref<!tpu.dma_semaphore, #tpu.memory_space<semaphore_mem>>) src(%dma_wait3A_38 : memref<80x128xi32, #tpu.memory_space<hbm>>) dst(%arg6 : memref<80x128xi32, #tpu.memory_space<vmem>>)
      tpu.yield
    }) : () -> ()
    "tpu.region"() ({
      %run_scoped3A = tpu.sem_alloc : memref<!tpu.dma_semaphore, #tpu.memory_space<semaphore_mem>>
      %dma_start3A = arith.constant 0 : i32
      %dma_start3A_25 = arith.constant 0 : i32
      %dma_start3A_26 = tpu.memref_slice %arg4[%add3A, %dma_start3A, %dma_start3A_25] : memref<32x80x128xi32, #tpu.memory_space<hbm>> -> memref<1x80x128xi32, #tpu.memory_space<hbm>>
      %dma_start3A_27 = tpu.memref_squeeze %dma_start3A_26 : memref<1x80x128xi32, #tpu.memory_space<hbm>> -> memref<80x128xi32, #tpu.memory_space<hbm>>
      %dma_start3A_28 = arith.constant 0 : i32
      %dma_start3A_29 = arith.constant 0 : i32
      %dma_start3A_30 = tpu.memref_slice %arg4[%add3A, %dma_start3A_28, %dma_start3A_29] : memref<32x80x128xi32, #tpu.memory_space<hbm>> -> memref<1x80x128xi32, #tpu.memory_space<hbm>>
      %dma_start3A_31 = tpu.memref_squeeze %dma_start3A_30 : memref<1x80x128xi32, #tpu.memory_space<hbm>> -> memref<80x128xi32, #tpu.memory_space<hbm>>
      tpu.enqueue_dma source(%dma_start3A_31 : memref<80x128xi32, #tpu.memory_space<hbm>>) target(%arg7 : memref<80x128xi32, #tpu.memory_space<vmem>>) target_semaphore(%run_scoped3A : memref<!tpu.dma_semaphore, #tpu.memory_space<semaphore_mem>>)
      %dma_wait3A = arith.constant 0 : i32
      %dma_wait3A_32 = arith.constant 0 : i32
      %dma_wait3A_33 = tpu.memref_slice %arg4[%add3A, %dma_wait3A, %dma_wait3A_32] : memref<32x80x128xi32, #tpu.memory_space<hbm>> -> memref<1x80x128xi32, #tpu.memory_space<hbm>>
      %dma_wait3A_34 = tpu.memref_squeeze %dma_wait3A_33 : memref<1x80x128xi32, #tpu.memory_space<hbm>> -> memref<80x128xi32, #tpu.memory_space<hbm>>
      %dma_wait3A_35 = arith.constant 0 : i32
      %dma_wait3A_36 = arith.constant 0 : i32
      %dma_wait3A_37 = tpu.memref_slice %arg4[%add3A, %dma_wait3A_35, %dma_wait3A_36] : memref<32x80x128xi32, #tpu.memory_space<hbm>> -> memref<1x80x128xi32, #tpu.memory_space<hbm>>
      %dma_wait3A_38 = tpu.memref_squeeze %dma_wait3A_37 : memref<1x80x128xi32, #tpu.memory_space<hbm>> -> memref<80x128xi32, #tpu.memory_space<hbm>>
      tpu.wait_dma2 semaphore(%run_scoped3A : memref<!tpu.dma_semaphore, #tpu.memory_space<semaphore_mem>>) src(%dma_wait3A_38 : memref<80x128xi32, #tpu.memory_space<hbm>>) dst(%arg7 : memref<80x128xi32, #tpu.memory_space<vmem>>)
      tpu.yield
    }) : () -> ()
    %scan3A_12 = arith.constant 0 : i32
    %scan3A_13 = arith.constant 0 : i32
    %scan3A_14 = arith.constant 10 : i32
    %scan3A_15 = arith.addi %scan3A_13, %scan3A_14 : i32
    %scan3A_16 = arith.constant 1 : i32
    scf.for %scan3A_25 = %scan3A_13 to %scan3A_15 step %scan3A_16  : i32 {
      %mul3A_26 = arith.constant 8 : i32
      %mul3A_27 = arith.muli %scan3A_25, %mul3A_26 : i32
      %add3A_28 = arith.constant 0 : i32
      %add3A_29 = arith.addi %mul3A_27, %add3A_28 : i32
      %dma_start3A = arith.constant 0 : i32
      %dma_start3A_30 = tpu.memref_slice %arg6[%add3A_29, %dma_start3A] : memref<80x128xi32, #tpu.memory_space<vmem>> -> memref<1x128xi32, #tpu.memory_space<vmem>>
      %dma_start3A_31 = tpu.memref_squeeze %dma_start3A_30 : memref<1x128xi32, #tpu.memory_space<vmem>> -> memref<128xi32, #tpu.memory_space<vmem>>
      %dma_start3A_32 = arith.constant 0 : i32
      %dma_start3A_33 = arith.constant 0 : i32
      %dma_start3A_34 = tpu.memref_slice %arg2[%dma_start3A_32, %dma_start3A_33] : memref<10000x16xf32, #tpu.memory_space<hbm>> -> memref<10000x16xf32, #tpu.memory_space<hbm>>
      tpu.enqueue_indirect_dma source(%dma_start3A_34 : memref<10000x16xf32, #tpu.memory_space<hbm>>) target(%arg8 : memref<128x16xf32, #tpu.memory_space<vmem>>) offsets(%dma_start3A_31 : memref<128xi32, #tpu.memory_space<vmem>>) semaphore(%arg18 : memref<!tpu.dma_semaphore, #tpu.memory_space<semaphore_mem>>)
      %add3A_35 = arith.constant 1 : i32
      %add3A_36 = arith.addi %mul3A_27, %add3A_35 : i32
      %dma_start3A_37 = arith.constant 0 : i32
      %dma_start3A_38 = tpu.memref_slice %arg6[%add3A_36, %dma_start3A_37] : memref<80x128xi32, #tpu.memory_space<vmem>> -> memref<1x128xi32, #tpu.memory_space<vmem>>
      %dma_start3A_39 = tpu.memref_squeeze %dma_start3A_38 : memref<1x128xi32, #tpu.memory_space<vmem>> -> memref<128xi32, #tpu.memory_space<vmem>>
      %dma_start3A_40 = arith.constant 0 : i32
      %dma_start3A_41 = arith.constant 0 : i32
      %dma_start3A_42 = tpu.memref_slice %arg2[%dma_start3A_40, %dma_start3A_41] : memref<10000x16xf32, #tpu.memory_space<hbm>> -> memref<10000x16xf32, #tpu.memory_space<hbm>>
      tpu.enqueue_indirect_dma source(%dma_start3A_42 : memref<10000x16xf32, #tpu.memory_space<hbm>>) target(%arg9 : memref<128x16xf32, #tpu.memory_space<vmem>>) offsets(%dma_start3A_39 : memref<128xi32, #tpu.memory_space<vmem>>) semaphore(%arg19 : memref<!tpu.dma_semaphore, #tpu.memory_space<semaphore_mem>>)
      %add3A_43 = arith.constant 2 : i32
      %add3A_44 = arith.addi %mul3A_27, %add3A_43 : i32
      %dma_start3A_45 = arith.constant 0 : i32
      %dma_start3A_46 = tpu.memref_slice %arg6[%add3A_44, %dma_start3A_45] : memref<80x128xi32, #tpu.memory_space<vmem>> -> memref<1x128xi32, #tpu.memory_space<vmem>>
      %dma_start3A_47 = tpu.memref_squeeze %dma_start3A_46 : memref<1x128xi32, #tpu.memory_space<vmem>> -> memref<128xi32, #tpu.memory_space<vmem>>
      %dma_start3A_48 = arith.constant 0 : i32
      %dma_start3A_49 = arith.constant 0 : i32
      %dma_start3A_50 = tpu.memref_slice %arg2[%dma_start3A_48, %dma_start3A_49] : memref<10000x16xf32, #tpu.memory_space<hbm>> -> memref<10000x16xf32, #tpu.memory_space<hbm>>
      tpu.enqueue_indirect_dma source(%dma_start3A_50 : memref<10000x16xf32, #tpu.memory_space<hbm>>) target(%arg10 : memref<128x16xf32, #tpu.memory_space<vmem>>) offsets(%dma_start3A_47 : memref<128xi32, #tpu.memory_space<vmem>>) semaphore(%arg20 : memref<!tpu.dma_semaphore, #tpu.memory_space<semaphore_mem>>)
      %add3A_51 = arith.constant 3 : i32
      %add3A_52 = arith.addi %mul3A_27, %add3A_51 : i32
      %dma_start3A_53 = arith.constant 0 : i32
      %dma_start3A_54 = tpu.memref_slice %arg6[%add3A_52, %dma_start3A_53] : memref<80x128xi32, #tpu.memory_space<vmem>> -> memref<1x128xi32, #tpu.memory_space<vmem>>
      %dma_start3A_55 = tpu.memref_squeeze %dma_start3A_54 : memref<1x128xi32, #tpu.memory_space<vmem>> -> memref<128xi32, #tpu.memory_space<vmem>>
      %dma_start3A_56 = arith.constant 0 : i32
      %dma_start3A_57 = arith.constant 0 : i32
      %dma_start3A_58 = tpu.memref_slice %arg2[%dma_start3A_56, %dma_start3A_57] : memref<10000x16xf32, #tpu.memory_space<hbm>> -> memref<10000x16xf32, #tpu.memory_space<hbm>>
      tpu.enqueue_indirect_dma source(%dma_start3A_58 : memref<10000x16xf32, #tpu.memory_space<hbm>>) target(%arg11 : memref<128x16xf32, #tpu.memory_space<vmem>>) offsets(%dma_start3A_55 : memref<128xi32, #tpu.memory_space<vmem>>) semaphore(%arg21 : memref<!tpu.dma_semaphore, #tpu.memory_space<semaphore_mem>>)
      %add3A_59 = arith.constant 4 : i32
      %add3A_60 = arith.addi %mul3A_27, %add3A_59 : i32
      %dma_start3A_61 = arith.constant 0 : i32
      %dma_start3A_62 = tpu.memref_slice %arg6[%add3A_60, %dma_start3A_61] : memref<80x128xi32, #tpu.memory_space<vmem>> -> memref<1x128xi32, #tpu.memory_space<vmem>>
      %dma_start3A_63 = tpu.memref_squeeze %dma_start3A_62 : memref<1x128xi32, #tpu.memory_space<vmem>> -> memref<128xi32, #tpu.memory_space<vmem>>
      %dma_start3A_64 = arith.constant 0 : i32
      %dma_start3A_65 = arith.constant 0 : i32
      %dma_start3A_66 = tpu.memref_slice %arg2[%dma_start3A_64, %dma_start3A_65] : memref<10000x16xf32, #tpu.memory_space<hbm>> -> memref<10000x16xf32, #tpu.memory_space<hbm>>
      tpu.enqueue_indirect_dma source(%dma_start3A_66 : memref<10000x16xf32, #tpu.memory_space<hbm>>) target(%arg12 : memref<128x16xf32, #tpu.memory_space<vmem>>) offsets(%dma_start3A_63 : memref<128xi32, #tpu.memory_space<vmem>>) semaphore(%arg22 : memref<!tpu.dma_semaphore, #tpu.memory_space<semaphore_mem>>)
      %add3A_67 = arith.constant 5 : i32
      %add3A_68 = arith.addi %mul3A_27, %add3A_67 : i32
      %dma_start3A_69 = arith.constant 0 : i32
      %dma_start3A_70 = tpu.memref_slice %arg6[%add3A_68, %dma_start3A_69] : memref<80x128xi32, #tpu.memory_space<vmem>> -> memref<1x128xi32, #tpu.memory_space<vmem>>
      %dma_start3A_71 = tpu.memref_squeeze %dma_start3A_70 : memref<1x128xi32, #tpu.memory_space<vmem>> -> memref<128xi32, #tpu.memory_space<vmem>>
      %dma_start3A_72 = arith.constant 0 : i32
      %dma_start3A_73 = arith.constant 0 : i32
      %dma_start3A_74 = tpu.memref_slice %arg2[%dma_start3A_72, %dma_start3A_73] : memref<10000x16xf32, #tpu.memory_space<hbm>> -> memref<10000x16xf32, #tpu.memory_space<hbm>>
      tpu.enqueue_indirect_dma source(%dma_start3A_74 : memref<10000x16xf32, #tpu.memory_space<hbm>>) target(%arg13 : memref<128x16xf32, #tpu.memory_space<vmem>>) offsets(%dma_start3A_71 : memref<128xi32, #tpu.memory_space<vmem>>) semaphore(%arg23 : memref<!tpu.dma_semaphore, #tpu.memory_space<semaphore_mem>>)
      %add3A_75 = arith.constant 6 : i32
      %add3A_76 = arith.addi %mul3A_27, %add3A_75 : i32
      %dma_start3A_77 = arith.constant 0 : i32
      %dma_start3A_78 = tpu.memref_slice %arg6[%add3A_76, %dma_start3A_77] : memref<80x128xi32, #tpu.memory_space<vmem>> -> memref<1x128xi32, #tpu.memory_space<vmem>>
      %dma_start3A_79 = tpu.memref_squeeze %dma_start3A_78 : memref<1x128xi32, #tpu.memory_space<vmem>> -> memref<128xi32, #tpu.memory_space<vmem>>
      %dma_start3A_80 = arith.constant 0 : i32
      %dma_start3A_81 = arith.constant 0 : i32
      %dma_start3A_82 = tpu.memref_slice %arg2[%dma_start3A_80, %dma_start3A_81] : memref<10000x16xf32, #tpu.memory_space<hbm>> -> memref<10000x16xf32, #tpu.memory_space<hbm>>
      tpu.enqueue_indirect_dma source(%dma_start3A_82 : memref<10000x16xf32, #tpu.memory_space<hbm>>) target(%arg14 : memref<128x16xf32, #tpu.memory_space<vmem>>) offsets(%dma_start3A_79 : memref<128xi32, #tpu.memory_space<vmem>>) semaphore(%arg24 : memref<!tpu.dma_semaphore, #tpu.memory_space<semaphore_mem>>)
      %add3A_83 = arith.constant 7 : i32
      %add3A_84 = arith.addi %mul3A_27, %add3A_83 : i32
      %dma_start3A_85 = arith.constant 0 : i32
      %dma_start3A_86 = tpu.memref_slice %arg6[%add3A_84, %dma_start3A_85] : memref<80x128xi32, #tpu.memory_space<vmem>> -> memref<1x128xi32, #tpu.memory_space<vmem>>
      %dma_start3A_87 = tpu.memref_squeeze %dma_start3A_86 : memref<1x128xi32, #tpu.memory_space<vmem>> -> memref<128xi32, #tpu.memory_space<vmem>>
      %dma_start3A_88 = arith.constant 0 : i32
      %dma_start3A_89 = arith.constant 0 : i32
      %dma_start3A_90 = tpu.memref_slice %arg2[%dma_start3A_88, %dma_start3A_89] : memref<10000x16xf32, #tpu.memory_space<hbm>> -> memref<10000x16xf32, #tpu.memory_space<hbm>>
      tpu.enqueue_indirect_dma source(%dma_start3A_90 : memref<10000x16xf32, #tpu.memory_space<hbm>>) target(%arg15 : memref<128x16xf32, #tpu.memory_space<vmem>>) offsets(%dma_start3A_87 : memref<128xi32, #tpu.memory_space<vmem>>) semaphore(%arg25 : memref<!tpu.dma_semaphore, #tpu.memory_space<semaphore_mem>>)
      %add3A_91 = arith.constant 0 : i32
      %add3A_92 = arith.addi %mul3A_27, %add3A_91 : i32
      %dma_wait3A = arith.constant 0 : i32
      %dma_wait3A_93 = tpu.memref_slice %arg6[%add3A_92, %dma_wait3A] : memref<80x128xi32, #tpu.memory_space<vmem>> -> memref<1x128xi32, #tpu.memory_space<vmem>>
      %dma_wait3A_94 = tpu.memref_squeeze %dma_wait3A_93 : memref<1x128xi32, #tpu.memory_space<vmem>> -> memref<128xi32, #tpu.memory_space<vmem>>
      %dma_wait3A_95 = arith.constant 0 : i32
      %dma_wait3A_96 = arith.constant 0 : i32
      %dma_wait3A_97 = tpu.memref_slice %arg2[%dma_wait3A_95, %dma_wait3A_96] : memref<10000x16xf32, #tpu.memory_space<hbm>> -> memref<10000x16xf32, #tpu.memory_space<hbm>>
      tpu.wait_indirect_dma semaphore(%arg18 : memref<!tpu.dma_semaphore, #tpu.memory_space<semaphore_mem>>) src(%dma_wait3A_97 : memref<10000x16xf32, #tpu.memory_space<hbm>>) dst(%arg8 : memref<128x16xf32, #tpu.memory_space<vmem>>)
      %add3A_98 = arith.constant 0 : i32
      %add3A_99 = arith.addi %mul3A_27, %add3A_98 : i32
      %dma_start3A_100 = arith.constant 0 : i32
      %dma_start3A_101 = tpu.memref_slice %arg7[%add3A_99, %dma_start3A_100] : memref<80x128xi32, #tpu.memory_space<vmem>> -> memref<1x128xi32, #tpu.memory_space<vmem>>
      %dma_start3A_102 = tpu.memref_squeeze %dma_start3A_101 : memref<1x128xi32, #tpu.memory_space<vmem>> -> memref<128xi32, #tpu.memory_space<vmem>>
      %dma_start3A_103 = arith.constant 0 : i32
      %dma_start3A_104 = arith.constant 0 : i32
      %dma_start3A_105 = tpu.memref_slice %arg17[%dma_start3A_103, %dma_start3A_104] : memref<10128x16xf32, #tpu.memory_space<vmem_shared>> -> memref<10128x16xf32, #tpu.memory_space<vmem_shared>>
      tpu.enqueue_indirect_dma source(%arg8 : memref<128x16xf32, #tpu.memory_space<vmem>>) target(%dma_start3A_105 : memref<10128x16xf32, #tpu.memory_space<vmem_shared>>) offsets(%dma_start3A_102 : memref<128xi32, #tpu.memory_space<vmem>>) semaphore(%arg26 : memref<!tpu.dma_semaphore, #tpu.memory_space<semaphore_mem>>) {add = true}
      %add3A_106 = arith.constant 1 : i32
      %add3A_107 = arith.addi %mul3A_27, %add3A_106 : i32
      %dma_wait3A_108 = arith.constant 0 : i32
      %dma_wait3A_109 = tpu.memref_slice %arg6[%add3A_107, %dma_wait3A_108] : memref<80x128xi32, #tpu.memory_space<vmem>> -> memref<1x128xi32, #tpu.memory_space<vmem>>
      %dma_wait3A_110 = tpu.memref_squeeze %dma_wait3A_109 : memref<1x128xi32, #tpu.memory_space<vmem>> -> memref<128xi32, #tpu.memory_space<vmem>>
      %dma_wait3A_111 = arith.constant 0 : i32
      %dma_wait3A_112 = arith.constant 0 : i32
      %dma_wait3A_113 = tpu.memref_slice %arg2[%dma_wait3A_111, %dma_wait3A_112] : memref<10000x16xf32, #tpu.memory_space<hbm>> -> memref<10000x16xf32, #tpu.memory_space<hbm>>
      tpu.wait_indirect_dma semaphore(%arg19 : memref<!tpu.dma_semaphore, #tpu.memory_space<semaphore_mem>>) src(%dma_wait3A_113 : memref<10000x16xf32, #tpu.memory_space<hbm>>) dst(%arg9 : memref<128x16xf32, #tpu.memory_space<vmem>>)
      %add3A_114 = arith.constant 1 : i32
      %add3A_115 = arith.addi %mul3A_27, %add3A_114 : i32
      %dma_start3A_116 = arith.constant 0 : i32
      %dma_start3A_117 = tpu.memref_slice %arg7[%add3A_115, %dma_start3A_116] : memref<80x128xi32, #tpu.memory_space<vmem>> -> memref<1x128xi32, #tpu.memory_space<vmem>>
      %dma_start3A_118 = tpu.memref_squeeze %dma_start3A_117 : memref<1x128xi32, #tpu.memory_space<vmem>> -> memref<128xi32, #tpu.memory_space<vmem>>
      %dma_start3A_119 = arith.constant 0 : i32
      %dma_start3A_120 = arith.constant 0 : i32
      %dma_start3A_121 = tpu.memref_slice %arg17[%dma_start3A_119, %dma_start3A_120] : memref<10128x16xf32, #tpu.memory_space<vmem_shared>> -> memref<10128x16xf32, #tpu.memory_space<vmem_shared>>
      tpu.enqueue_indirect_dma source(%arg9 : memref<128x16xf32, #tpu.memory_space<vmem>>) target(%dma_start3A_121 : memref<10128x16xf32, #tpu.memory_space<vmem_shared>>) offsets(%dma_start3A_118 : memref<128xi32, #tpu.memory_space<vmem>>) semaphore(%arg26 : memref<!tpu.dma_semaphore, #tpu.memory_space<semaphore_mem>>) {add = true}
      %add3A_122 = arith.constant 2 : i32
      %add3A_123 = arith.addi %mul3A_27, %add3A_122 : i32
      %dma_wait3A_124 = arith.constant 0 : i32
      %dma_wait3A_125 = tpu.memref_slice %arg6[%add3A_123, %dma_wait3A_124] : memref<80x128xi32, #tpu.memory_space<vmem>> -> memref<1x128xi32, #tpu.memory_space<vmem>>
      %dma_wait3A_126 = tpu.memref_squeeze %dma_wait3A_125 : memref<1x128xi32, #tpu.memory_space<vmem>> -> memref<128xi32, #tpu.memory_space<vmem>>
      %dma_wait3A_127 = arith.constant 0 : i32
      %dma_wait3A_128 = arith.constant 0 : i32
      %dma_wait3A_129 = tpu.memref_slice %arg2[%dma_wait3A_127, %dma_wait3A_128] : memref<10000x16xf32, #tpu.memory_space<hbm>> -> memref<10000x16xf32, #tpu.memory_space<hbm>>
      tpu.wait_indirect_dma semaphore(%arg20 : memref<!tpu.dma_semaphore, #tpu.memory_space<semaphore_mem>>) src(%dma_wait3A_129 : memref<10000x16xf32, #tpu.memory_space<hbm>>) dst(%arg10 : memref<128x16xf32, #tpu.memory_space<vmem>>)
      %add3A_130 = arith.constant 2 : i32
      %add3A_131 = arith.addi %mul3A_27, %add3A_130 : i32
      %dma_start3A_132 = arith.constant 0 : i32
      %dma_start3A_133 = tpu.memref_slice %arg7[%add3A_131, %dma_start3A_132] : memref<80x128xi32, #tpu.memory_space<vmem>> -> memref<1x128xi32, #tpu.memory_space<vmem>>
      %dma_start3A_134 = tpu.memref_squeeze %dma_start3A_133 : memref<1x128xi32, #tpu.memory_space<vmem>> -> memref<128xi32, #tpu.memory_space<vmem>>
      %dma_start3A_135 = arith.constant 0 : i32
      %dma_start3A_136 = arith.constant 0 : i32
      %dma_start3A_137 = tpu.memref_slice %arg17[%dma_start3A_135, %dma_start3A_136] : memref<10128x16xf32, #tpu.memory_space<vmem_shared>> -> memref<10128x16xf32, #tpu.memory_space<vmem_shared>>
      tpu.enqueue_indirect_dma source(%arg10 : memref<128x16xf32, #tpu.memory_space<vmem>>) target(%dma_start3A_137 : memref<10128x16xf32, #tpu.memory_space<vmem_shared>>) offsets(%dma_start3A_134 : memref<128xi32, #tpu.memory_space<vmem>>) semaphore(%arg26 : memref<!tpu.dma_semaphore, #tpu.memory_space<semaphore_mem>>) {add = true}
      %add3A_138 = arith.constant 3 : i32
      %add3A_139 = arith.addi %mul3A_27, %add3A_138 : i32
      %dma_wait3A_140 = arith.constant 0 : i32
      %dma_wait3A_141 = tpu.memref_slice %arg6[%add3A_139, %dma_wait3A_140] : memref<80x128xi32, #tpu.memory_space<vmem>> -> memref<1x128xi32, #tpu.memory_space<vmem>>
      %dma_wait3A_142 = tpu.memref_squeeze %dma_wait3A_141 : memref<1x128xi32, #tpu.memory_space<vmem>> -> memref<128xi32, #tpu.memory_space<vmem>>
      %dma_wait3A_143 = arith.constant 0 : i32
      %dma_wait3A_144 = arith.constant 0 : i32
      %dma_wait3A_145 = tpu.memref_slice %arg2[%dma_wait3A_143, %dma_wait3A_144] : memref<10000x16xf32, #tpu.memory_space<hbm>> -> memref<10000x16xf32, #tpu.memory_space<hbm>>
      tpu.wait_indirect_dma semaphore(%arg21 : memref<!tpu.dma_semaphore, #tpu.memory_space<semaphore_mem>>) src(%dma_wait3A_145 : memref<10000x16xf32, #tpu.memory_space<hbm>>) dst(%arg11 : memref<128x16xf32, #tpu.memory_space<vmem>>)
      %add3A_146 = arith.constant 3 : i32
      %add3A_147 = arith.addi %mul3A_27, %add3A_146 : i32
      %dma_start3A_148 = arith.constant 0 : i32
      %dma_start3A_149 = tpu.memref_slice %arg7[%add3A_147, %dma_start3A_148] : memref<80x128xi32, #tpu.memory_space<vmem>> -> memref<1x128xi32, #tpu.memory_space<vmem>>
      %dma_start3A_150 = tpu.memref_squeeze %dma_start3A_149 : memref<1x128xi32, #tpu.memory_space<vmem>> -> memref<128xi32, #tpu.memory_space<vmem>>
      %dma_start3A_151 = arith.constant 0 : i32
      %dma_start3A_152 = arith.constant 0 : i32
      %dma_start3A_153 = tpu.memref_slice %arg17[%dma_start3A_151, %dma_start3A_152] : memref<10128x16xf32, #tpu.memory_space<vmem_shared>> -> memref<10128x16xf32, #tpu.memory_space<vmem_shared>>
      tpu.enqueue_indirect_dma source(%arg11 : memref<128x16xf32, #tpu.memory_space<vmem>>) target(%dma_start3A_153 : memref<10128x16xf32, #tpu.memory_space<vmem_shared>>) offsets(%dma_start3A_150 : memref<128xi32, #tpu.memory_space<vmem>>) semaphore(%arg26 : memref<!tpu.dma_semaphore, #tpu.memory_space<semaphore_mem>>) {add = true}
      %add3A_154 = arith.constant 4 : i32
      %add3A_155 = arith.addi %mul3A_27, %add3A_154 : i32
      %dma_wait3A_156 = arith.constant 0 : i32
      %dma_wait3A_157 = tpu.memref_slice %arg6[%add3A_155, %dma_wait3A_156] : memref<80x128xi32, #tpu.memory_space<vmem>> -> memref<1x128xi32, #tpu.memory_space<vmem>>
      %dma_wait3A_158 = tpu.memref_squeeze %dma_wait3A_157 : memref<1x128xi32, #tpu.memory_space<vmem>> -> memref<128xi32, #tpu.memory_space<vmem>>
      %dma_wait3A_159 = arith.constant 0 : i32
      %dma_wait3A_160 = arith.constant 0 : i32
      %dma_wait3A_161 = tpu.memref_slice %arg2[%dma_wait3A_159, %dma_wait3A_160] : memref<10000x16xf32, #tpu.memory_space<hbm>> -> memref<10000x16xf32, #tpu.memory_space<hbm>>
      tpu.wait_indirect_dma semaphore(%arg22 : memref<!tpu.dma_semaphore, #tpu.memory_space<semaphore_mem>>) src(%dma_wait3A_161 : memref<10000x16xf32, #tpu.memory_space<hbm>>) dst(%arg12 : memref<128x16xf32, #tpu.memory_space<vmem>>)
      %add3A_162 = arith.constant 4 : i32
      %add3A_163 = arith.addi %mul3A_27, %add3A_162 : i32
      %dma_start3A_164 = arith.constant 0 : i32
      %dma_start3A_165 = tpu.memref_slice %arg7[%add3A_163, %dma_start3A_164] : memref<80x128xi32, #tpu.memory_space<vmem>> -> memref<1x128xi32, #tpu.memory_space<vmem>>
      %dma_start3A_166 = tpu.memref_squeeze %dma_start3A_165 : memref<1x128xi32, #tpu.memory_space<vmem>> -> memref<128xi32, #tpu.memory_space<vmem>>
      %dma_start3A_167 = arith.constant 0 : i32
      %dma_start3A_168 = arith.constant 0 : i32
      %dma_start3A_169 = tpu.memref_slice %arg17[%dma_start3A_167, %dma_start3A_168] : memref<10128x16xf32, #tpu.memory_space<vmem_shared>> -> memref<10128x16xf32, #tpu.memory_space<vmem_shared>>
      tpu.enqueue_indirect_dma source(%arg12 : memref<128x16xf32, #tpu.memory_space<vmem>>) target(%dma_start3A_169 : memref<10128x16xf32, #tpu.memory_space<vmem_shared>>) offsets(%dma_start3A_166 : memref<128xi32, #tpu.memory_space<vmem>>) semaphore(%arg26 : memref<!tpu.dma_semaphore, #tpu.memory_space<semaphore_mem>>) {add = true}
      %add3A_170 = arith.constant 5 : i32
      %add3A_171 = arith.addi %mul3A_27, %add3A_170 : i32
      %dma_wait3A_172 = arith.constant 0 : i32
      %dma_wait3A_173 = tpu.memref_slice %arg6[%add3A_171, %dma_wait3A_172] : memref<80x128xi32, #tpu.memory_space<vmem>> -> memref<1x128xi32, #tpu.memory_space<vmem>>
      %dma_wait3A_174 = tpu.memref_squeeze %dma_wait3A_173 : memref<1x128xi32, #tpu.memory_space<vmem>> -> memref<128xi32, #tpu.memory_space<vmem>>
      %dma_wait3A_175 = arith.constant 0 : i32
      %dma_wait3A_176 = arith.constant 0 : i32
      %dma_wait3A_177 = tpu.memref_slice %arg2[%dma_wait3A_175, %dma_wait3A_176] : memref<10000x16xf32, #tpu.memory_space<hbm>> -> memref<10000x16xf32, #tpu.memory_space<hbm>>
      tpu.wait_indirect_dma semaphore(%arg23 : memref<!tpu.dma_semaphore, #tpu.memory_space<semaphore_mem>>) src(%dma_wait3A_177 : memref<10000x16xf32, #tpu.memory_space<hbm>>) dst(%arg13 : memref<128x16xf32, #tpu.memory_space<vmem>>)
      %add3A_178 = arith.constant 5 : i32
      %add3A_179 = arith.addi %mul3A_27, %add3A_178 : i32
      %dma_start3A_180 = arith.constant 0 : i32
      %dma_start3A_181 = tpu.memref_slice %arg7[%add3A_179, %dma_start3A_180] : memref<80x128xi32, #tpu.memory_space<vmem>> -> memref<1x128xi32, #tpu.memory_space<vmem>>
      %dma_start3A_182 = tpu.memref_squeeze %dma_start3A_181 : memref<1x128xi32, #tpu.memory_space<vmem>> -> memref<128xi32, #tpu.memory_space<vmem>>
      %dma_start3A_183 = arith.constant 0 : i32
      %dma_start3A_184 = arith.constant 0 : i32
      %dma_start3A_185 = tpu.memref_slice %arg17[%dma_start3A_183, %dma_start3A_184] : memref<10128x16xf32, #tpu.memory_space<vmem_shared>> -> memref<10128x16xf32, #tpu.memory_space<vmem_shared>>
      tpu.enqueue_indirect_dma source(%arg13 : memref<128x16xf32, #tpu.memory_space<vmem>>) target(%dma_start3A_185 : memref<10128x16xf32, #tpu.memory_space<vmem_shared>>) offsets(%dma_start3A_182 : memref<128xi32, #tpu.memory_space<vmem>>) semaphore(%arg26 : memref<!tpu.dma_semaphore, #tpu.memory_space<semaphore_mem>>) {add = true}
      %add3A_186 = arith.constant 6 : i32
      %add3A_187 = arith.addi %mul3A_27, %add3A_186 : i32
      %dma_wait3A_188 = arith.constant 0 : i32
      %dma_wait3A_189 = tpu.memref_slice %arg6[%add3A_187, %dma_wait3A_188] : memref<80x128xi32, #tpu.memory_space<vmem>> -> memref<1x128xi32, #tpu.memory_space<vmem>>
      %dma_wait3A_190 = tpu.memref_squeeze %dma_wait3A_189 : memref<1x128xi32, #tpu.memory_space<vmem>> -> memref<128xi32, #tpu.memory_space<vmem>>
      %dma_wait3A_191 = arith.constant 0 : i32
      %dma_wait3A_192 = arith.constant 0 : i32
      %dma_wait3A_193 = tpu.memref_slice %arg2[%dma_wait3A_191, %dma_wait3A_192] : memref<10000x16xf32, #tpu.memory_space<hbm>> -> memref<10000x16xf32, #tpu.memory_space<hbm>>
      tpu.wait_indirect_dma semaphore(%arg24 : memref<!tpu.dma_semaphore, #tpu.memory_space<semaphore_mem>>) src(%dma_wait3A_193 : memref<10000x16xf32, #tpu.memory_space<hbm>>) dst(%arg14 : memref<128x16xf32, #tpu.memory_space<vmem>>)
      %add3A_194 = arith.constant 6 : i32
      %add3A_195 = arith.addi %mul3A_27, %add3A_194 : i32
      %dma_start3A_196 = arith.constant 0 : i32
      %dma_start3A_197 = tpu.memref_slice %arg7[%add3A_195, %dma_start3A_196] : memref<80x128xi32, #tpu.memory_space<vmem>> -> memref<1x128xi32, #tpu.memory_space<vmem>>
      %dma_start3A_198 = tpu.memref_squeeze %dma_start3A_197 : memref<1x128xi32, #tpu.memory_space<vmem>> -> memref<128xi32, #tpu.memory_space<vmem>>
      %dma_start3A_199 = arith.constant 0 : i32
      %dma_start3A_200 = arith.constant 0 : i32
      %dma_start3A_201 = tpu.memref_slice %arg17[%dma_start3A_199, %dma_start3A_200] : memref<10128x16xf32, #tpu.memory_space<vmem_shared>> -> memref<10128x16xf32, #tpu.memory_space<vmem_shared>>
      tpu.enqueue_indirect_dma source(%arg14 : memref<128x16xf32, #tpu.memory_space<vmem>>) target(%dma_start3A_201 : memref<10128x16xf32, #tpu.memory_space<vmem_shared>>) offsets(%dma_start3A_198 : memref<128xi32, #tpu.memory_space<vmem>>) semaphore(%arg26 : memref<!tpu.dma_semaphore, #tpu.memory_space<semaphore_mem>>) {add = true}
      %add3A_202 = arith.constant 7 : i32
      %add3A_203 = arith.addi %mul3A_27, %add3A_202 : i32
      %dma_wait3A_204 = arith.constant 0 : i32
      %dma_wait3A_205 = tpu.memref_slice %arg6[%add3A_203, %dma_wait3A_204] : memref<80x128xi32, #tpu.memory_space<vmem>> -> memref<1x128xi32, #tpu.memory_space<vmem>>
      %dma_wait3A_206 = tpu.memref_squeeze %dma_wait3A_205 : memref<1x128xi32, #tpu.memory_space<vmem>> -> memref<128xi32, #tpu.memory_space<vmem>>
      %dma_wait3A_207 = arith.constant 0 : i32
      %dma_wait3A_208 = arith.constant 0 : i32
      %dma_wait3A_209 = tpu.memref_slice %arg2[%dma_wait3A_207, %dma_wait3A_208] : memref<10000x16xf32, #tpu.memory_space<hbm>> -> memref<10000x16xf32, #tpu.memory_space<hbm>>
      tpu.wait_indirect_dma semaphore(%arg25 : memref<!tpu.dma_semaphore, #tpu.memory_space<semaphore_mem>>) src(%dma_wait3A_209 : memref<10000x16xf32, #tpu.memory_space<hbm>>) dst(%arg15 : memref<128x16xf32, #tpu.memory_space<vmem>>)
      %add3A_210 = arith.constant 7 : i32
      %add3A_211 = arith.addi %mul3A_27, %add3A_210 : i32
      %dma_start3A_212 = arith.constant 0 : i32
      %dma_start3A_213 = tpu.memref_slice %arg7[%add3A_211, %dma_start3A_212] : memref<80x128xi32, #tpu.memory_space<vmem>> -> memref<1x128xi32, #tpu.memory_space<vmem>>
      %dma_start3A_214 = tpu.memref_squeeze %dma_start3A_213 : memref<1x128xi32, #tpu.memory_space<vmem>> -> memref<128xi32, #tpu.memory_space<vmem>>
      %dma_start3A_215 = arith.constant 0 : i32
      %dma_start3A_216 = arith.constant 0 : i32
      %dma_start3A_217 = tpu.memref_slice %arg17[%dma_start3A_215, %dma_start3A_216] : memref<10128x16xf32, #tpu.memory_space<vmem_shared>> -> memref<10128x16xf32, #tpu.memory_space<vmem_shared>>
      tpu.enqueue_indirect_dma source(%arg15 : memref<128x16xf32, #tpu.memory_space<vmem>>) target(%dma_start3A_217 : memref<10128x16xf32, #tpu.memory_space<vmem_shared>>) offsets(%dma_start3A_214 : memref<128xi32, #tpu.memory_space<vmem>>) semaphore(%arg26 : memref<!tpu.dma_semaphore, #tpu.memory_space<semaphore_mem>>) {add = true}
      %add3A_218 = arith.constant 0 : i32
      %add3A_219 = arith.addi %mul3A_27, %add3A_218 : i32
      %dma_wait3A_220 = arith.constant 0 : i32
      %dma_wait3A_221 = tpu.memref_slice %arg7[%add3A_219, %dma_wait3A_220] : memref<80x128xi32, #tpu.memory_space<vmem>> -> memref<1x128xi32, #tpu.memory_space<vmem>>
      %dma_wait3A_222 = tpu.memref_squeeze %dma_wait3A_221 : memref<1x128xi32, #tpu.memory_space<vmem>> -> memref<128xi32, #tpu.memory_space<vmem>>
      %dma_wait3A_223 = arith.constant 0 : i32
      %dma_wait3A_224 = arith.constant 0 : i32
      %dma_wait3A_225 = tpu.memref_slice %arg17[%dma_wait3A_223, %dma_wait3A_224] : memref<10128x16xf32, #tpu.memory_space<vmem_shared>> -> memref<10128x16xf32, #tpu.memory_space<vmem_shared>>
      tpu.wait_indirect_dma semaphore(%arg26 : memref<!tpu.dma_semaphore, #tpu.memory_space<semaphore_mem>>) src(%arg8 : memref<128x16xf32, #tpu.memory_space<vmem>>) dst(%dma_wait3A_225 : memref<10128x16xf32, #tpu.memory_space<vmem_shared>>)
      %add3A_226 = arith.constant 1 : i32
      %add3A_227 = arith.addi %mul3A_27, %add3A_226 : i32
      %dma_wait3A_228 = arith.constant 0 : i32
      %dma_wait3A_229 = tpu.memref_slice %arg7[%add3A_227, %dma_wait3A_228] : memref<80x128xi32, #tpu.memory_space<vmem>> -> memref<1x128xi32, #tpu.memory_space<vmem>>
      %dma_wait3A_230 = tpu.memref_squeeze %dma_wait3A_229 : memref<1x128xi32, #tpu.memory_space<vmem>> -> memref<128xi32, #tpu.memory_space<vmem>>
      %dma_wait3A_231 = arith.constant 0 : i32
      %dma_wait3A_232 = arith.constant 0 : i32
      %dma_wait3A_233 = tpu.memref_slice %arg17[%dma_wait3A_231, %dma_wait3A_232] : memref<10128x16xf32, #tpu.memory_space<vmem_shared>> -> memref<10128x16xf32, #tpu.memory_space<vmem_shared>>
      tpu.wait_indirect_dma semaphore(%arg26 : memref<!tpu.dma_semaphore, #tpu.memory_space<semaphore_mem>>) src(%arg9 : memref<128x16xf32, #tpu.memory_space<vmem>>) dst(%dma_wait3A_233 : memref<10128x16xf32, #tpu.memory_space<vmem_shared>>)
      %add3A_234 = arith.constant 2 : i32
      %add3A_235 = arith.addi %mul3A_27, %add3A_234 : i32
      %dma_wait3A_236 = arith.constant 0 : i32
      %dma_wait3A_237 = tpu.memref_slice %arg7[%add3A_235, %dma_wait3A_236] : memref<80x128xi32, #tpu.memory_space<vmem>> -> memref<1x128xi32, #tpu.memory_space<vmem>>
      %dma_wait3A_238 = tpu.memref_squeeze %dma_wait3A_237 : memref<1x128xi32, #tpu.memory_space<vmem>> -> memref<128xi32, #tpu.memory_space<vmem>>
      %dma_wait3A_239 = arith.constant 0 : i32
      %dma_wait3A_240 = arith.constant 0 : i32
      %dma_wait3A_241 = tpu.memref_slice %arg17[%dma_wait3A_239, %dma_wait3A_240] : memref<10128x16xf32, #tpu.memory_space<vmem_shared>> -> memref<10128x16xf32, #tpu.memory_space<vmem_shared>>
      tpu.wait_indirect_dma semaphore(%arg26 : memref<!tpu.dma_semaphore, #tpu.memory_space<semaphore_mem>>) src(%arg10 : memref<128x16xf32, #tpu.memory_space<vmem>>) dst(%dma_wait3A_241 : memref<10128x16xf32, #tpu.memory_space<vmem_shared>>)
      %add3A_242 = arith.constant 3 : i32
      %add3A_243 = arith.addi %mul3A_27, %add3A_242 : i32
      %dma_wait3A_244 = arith.constant 0 : i32
      %dma_wait3A_245 = tpu.memref_slice %arg7[%add3A_243, %dma_wait3A_244] : memref<80x128xi32, #tpu.memory_space<vmem>> -> memref<1x128xi32, #tpu.memory_space<vmem>>
      %dma_wait3A_246 = tpu.memref_squeeze %dma_wait3A_245 : memref<1x128xi32, #tpu.memory_space<vmem>> -> memref<128xi32, #tpu.memory_space<vmem>>
      %dma_wait3A_247 = arith.constant 0 : i32
      %dma_wait3A_248 = arith.constant 0 : i32
      %dma_wait3A_249 = tpu.memref_slice %arg17[%dma_wait3A_247, %dma_wait3A_248] : memref<10128x16xf32, #tpu.memory_space<vmem_shared>> -> memref<10128x16xf32, #tpu.memory_space<vmem_shared>>
      tpu.wait_indirect_dma semaphore(%arg26 : memref<!tpu.dma_semaphore, #tpu.memory_space<semaphore_mem>>) src(%arg11 : memref<128x16xf32, #tpu.memory_space<vmem>>) dst(%dma_wait3A_249 : memref<10128x16xf32, #tpu.memory_space<vmem_shared>>)
      %add3A_250 = arith.constant 4 : i32
      %add3A_251 = arith.addi %mul3A_27, %add3A_250 : i32
      %dma_wait3A_252 = arith.constant 0 : i32
      %dma_wait3A_253 = tpu.memref_slice %arg7[%add3A_251, %dma_wait3A_252] : memref<80x128xi32, #tpu.memory_space<vmem>> -> memref<1x128xi32, #tpu.memory_space<vmem>>
      %dma_wait3A_254 = tpu.memref_squeeze %dma_wait3A_253 : memref<1x128xi32, #tpu.memory_space<vmem>> -> memref<128xi32, #tpu.memory_space<vmem>>
      %dma_wait3A_255 = arith.constant 0 : i32
      %dma_wait3A_256 = arith.constant 0 : i32
      %dma_wait3A_257 = tpu.memref_slice %arg17[%dma_wait3A_255, %dma_wait3A_256] : memref<10128x16xf32, #tpu.memory_space<vmem_shared>> -> memref<10128x16xf32, #tpu.memory_space<vmem_shared>>
      tpu.wait_indirect_dma semaphore(%arg26 : memref<!tpu.dma_semaphore, #tpu.memory_space<semaphore_mem>>) src(%arg12 : memref<128x16xf32, #tpu.memory_space<vmem>>) dst(%dma_wait3A_257 : memref<10128x16xf32, #tpu.memory_space<vmem_shared>>)
      %add3A_258 = arith.constant 5 : i32
      %add3A_259 = arith.addi %mul3A_27, %add3A_258 : i32
      %dma_wait3A_260 = arith.constant 0 : i32
      %dma_wait3A_261 = tpu.memref_slice %arg7[%add3A_259, %dma_wait3A_260] : memref<80x128xi32, #tpu.memory_space<vmem>> -> memref<1x128xi32, #tpu.memory_space<vmem>>
      %dma_wait3A_262 = tpu.memref_squeeze %dma_wait3A_261 : memref<1x128xi32, #tpu.memory_space<vmem>> -> memref<128xi32, #tpu.memory_space<vmem>>
      %dma_wait3A_263 = arith.constant 0 : i32
      %dma_wait3A_264 = arith.constant 0 : i32
      %dma_wait3A_265 = tpu.memref_slice %arg17[%dma_wait3A_263, %dma_wait3A_264] : memref<10128x16xf32, #tpu.memory_space<vmem_shared>> -> memref<10128x16xf32, #tpu.memory_space<vmem_shared>>
      tpu.wait_indirect_dma semaphore(%arg26 : memref<!tpu.dma_semaphore, #tpu.memory_space<semaphore_mem>>) src(%arg13 : memref<128x16xf32, #tpu.memory_space<vmem>>) dst(%dma_wait3A_265 : memref<10128x16xf32, #tpu.memory_space<vmem_shared>>)
      %add3A_266 = arith.constant 6 : i32
      %add3A_267 = arith.addi %mul3A_27, %add3A_266 : i32
      %dma_wait3A_268 = arith.constant 0 : i32
      %dma_wait3A_269 = tpu.memref_slice %arg7[%add3A_267, %dma_wait3A_268] : memref<80x128xi32, #tpu.memory_space<vmem>> -> memref<1x128xi32, #tpu.memory_space<vmem>>
      %dma_wait3A_270 = tpu.memref_squeeze %dma_wait3A_269 : memref<1x128xi32, #tpu.memory_space<vmem>> -> memref<128xi32, #tpu.memory_space<vmem>>
      %dma_wait3A_271 = arith.constant 0 : i32
      %dma_wait3A_272 = arith.constant 0 : i32
      %dma_wait3A_273 = tpu.memref_slice %arg17[%dma_wait3A_271, %dma_wait3A_272] : memref<10128x16xf32, #tpu.memory_space<vmem_shared>> -> memref<10128x16xf32, #tpu.memory_space<vmem_shared>>
      tpu.wait_indirect_dma semaphore(%arg26 : memref<!tpu.dma_semaphore, #tpu.memory_space<semaphore_mem>>) src(%arg14 : memref<128x16xf32, #tpu.memory_space<vmem>>) dst(%dma_wait3A_273 : memref<10128x16xf32, #tpu.memory_space<vmem_shared>>)
      %add3A_274 = arith.constant 7 : i32
      %add3A_275 = arith.addi %mul3A_27, %add3A_274 : i32
      %dma_wait3A_276 = arith.constant 0 : i32
      %dma_wait3A_277 = tpu.memref_slice %arg7[%add3A_275, %dma_wait3A_276] : memref<80x128xi32, #tpu.memory_space<vmem>> -> memref<1x128xi32, #tpu.memory_space<vmem>>
      %dma_wait3A_278 = tpu.memref_squeeze %dma_wait3A_277 : memref<1x128xi32, #tpu.memory_space<vmem>> -> memref<128xi32, #tpu.memory_space<vmem>>
      %dma_wait3A_279 = arith.constant 0 : i32
      %dma_wait3A_280 = arith.constant 0 : i32
      %dma_wait3A_281 = tpu.memref_slice %arg17[%dma_wait3A_279, %dma_wait3A_280] : memref<10128x16xf32, #tpu.memory_space<vmem_shared>> -> memref<10128x16xf32, #tpu.memory_space<vmem_shared>>
      tpu.wait_indirect_dma semaphore(%arg26 : memref<!tpu.dma_semaphore, #tpu.memory_space<semaphore_mem>>) src(%arg15 : memref<128x16xf32, #tpu.memory_space<vmem>>) dst(%dma_wait3A_281 : memref<10128x16xf32, #tpu.memory_space<vmem_shared>>)
    }
    %scan3A_17 = arith.constant 10 : i32
    %barrier3A_18 = arith.constant 0 : index
    tpu.barrier barrier_id(%barrier3A_18)
    %scan3A_19 = arith.constant 0 : i32
    %scan3A_20 = arith.constant 0 : i32
    %scan3A_21 = arith.constant 8 : i32
    %scan3A_22 = arith.addi %scan3A_20, %scan3A_21 : i32
    %scan3A_23 = arith.constant 1 : i32
    scf.for %scan3A_25 = %scan3A_20 to %scan3A_22 step %scan3A_23  : i32 {
      %mul3A_26 = arith.constant 16 : i32
      %mul3A_27 = arith.muli %scan3A_25, %mul3A_26 : i32
      %add3A_28 = arith.addi %arg1, %mul3A_27 : i32
      %lt3A = arith.constant 125 : i32
      %lt3A_29 = arith.cmpi slt, %add3A_28, %lt3A : i32
      %convert_element_type3A = arith.extui %lt3A_29 : i1 to i32
      %cond3A = arith.constant 0 : i32
      %cond3A_30 = arith.cmpi ne, %convert_element_type3A, %cond3A : i32
      scf.if %cond3A_30 {
        %mul3A_31 = arith.constant 80 : i32
        %mul3A_32 = arith.muli %add3A_28, %mul3A_31 : i32
        %mul3A_33 = arith.constant 80 : i32
        %mul3A_34 = arith.muli %add3A_28, %mul3A_33 : i32
        "tpu.region"() ({
          %run_scoped3A = tpu.sem_alloc : memref<!tpu.dma_semaphore, #tpu.memory_space<semaphore_mem>>
          %dma_start3A = arith.constant 0 : i32
          %dma_start3A_35 = tpu.memref_slice %arg5[%arg0, %mul3A_34, %dma_start3A] : memref<2x10000x128xf32, #tpu.memory_space<hbm>> -> memref<1x80x16xf32, #tpu.memory_space<hbm>>
          %dma_start3A_36 = tpu.memref_squeeze %dma_start3A_35 : memref<1x80x16xf32, #tpu.memory_space<hbm>> -> memref<80x16xf32, #tpu.memory_space<hbm>>
          %dma_start3A_37 = arith.constant 0 : i32
          %dma_start3A_38 = tpu.memref_slice %arg17[%mul3A_32, %dma_start3A_37] : memref<10128x16xf32, #tpu.memory_space<vmem_shared>> -> memref<80x16xf32, #tpu.memory_space<vmem_shared>>
          tpu.enqueue_dma source(%dma_start3A_38 : memref<80x16xf32, #tpu.memory_space<vmem_shared>>) target(%dma_start3A_36 : memref<80x16xf32, #tpu.memory_space<hbm>>) target_semaphore(%run_scoped3A : memref<!tpu.dma_semaphore, #tpu.memory_space<semaphore_mem>>)
          %dma_wait3A = arith.constant 0 : i32
          %dma_wait3A_39 = tpu.memref_slice %arg5[%arg0, %mul3A_34, %dma_wait3A] : memref<2x10000x128xf32, #tpu.memory_space<hbm>> -> memref<1x80x16xf32, #tpu.memory_space<hbm>>
          %dma_wait3A_40 = tpu.memref_squeeze %dma_wait3A_39 : memref<1x80x16xf32, #tpu.memory_space<hbm>> -> memref<80x16xf32, #tpu.memory_space<hbm>>
          %dma_wait3A_41 = arith.constant 0 : i32
          %dma_wait3A_42 = tpu.memref_slice %arg17[%mul3A_32, %dma_wait3A_41] : memref<10128x16xf32, #tpu.memory_space<vmem_shared>> -> memref<80x16xf32, #tpu.memory_space<vmem_shared>>
          tpu.wait_dma2 semaphore(%run_scoped3A : memref<!tpu.dma_semaphore, #tpu.memory_space<semaphore_mem>>) src(%dma_wait3A_42 : memref<80x16xf32, #tpu.memory_space<vmem_shared>>) dst(%dma_wait3A_40 : memref<80x16xf32, #tpu.memory_space<hbm>>)
          tpu.yield
        }) : () -> ()
      } else {
      }
    }
    %scan3A_24 = arith.constant 8 : i32
    return
  }
}

module attributes {stable_mosaic.version = 14 : i64} {
  func.func @_tc1a_body(%arg0: i32, %arg1: memref<1000x128xf32, #tpu.memory_space<vmem>>, %arg2: memref<128x128xf32, #tpu.memory_space<vmem>>, %arg3: memref<1000x128xf32, #tpu.memory_space<vmem>>) attributes {dimension_semantics = [#tpu.dimension_semantics<arbitrary>], iteration_bounds = array<i64: 10>, scalar_prefetch = 0 : i64, scratch_operands = 0 : i64, tpu.core_type = #tpu.core_type<tc>, window_params = [{transform_indices = @transform_0, window_bounds = array<i64: 1000, 128>}, {pipeline_mode = #tpu.pipeline_mode<synchronous>, transform_indices = @transform_1, window_bounds = array<i64: 128, 128>}, {transform_indices = @transform_2, window_bounds = array<i64: 1000, 128>}]} {
    %get3A = arith.constant 0 : index
    %get3A_0 = arith.constant 0 : index
    %get3A_1 = vector.load %arg1[%get3A, %get3A_0] : memref<1000x128xf32, #tpu.memory_space<vmem>>, vector<1000x128xf32>
    %get3A_2 = arith.constant 0 : index
    %get3A_3 = arith.constant 0 : index
    %get3A_4 = vector.load %arg2[%get3A_2, %get3A_3] : memref<128x128xf32, #tpu.memory_space<vmem>>, vector<128x128xf32>
    %dot_general3A = arith.constant dense<0.000000e+00> : vector<1000x128xf32>
    %dot_general3A_5 = tpu.matmul %get3A_1, %get3A_4, %dot_general3A {dimension_numbers = #tpu.dot_dimension_numbers<[1], [0], [0], [1], [0, 0, 1, 1], [], []>, transpose_lhs_hint = false} : vector<1000x128xf32>, vector<128x128xf32>, vector<1000x128xf32> -> vector<1000x128xf32>
    %swap3A = arith.constant 0 : index
    %swap3A_6 = arith.constant 0 : index
    %swap3A_7 = vector.load %arg3[%swap3A, %swap3A_6] : memref<1000x128xf32, #tpu.memory_space<vmem>>, vector<1000x128xf32>
    tpu.vector_store %arg3[%swap3A, %swap3A_6], %dot_general3A_5 {strides = array<i32>} : memref<1000x128xf32, #tpu.memory_space<vmem>>, vector<1000x128xf32>,
    return
  }
  func.func @transform_0(%arg0: i32) -> (i32, i32) {
    %c0_i32 = arith.constant 0 : i32
    %c0_i32_0 = arith.constant 0 : i32
    return %arg0, %c0_i32 : i32, i32
  }
  func.func @transform_1(%arg0: i32) -> (i32, i32) {
    %c0_i32 = arith.constant 0 : i32
    %c0_i32_0 = arith.constant 0 : i32
    %c0_i32_1 = arith.constant 0 : i32
    return %c0_i32, %c0_i32_0 : i32, i32
  }
  func.func @transform_2(%arg0: i32) -> (i32, i32) {
    %c0_i32 = arith.constant 0 : i32
    %c0_i32_0 = arith.constant 0 : i32
    return %arg0, %c0_i32 : i32, i32
  }
}

module attributes {stable_mosaic.version = 14 : i64} {
  func.func @_tc1b_body(%arg0: i32, %arg1: memref<1000x128xf32, #tpu.memory_space<vmem>>, %arg2: memref<2x1000x128xf32, #tpu.memory_space<vmem>>, %arg3: memref<1000x128xf32, #tpu.memory_space<vmem>>, %arg4: memref<1000x128xf32, #tpu.memory_space<vmem>>) attributes {dimension_semantics = [#tpu.dimension_semantics<arbitrary>], iteration_bounds = array<i64: 10>, scalar_prefetch = 0 : i64, scratch_operands = 0 : i64, tpu.core_type = #tpu.core_type<tc>, window_params = [{transform_indices = @transform_0, window_bounds = array<i64: 1000, 128>}, {transform_indices = @transform_1, window_bounds = array<i64: 2, 1000, 128>}, {transform_indices = @transform_2, window_bounds = array<i64: 1000, 128>}, {transform_indices = @transform_3, window_bounds = array<i64: 1000, 128>}]} {
    %get3A = arith.constant 0 : index
    %get3A_0 = arith.constant 0 : index
    %get3A_1 = arith.constant 0 : index
    %get3A_2 = vector.load %arg2[%get3A, %get3A_0, %get3A_1] : memref<2x1000x128xf32, #tpu.memory_space<vmem>>, vector<1x1000x1xf32>
    %get3A_3 = vector.shape_cast %get3A_2 : vector<1x1000x1xf32> to vector<1000x1xf32>
    %get3A_4 = arith.constant 1 : index
    %get3A_5 = arith.constant 0 : index
    %get3A_6 = arith.constant 0 : index
    %get3A_7 = vector.load %arg2[%get3A_4, %get3A_5, %get3A_6] : memref<2x1000x128xf32, #tpu.memory_space<vmem>>, vector<1x1000x1xf32>
    %get3A_8 = vector.shape_cast %get3A_7 : vector<1x1000x1xf32> to vector<1000x1xf32>
    %add3A = arith.addf %get3A_3, %get3A_8 : vector<1000x1xf32>
    %add3A_9 = arith.constant 1.000000e+00 : f32
    %add3A_10 = vector.broadcast %add3A_9 : f32 to vector<1000x1xf32>
    %add3A_11 = arith.addf %add3A, %add3A_10 : vector<1000x1xf32>
    %rsqrt3A = math.rsqrt %add3A_11 : vector<1000x1xf32>
    %get3A_12 = arith.constant 0 : index
    %get3A_13 = arith.constant 0 : index
    %get3A_14 = vector.load %arg1[%get3A_12, %get3A_13] : memref<1000x128xf32, #tpu.memory_space<vmem>>, vector<1000x128xf32>
    %mul3A = vector.broadcast %rsqrt3A : vector<1000x1xf32> to vector<1000x128xf32>
    %mul3A_15 = arith.mulf %mul3A, %get3A_14 : vector<1000x128xf32>
    %swap3A = arith.constant 0 : index
    %swap3A_16 = arith.constant 0 : index
    %swap3A_17 = vector.load %arg3[%swap3A, %swap3A_16] : memref<1000x128xf32, #tpu.memory_space<vmem>>, vector<1000x128xf32>
    tpu.vector_store %arg3[%swap3A, %swap3A_16], %mul3A_15 {strides = array<i32>} : memref<1000x128xf32, #tpu.memory_space<vmem>>, vector<1000x128xf32>,
    %broadcast_in_dim3A = vector.shape_cast %rsqrt3A : vector<1000x1xf32> to vector<1000x1xf32>
    %broadcast_in_dim3A_18 = vector.broadcast %broadcast_in_dim3A : vector<1000x1xf32> to vector<1000x128xf32>
    %swap3A_19 = arith.constant 0 : index
    %swap3A_20 = arith.constant 0 : index
    %swap3A_21 = vector.load %arg4[%swap3A_19, %swap3A_20] : memref<1000x128xf32, #tpu.memory_space<vmem>>, vector<1000x128xf32>
    tpu.vector_store %arg4[%swap3A_19, %swap3A_20], %broadcast_in_dim3A_18 {strides = array<i32>} : memref<1000x128xf32, #tpu.memory_space<vmem>>, vector<1000x128xf32>,
    return
  }
  func.func @transform_0(%arg0: i32) -> (i32, i32) {
    %c0_i32 = arith.constant 0 : i32
    %c0_i32_0 = arith.constant 0 : i32
    return %arg0, %c0_i32 : i32, i32
  }
  func.func @transform_1(%arg0: i32) -> (i32, i32, i32) {
    %c0_i32 = arith.constant 0 : i32
    %c0_i32_0 = arith.constant 0 : i32
    %c0_i32_1 = arith.constant 0 : i32
    return %c0_i32, %arg0, %c0_i32_0 : i32, i32, i32
  }
  func.func @transform_2(%arg0: i32) -> (i32, i32) {
    %c0_i32 = arith.constant 0 : i32
    %c0_i32_0 = arith.constant 0 : i32
    return %arg0, %c0_i32 : i32, i32
  }
  func.func @transform_3(%arg0: i32) -> (i32, i32) {
    %c0_i32 = arith.constant 0 : i32
    %c0_i32_0 = arith.constant 0 : i32
    return %arg0, %c0_i32 : i32, i32
  }
}

module attributes {stable_mosaic.version = 14 : i64} {
  func.func @_tc2a_body(%arg0: i32, %arg1: memref<1000x128xf32, #tpu.memory_space<vmem>>, %arg2: memref<1000x128xf32, #tpu.memory_space<vmem>>, %arg3: memref<1000x128xf32, #tpu.memory_space<vmem>>, %arg4: memref<1x128xf32, #tpu.memory_space<vmem>>, %arg5: memref<128x16xf32, #tpu.memory_space<vmem>>, %arg6: memref<1000x128xf32, #tpu.memory_space<vmem>>, %arg7: memref<1000x16xf32, #tpu.memory_space<vmem>>) attributes {dimension_semantics = [#tpu.dimension_semantics<arbitrary>], iteration_bounds = array<i64: 10>, scalar_prefetch = 0 : i64, scratch_operands = 0 : i64, tpu.core_type = #tpu.core_type<tc>, window_params = [{transform_indices = @transform_0, window_bounds = array<i64: 1000, 128>}, {transform_indices = @transform_1, window_bounds = array<i64: 1000, 128>}, {transform_indices = @transform_2, window_bounds = array<i64: 1000, 128>}, {pipeline_mode = #tpu.pipeline_mode<synchronous>, transform_indices = @transform_3, window_bounds = array<i64: 1, 128>}, {pipeline_mode = #tpu.pipeline_mode<synchronous>, transform_indices = @transform_4, window_bounds = array<i64: 128, 16>}, {transform_indices = @transform_5, window_bounds = array<i64: 1000, 128>}, {transform_indices = @transform_6, window_bounds = array<i64: 1000, 16>}]} {
    %get3A = arith.constant 0 : index
    %get3A_0 = arith.constant 0 : index
    %get3A_1 = vector.load %arg3[%get3A, %get3A_0] : memref<1000x128xf32, #tpu.memory_space<vmem>>, vector<1000x1xf32>
    %get3A_2 = arith.constant 0 : index
    %get3A_3 = arith.constant 0 : index
    %get3A_4 = vector.load %arg1[%get3A_2, %get3A_3] : memref<1000x128xf32, #tpu.memory_space<vmem>>, vector<1000x128xf32>
    %get3A_5 = arith.constant 0 : index
    %get3A_6 = arith.constant 0 : index
    %get3A_7 = vector.load %arg2[%get3A_5, %get3A_6] : memref<1000x128xf32, #tpu.memory_space<vmem>>, vector<1000x128xf32>
    %add3A = arith.addf %get3A_4, %get3A_7 : vector<1000x128xf32>
    %mul3A = vector.broadcast %get3A_1 : vector<1000x1xf32> to vector<1000x128xf32>
    %mul3A_8 = arith.mulf %mul3A, %add3A : vector<1000x128xf32>
    %get3A_9 = arith.constant 0 : index
    %get3A_10 = arith.constant 0 : index
    %get3A_11 = vector.load %arg4[%get3A_9, %get3A_10] : memref<1x128xf32, #tpu.memory_space<vmem>>, vector<1x128xf32>
    %add3A_12 = vector.broadcast %get3A_11 : vector<1x128xf32> to vector<1000x128xf32>
    %add3A_13 = arith.addf %mul3A_8, %add3A_12 : vector<1000x128xf32>
    %max3A = arith.constant 0.000000e+00 : f32
    %max3A_14 = vector.broadcast %max3A : f32 to vector<1000x128xf32>
    %max3A_15 = arith.maximumf %add3A_13, %max3A_14 : vector<1000x128xf32>
    %swap3A = arith.constant 0 : index
    %swap3A_16 = arith.constant 0 : index
    %swap3A_17 = vector.load %arg6[%swap3A, %swap3A_16] : memref<1000x128xf32, #tpu.memory_space<vmem>>, vector<1000x128xf32>
    tpu.vector_store %arg6[%swap3A, %swap3A_16], %max3A_15 {strides = array<i32>} : memref<1000x128xf32, #tpu.memory_space<vmem>>, vector<1000x128xf32>,
    %get3A_18 = arith.constant 0 : index
    %get3A_19 = arith.constant 0 : index
    %get3A_20 = vector.load %arg5[%get3A_18, %get3A_19] : memref<128x16xf32, #tpu.memory_space<vmem>>, vector<128x16xf32>
    %dot_general3A = arith.constant dense<0.000000e+00> : vector<1000x16xf32>
    %dot_general3A_21 = tpu.matmul %max3A_15, %get3A_20, %dot_general3A {dimension_numbers = #tpu.dot_dimension_numbers<[1], [0], [0], [1], [0, 0, 1, 1], [], []>, transpose_lhs_hint = false} : vector<1000x128xf32>, vector<128x16xf32>, vector<1000x16xf32> -> vector<1000x16xf32>
    %mul3A_22 = vector.broadcast %get3A_1 : vector<1000x1xf32> to vector<1000x16xf32>
    %mul3A_23 = arith.mulf %mul3A_22, %dot_general3A_21 : vector<1000x16xf32>
    %swap3A_24 = arith.constant 0 : index
    %swap3A_25 = arith.constant 0 : index
    %swap3A_26 = vector.load %arg7[%swap3A_24, %swap3A_25] : memref<1000x16xf32, #tpu.memory_space<vmem>>, vector<1000x16xf32>
    tpu.vector_store %arg7[%swap3A_24, %swap3A_25], %mul3A_23 {strides = array<i32>} : memref<1000x16xf32, #tpu.memory_space<vmem>>, vector<1000x16xf32>,
    return
  }
  func.func @transform_0(%arg0: i32) -> (i32, i32) {
    %c0_i32 = arith.constant 0 : i32
    %c0_i32_0 = arith.constant 0 : i32
    return %arg0, %c0_i32 : i32, i32
  }
  func.func @transform_1(%arg0: i32) -> (i32, i32) {
    %c0_i32 = arith.constant 0 : i32
    %c0_i32_0 = arith.constant 0 : i32
    return %arg0, %c0_i32 : i32, i32
  }
  func.func @transform_2(%arg0: i32) -> (i32, i32) {
    %c0_i32 = arith.constant 0 : i32
    %c0_i32_0 = arith.constant 0 : i32
    return %arg0, %c0_i32 : i32, i32
  }
  func.func @transform_3(%arg0: i32) -> (i32, i32) {
    %c0_i32 = arith.constant 0 : i32
    %c0_i32_0 = arith.constant 0 : i32
    %c0_i32_1 = arith.constant 0 : i32
    return %c0_i32, %c0_i32_0 : i32, i32
  }
  func.func @transform_4(%arg0: i32) -> (i32, i32) {
    %c0_i32 = arith.constant 0 : i32
    %c0_i32_0 = arith.constant 0 : i32
    %c0_i32_1 = arith.constant 0 : i32
    return %c0_i32, %c0_i32_0 : i32, i32
  }
  func.func @transform_5(%arg0: i32) -> (i32, i32) {
    %c0_i32 = arith.constant 0 : i32
    %c0_i32_0 = arith.constant 0 : i32
    return %arg0, %c0_i32 : i32, i32
  }
  func.func @transform_6(%arg0: i32) -> (i32, i32) {
    %c0_i32 = arith.constant 0 : i32
    %c0_i32_0 = arith.constant 0 : i32
    return %arg0, %c0_i32 : i32, i32
  }
}

module attributes {stable_mosaic.version = 14 : i64} {
  func.func @_tc2b_body(%arg0: i32, %arg1: memref<1000x128xf32, #tpu.memory_space<vmem>>, %arg2: memref<128x16xf32, #tpu.memory_space<vmem>>, %arg3: memref<1x16xf32, #tpu.memory_space<vmem>>, %arg4: memref<1000x16xf32, #tpu.memory_space<vmem>>) attributes {dimension_semantics = [#tpu.dimension_semantics<arbitrary>], iteration_bounds = array<i64: 10>, scalar_prefetch = 0 : i64, scratch_operands = 0 : i64, tpu.core_type = #tpu.core_type<tc>, window_params = [{transform_indices = @transform_0, window_bounds = array<i64: 1000, 128>}, {pipeline_mode = #tpu.pipeline_mode<synchronous>, transform_indices = @transform_1, window_bounds = array<i64: 128, 16>}, {pipeline_mode = #tpu.pipeline_mode<synchronous>, transform_indices = @transform_2, window_bounds = array<i64: 1, 16>}, {transform_indices = @transform_3, window_bounds = array<i64: 1000, 16>}]} {
    %get3A = arith.constant 0 : index
    %get3A_0 = arith.constant 0 : index
    %get3A_1 = vector.load %arg1[%get3A, %get3A_0] : memref<1000x128xf32, #tpu.memory_space<vmem>>, vector<1000x128xf32>
    %mul3A = arith.mulf %get3A_1, %get3A_1 : vector<1000x128xf32>
    %reduce_sum3A = arith.constant dense<0.000000e+00> : vector<1000xf32>
    %reduce_sum3A_2 = vector.multi_reduction <add>, %mul3A, %reduce_sum3A [1] : vector<1000x128xf32> to vector<1000xf32>
    %broadcast_in_dim3A = vector.shape_cast %reduce_sum3A_2 : vector<1000xf32> to vector<1000x1xf32>
    %get3A_3 = arith.constant 0 : index
    %get3A_4 = arith.constant 0 : index
    %get3A_5 = vector.load %arg2[%get3A_3, %get3A_4] : memref<128x16xf32, #tpu.memory_space<vmem>>, vector<128x16xf32>
    %dot_general3A = arith.constant dense<0.000000e+00> : vector<1000x16xf32>
    %dot_general3A_6 = tpu.matmul %get3A_1, %get3A_5, %dot_general3A {dimension_numbers = #tpu.dot_dimension_numbers<[1], [0], [0], [1], [0, 0, 1, 1], [], []>, transpose_lhs_hint = false} : vector<1000x128xf32>, vector<128x16xf32>, vector<1000x16xf32> -> vector<1000x16xf32>
    %mul3A_7 = arith.constant 2.000000e+00 : f32
    %mul3A_8 = vector.broadcast %mul3A_7 : f32 to vector<1000x16xf32>
    %mul3A_9 = arith.mulf %mul3A_8, %dot_general3A_6 : vector<1000x16xf32>
    %sub3A = vector.broadcast %broadcast_in_dim3A : vector<1000x1xf32> to vector<1000x16xf32>
    %sub3A_10 = arith.subf %sub3A, %mul3A_9 : vector<1000x16xf32>
    %get3A_11 = arith.constant 0 : index
    %get3A_12 = arith.constant 0 : index
    %get3A_13 = vector.load %arg3[%get3A_11, %get3A_12] : memref<1x16xf32, #tpu.memory_space<vmem>>, vector<1x16xf32>
    %add3A = vector.broadcast %get3A_13 : vector<1x16xf32> to vector<1000x16xf32>
    %add3A_14 = arith.addf %sub3A_10, %add3A : vector<1000x16xf32>
    %add3A_15 = arith.constant 1.000000e+00 : f32
    %add3A_16 = vector.broadcast %add3A_15 : f32 to vector<1000x16xf32>
    %add3A_17 = arith.addf %add3A_16, %add3A_14 : vector<1000x16xf32>
    %div3A = arith.constant 1.000000e+00 : f32
    %div3A_18 = vector.broadcast %div3A : f32 to vector<1000x16xf32>
    %div3A_19 = arith.divf %div3A_18, %add3A_17 : vector<1000x16xf32>
    %reduce_sum3A_20 = arith.constant dense<0.000000e+00> : vector<1000xf32>
    %reduce_sum3A_21 = vector.multi_reduction <add>, %div3A_19, %reduce_sum3A_20 [1] : vector<1000x16xf32> to vector<1000xf32>
    %broadcast_in_dim3A_22 = vector.shape_cast %reduce_sum3A_21 : vector<1000xf32> to vector<1000x1xf32>
    %div3A_23 = vector.broadcast %broadcast_in_dim3A_22 : vector<1000x1xf32> to vector<1000x16xf32>
    %div3A_24 = arith.divf %div3A_19, %div3A_23 : vector<1000x16xf32>
    %swap3A = arith.constant 0 : index
    %swap3A_25 = arith.constant 0 : index
    %swap3A_26 = vector.load %arg4[%swap3A, %swap3A_25] : memref<1000x16xf32, #tpu.memory_space<vmem>>, vector<1000x16xf32>
    tpu.vector_store %arg4[%swap3A, %swap3A_25], %div3A_24 {strides = array<i32>} : memref<1000x16xf32, #tpu.memory_space<vmem>>, vector<1000x16xf32>,
    return
  }
  func.func @transform_0(%arg0: i32) -> (i32, i32) {
    %c0_i32 = arith.constant 0 : i32
    %c0_i32_0 = arith.constant 0 : i32
    return %arg0, %c0_i32 : i32, i32
  }
  func.func @transform_1(%arg0: i32) -> (i32, i32) {
    %c0_i32 = arith.constant 0 : i32
    %c0_i32_0 = arith.constant 0 : i32
    %c0_i32_1 = arith.constant 0 : i32
    return %c0_i32, %c0_i32_0 : i32, i32
  }
  func.func @transform_2(%arg0: i32) -> (i32, i32) {
    %c0_i32 = arith.constant 0 : i32
    %c0_i32_0 = arith.constant 0 : i32
    %c0_i32_1 = arith.constant 0 : i32
    return %c0_i32, %c0_i32_0 : i32, i32
  }
  func.func @transform_3(%arg0: i32) -> (i32, i32) {
    %c0_i32 = arith.constant 0 : i32
    %c0_i32_0 = arith.constant 0 : i32
    return %arg0, %c0_i32 : i32, i32
  }
}

module attributes {stable_mosaic.version = 14 : i64} {
  func.func @_tc3_body(%arg0: i32, %arg1: memref<2x1000x128xf32, #tpu.memory_space<vmem>>, %arg2: memref<1000x16xf32, #tpu.memory_space<vmem>>, %arg3: memref<1000x128xf32, #tpu.memory_space<vmem>>, %arg4: memref<1x16xf32, #tpu.memory_space<vmem>>, %arg5: memref<1000x16xf32, #tpu.memory_space<vmem>>) attributes {dimension_semantics = [#tpu.dimension_semantics<arbitrary>], iteration_bounds = array<i64: 10>, scalar_prefetch = 0 : i64, scratch_operands = 0 : i64, tpu.core_type = #tpu.core_type<tc>, window_params = [{transform_indices = @transform_0, window_bounds = array<i64: 2, 1000, 128>}, {transform_indices = @transform_1, window_bounds = array<i64: 1000, 16>}, {transform_indices = @transform_2, window_bounds = array<i64: 1000, 128>}, {pipeline_mode = #tpu.pipeline_mode<synchronous>, transform_indices = @transform_3, window_bounds = array<i64: 1, 16>}, {transform_indices = @transform_4, window_bounds = array<i64: 1000, 16>}]} {
    %get3A = arith.constant 0 : index
    %get3A_0 = arith.constant 0 : index
    %get3A_1 = arith.constant 0 : index
    %get3A_2 = vector.load %arg1[%get3A, %get3A_0, %get3A_1] : memref<2x1000x128xf32, #tpu.memory_space<vmem>>, vector<1x1000x16xf32>
    %get3A_3 = vector.shape_cast %get3A_2 : vector<1x1000x16xf32> to vector<1000x16xf32>
    %get3A_4 = arith.constant 1 : index
    %get3A_5 = arith.constant 0 : index
    %get3A_6 = arith.constant 0 : index
    %get3A_7 = vector.load %arg1[%get3A_4, %get3A_5, %get3A_6] : memref<2x1000x128xf32, #tpu.memory_space<vmem>>, vector<1x1000x16xf32>
    %get3A_8 = vector.shape_cast %get3A_7 : vector<1x1000x16xf32> to vector<1000x16xf32>
    %add3A = arith.addf %get3A_3, %get3A_8 : vector<1000x16xf32>
    %get3A_9 = arith.constant 0 : index
    %get3A_10 = arith.constant 0 : index
    %get3A_11 = vector.load %arg3[%get3A_9, %get3A_10] : memref<1000x128xf32, #tpu.memory_space<vmem>>, vector<1000x1xf32>
    %get3A_12 = arith.constant 0 : index
    %get3A_13 = arith.constant 0 : index
    %get3A_14 = vector.load %arg2[%get3A_12, %get3A_13] : memref<1000x16xf32, #tpu.memory_space<vmem>>, vector<1000x16xf32>
    %add3A_15 = arith.addf %add3A, %get3A_14 : vector<1000x16xf32>
    %mul3A = vector.broadcast %get3A_11 : vector<1000x1xf32> to vector<1000x16xf32>
    %mul3A_16 = arith.mulf %mul3A, %add3A_15 : vector<1000x16xf32>
    %get3A_17 = arith.constant 0 : index
    %get3A_18 = arith.constant 0 : index
    %get3A_19 = vector.load %arg4[%get3A_17, %get3A_18] : memref<1x16xf32, #tpu.memory_space<vmem>>, vector<1x16xf32>
    %add3A_20 = vector.broadcast %get3A_19 : vector<1x16xf32> to vector<1000x16xf32>
    %add3A_21 = arith.addf %mul3A_16, %add3A_20 : vector<1000x16xf32>
    %reduce_max3A = arith.constant dense<0xFF800000> : vector<1000xf32>
    %reduce_max3A_22 = vector.multi_reduction <maximumf>, %add3A_21, %reduce_max3A [1] : vector<1000x16xf32> to vector<1000xf32>
    %broadcast_in_dim3A = vector.shape_cast %reduce_max3A_22 : vector<1000xf32> to vector<1000x1xf32>
    %sub3A = vector.broadcast %broadcast_in_dim3A : vector<1000x1xf32> to vector<1000x16xf32>
    %sub3A_23 = arith.subf %add3A_21, %sub3A : vector<1000x16xf32>
    %exp3A = math.exp %sub3A_23 : vector<1000x16xf32>
    %reduce_sum3A = arith.constant dense<0.000000e+00> : vector<1000xf32>
    %reduce_sum3A_24 = vector.multi_reduction <add>, %exp3A, %reduce_sum3A [1] : vector<1000x16xf32> to vector<1000xf32>
    %broadcast_in_dim3A_25 = vector.shape_cast %reduce_sum3A_24 : vector<1000xf32> to vector<1000x1xf32>
    %log3A = math.log %broadcast_in_dim3A_25 : vector<1000x1xf32>
    %sub3A_26 = vector.broadcast %log3A : vector<1000x1xf32> to vector<1000x16xf32>
    %sub3A_27 = arith.subf %sub3A_23, %sub3A_26 : vector<1000x16xf32>
    %swap3A = arith.constant 0 : index
    %swap3A_28 = arith.constant 0 : index
    %swap3A_29 = vector.load %arg5[%swap3A, %swap3A_28] : memref<1000x16xf32, #tpu.memory_space<vmem>>, vector<1000x16xf32>
    tpu.vector_store %arg5[%swap3A, %swap3A_28], %sub3A_27 {strides = array<i32>} : memref<1000x16xf32, #tpu.memory_space<vmem>>, vector<1000x16xf32>,
    return
  }
  func.func @transform_0(%arg0: i32) -> (i32, i32, i32) {
    %c0_i32 = arith.constant 0 : i32
    %c0_i32_0 = arith.constant 0 : i32
    %c0_i32_1 = arith.constant 0 : i32
    return %c0_i32, %arg0, %c0_i32_0 : i32, i32, i32
  }
  func.func @transform_1(%arg0: i32) -> (i32, i32) {
    %c0_i32 = arith.constant 0 : i32
    %c0_i32_0 = arith.constant 0 : i32
    return %arg0, %c0_i32 : i32, i32
  }
  func.func @transform_2(%arg0: i32) -> (i32, i32) {
    %c0_i32 = arith.constant 0 : i32
    %c0_i32_0 = arith.constant 0 : i32
    return %arg0, %c0_i32 : i32, i32
  }
  func.func @transform_3(%arg0: i32) -> (i32, i32) {
    %c0_i32 = arith.constant 0 : i32
    %c0_i32_0 = arith.constant 0 : i32
    %c0_i32_1 = arith.constant 0 : i32
    return %c0_i32, %c0_i32_0 : i32, i32
  }
  func.func @transform_4(%arg0: i32) -> (i32, i32) {
    %c0_i32 = arith.constant 0 : i32
    %c0_i32_0 = arith.constant 0 : i32
    return %arg0, %c0_i32 : i32, i32
  }
}

</mosaic_0001>

<sc_bundles>
// kernel: kernel.10.cloned.1.call-start
scs
__scs_entry_jumppad:
0x0: {  	(pc) =	sbr.rel $0x88, $3  }
0x1: {  	(tag) =	ssettag $0x0;
	lr =	simm.s32 $0x1  }
0x2: {  	[smem:$0x3F9A] =	sst lr;
	_ =	strace $0xD0000000  }
0x3: {  	_ = 	snop  }
0x4: {  	_ = 	snop  }
0x5: {  	_ = 	snop  }
0x6: {  	_ = 	snop  }
0x7: {  	_ = 	snop  }
__scs_overlays_trampoline_lowered:
0x8: {  	[smem:$0x3FA9] =	sst s0  }
0x9: {  	[smem:$0x3FAA] =	sst s1  }
0xa: {  	[smem:$0x3FAB] =	sst s2  }
0xb: {  	[smem:$0x3FAC] =	sst s3  }
0xc: {  	[smem:$0x3FAD] =	sst s4  }
0xd: {  	[smem:$0x3FAE] =	sst s5  }
0xe: {  	[smem:$0x3FAF] =	sst s6  }
0xf: {  	[smem:$0x3FB0] =	sst s7  }
0x10: {  	[smem:$0x3FB1] =	sst s8  }
0x11: {  	[smem:$0x3FB2] =	sst s9;
	s0 =	simm.s32 @!p0 $0x0  }
0x12: {  	s1 =	sld [smem:$0x3F98];
	s0 =	simm.s32 @p0 $0x1  }
0x13: {  	[smem:$0x3FB3] =	sst s0;
	s0 =	simm.s32 @!p1 $0x0  }
0x14: {  	s2 =	sld [smem:$0x3F97];
	s0 =	simm.s32 @p1 $0x1  }
0x15: {  	[smem:$0x3FB4] =	sst s0;
	s0 =	simm.s32 @!p2 $0x0  }
0x16: {  	s3 =	sld [smem:$0x3FDB];
	s0 =	simm.s32 @p2 $0x1  }
0x17: {  	s4 =	simm.s32 $0x1BF5;
	[smem:$0x3FB6] =	sst s0  }
0x18: {  	s0 =	sld [smem:$0x3F99];
	_ =	swait.ge [sflag:s4], $0x0  }
0x19: {  	s7 =	sld [smem:$0x3F9A]  }
0x1a: {  	s8 =	sadd.s32 $0xFFFFE003, lr  }
0x1b: {  	s9 =	sadd.s32 $0xFFFFFEF7, lr;
	s5 =	simm.s32 $0xFFFFFFFF;
	p2 =	slt.u32 s8, $0xFFFFF086  }
0x1c: {  	p1 =	slt.u32 s9, $0xF7A;
	s5 =	simm.s32 @!p2 $0x0  }
0x1d: {  	s5 =	simm.s32 @p1 $0x1;
	p0 =	seq.s32 s7, s2  }
0x1e: {  	s7 =	smul.u32 @!p0 $0xF7A, s2;
	p2 =	seq.s32 @!p0 s5, $0x0  }
0x1f: {  	s9 =	smul.u32 $0xF7A, s1;
	s8 =	simm.s32 @!p0 $0x1BF5;
	p2 =	por !p2, p0  }
0x20: {  	[sflag:s8] =	ssyncset.s32 @!p0 $0xFFFFF086;
	s6 =	sadd.s32 @!p0 s3, s7;
	s7 =	simm.s32 @!p0 $0x108  }
0x21: {  	s3 =	sadd.s32 s3, s9;
	s6 =	sadd.s32 @!p0 $0x88, s6;
	s7 =	simm.s32 @p2 $0x1082  }
0x22: {  	[simem:s7], [sflag:s8] =	dma.local @!p0 [hbm:s6], $0xF7A  }
0x23: {  	s9 =	sor.u32 $0xD0000000, s2;
	s6 =	simm.s32 $0x108;
	_ =	swait.ge @!p0 [sflag:s8], $0x0  }
0x24: {  	s3 =	sadd.s32 $0x88, s3;
	s6 =	simm.s32 @!p1 $0x1082;
	[sflag:s4] =	ssyncset.s32 $0xFFFFF086  }
0x25: {  	[simem:s6], [sflag:s4] =	dma.local [hbm:s3], $0xF7A  }
0x26: {  	[smem:$0x3F9A] =	sst s1;
	(tag) =	ssettag s2;
	_ =	strace s9  }
0x27: {  	s1 =	sld [smem:$0x3FAA]  }
0x28: {  	s2 =	sld [smem:$0x3FAB]  }
0x29: {  	s4 =	sld [smem:$0x3FAD]  }
0x2a: {  	p0 =	seq.s32 s5, $0x0;
	s5 =	sld [smem:$0x3FAE]  }
0x2b: {  	s6 =	sld [smem:$0x3FAF]  }
0x2c: {  	s7 =	sld [smem:$0x3FB0]  }
0x2d: {  	s3 =	simm.s32 $0x108;
	s8 =	sld [smem:$0x3FB1]  }
0x2e: {  	s3 =	simm.s32 @!p0 $0x1082;
	s9 =	sld [smem:$0x3FB2]  }
0x2f: {  	lr =	sadd.s32 s0, s3;
	s0 =	sld [smem:$0x3FA9]  }
0x30: {  	s3 =	sld [smem:$0x3FAC]  }
0x31: {  	[smem:$0x3FB5] =	sst s10  }
0x32: {  	s10 =	sld [smem:$0x3FB3];
	_ =	sdelay $0x3  }
0x33: {  	p0 =	seq.s32 s10, $0x1;
	s10 =	sld [smem:$0x3FB5];
	_ =	sdelay $0x3  }
0x34: {  	[smem:$0x3FB5] =	sst s10  }
0x35: {  	s10 =	sld [smem:$0x3FB4];
	_ =	sdelay $0x3  }
0x36: {  	p1 =	seq.s32 s10, $0x1;
	s10 =	sld [smem:$0x3FB5];
	_ =	sdelay $0x3  }
0x37: {  	[smem:$0x3FB5] =	sst s10  }
0x38: {  	s10 =	sld [smem:$0x3FB6]  }
0x39: {  	_ = 	snop;
	(pc) =	sbr.ind lr, $3  }
0x3a: {  	_ = 	snop  }
0x3b: {  	_ = 	snop  }
0x3c: {  	p2 =	seq.s32 s10, $0x1;
	s10 =	sld [smem:$0x3FB5]  }
0x3d: {  	_ =	shalt  }
0x3e: {  	_ =	shalt  }
0x3f: {  	_ =	shalt  }
0x40: {  	_ =	shalt  }
0x41: {  	_ =	shalt  }
0x42: {  	_ =	shalt  }
0x43: {  	_ =	shalt  }
0x44: {  	_ =	shalt  }
0x45: {  	_ =	shalt  }
0x46: {  	_ =	shalt  }
0x47: {  	_ =	shalt  }
0x48: {  	_ =	shalt  }
0x49: {  	_ =	shalt  }
0x4a: {  	_ =	shalt  }
0x4b: {  	_ =	shalt  }
0x4c: {  	_ =	shalt  }
0x4d: {  	_ =	shalt  }
0x4e: {  	_ =	shalt  }
0x4f: {  	_ =	shalt  }
0x50: {  	_ =	shalt  }
0x51: {  	_ =	shalt  }
0x52: {  	_ =	shalt  }
0x53: {  	_ =	shalt  }
0x54: {  	_ =	shalt  }
0x55: {  	_ =	shalt  }
0x56: {  	_ =	shalt  }
0x57: {  	_ =	shalt  }
0x58: {  	_ =	shalt  }
0x59: {  	_ =	shalt  }
0x5a: {  	_ =	shalt  }
0x5b: {  	_ =	shalt  }
0x5c: {  	_ =	shalt  }
0x5d: {  	_ =	shalt  }
0x5e: {  	_ =	shalt  }
0x5f: {  	_ =	shalt  }
0x60: {  	_ =	shalt  }
0x61: {  	_ =	shalt  }
0x62: {  	_ =	shalt  }
0x63: {  	_ =	shalt  }
0x64: {  	_ =	shalt  }
0x65: {  	_ =	shalt  }
0x66: {  	_ =	shalt  }
0x67: {  	_ =	shalt  }
0x68: {  	_ =	shalt  }
0x69: {  	_ =	shalt  }
0x6a: {  	_ =	shalt  }
0x6b: {  	_ =	shalt  }
0x6c: {  	_ =	shalt  }
0x6d: {  	_ =	shalt  }
0x6e: {  	_ =	shalt  }
0x6f: {  	_ =	shalt  }
0x70: {  	_ =	shalt  }
0x71: {  	_ =	shalt  }
0x72: {  	_ =	shalt  }
0x73: {  	_ =	shalt  }
0x74: {  	_ =	shalt  }
0x75: {  	_ =	shalt  }
0x76: {  	_ =	shalt  }
0x77: {  	_ =	shalt  }
0x78: {  	_ =	shalt  }
0x79: {  	_ =	shalt  }
0x7a: {  	_ =	shalt  }
0x7b: {  	_ =	shalt  }
0x7c: {  	_ =	shalt  }
0x7d: {  	_ =	shalt  }
0x7e: {  	_ =	shalt  }
0x7f: {  	_ =	shalt  }
0x80: {  	_ =	shalt  }
0x81: {  	_ =	shalt  }
0x82: {  	_ =	shalt  }
0x83: {  	_ =	shalt  }
0x84: {  	_ =	shalt  }
0x85: {  	_ =	shalt  }
0x86: {  	_ =	shalt  }
0x87: {  	_ =	shalt  }
.Lfunc_end0:
.L_simem_size_0:
called_computation_lowered:
.L_overlay_start_0:
0x88: {  	s2 =	sld [smem:$0x3FD9]  }
0x89: {  	s3 =	sld [smem:$0x3FFE];
	_ =	sdelay $0x1  }
0x8a: {  	s1 =	srdreg.scid  }
0x8b: {  	s0 =	sand.u32 $0x1, s1  }
0x8c: {  	s16 =	sshll.u32 s0, $0xA;
	s2 =	sadd.s32 s3, s2  }
0x8d: {  	s2 =	sadd.s32 s2, s16  }
0x8e: {  	[smem:$0x3FC1] =	sst s2  }
0x8f: {  	_ = 	snop  }
0x90: {  	(tm) =	ssettm $0x1  }
0x91: {  	s17 =	sld [smem:$0x3FFB];
	_ =	sdelay $0x3  }
0x92: {  	_ =	strace s17  }
0x93: {  	s2 =	sld [smem:$0x3FFC];
	_ =	sdelay $0x3  }
0x94: {  	_ =	strace s2  }
0x95: {  	s2 =	sld [smem:$0x3FFD];
	_ =	sdelay $0x3  }
0x96: {  	_ =	strace s2  }
0x97: {  	_ =	strace $0x8FFFFFFF  }
0x98: {  	s18 =	sld [smem:$0x3FDB];
	_ =	sdelay $0x1  }
0x99: {  	s19 =	simm.s32 $_scs_section_size  }
0x9a: {  	s4 =	simm.s32 $_size__tile_overlayer_lowered;
	s5 =	simm.s32 $_tile_overlayer_lowered  }
0x9b: {  	s22 =	simm.s32 $0x1BFF;
	s21 =	sshll.u32 s5, $0x1;
	s2 =	sadd.s32 s19, s18  }
0x9c: {  	s6 =	simm.s32 $0x0;
	s20 =	sshll.u32 s4, $0x1;
	s4 =	sadd.s32 s21, s2  }
0x9d: {  	[timem:s6], [sflag:s22] =	dma.local [hbm:s4], s20  }
0x9e: {  	_ =	swait.ge [sflag:s22], s20  }
0x9f: {  	s3 =	ssub.s32 $0x0, s20;
	[sflag:s22] =	ssyncset.done $0x0  }
0xa0: {  	[sflag:s22] =	ssyncadd.s32 s3;
	_ =	sdelay $0x1  }
0xa1: {  	s23 =	simm.s32 $0x1B8B  }
0xa2: {  	_ =	swait.ge [sflag:s23], $0x1  }
0xa3: {  	[sflag:s23] =	ssyncset.done $0x0  }
0xa4: {  	s25 =	simm.s32 $0x1B8E;
	s24 =	sld [smem:$0x3FFE];
	[sflag:s23] =	ssyncadd.s32 $0xFFFFFFFF  }
0xa5: {  	s26 =	simm.s32 $execute0_lowered;
	[smem:$0x3FD2] =	sst s25  }
0xa6: {  	s4 =	sshll.u32 s26, $0x1;
	_ =	strace $0x80000046;
	[dreg:$0x1] =	wrdreg $0xFFFFFFFF  }
0xa7: {  	s28 =	simm.s32 $_size_execute0_lowered;
	s2 =	sadd.s32 s2, s4;
	[dreg:$0x0] =	wrdreg $0x0  }
0xa8: {  	s4 =	sshll.u32 s28, $0x1;
	[dreg:$0x2] =	wrdreg s2  }
0xa9: {  	[dreg:$0x3] =	wrdreg s4  }
0xaa: {  	[dreg:$0x4] =	wrdreg $0xC0  }
0xab: {  	_ =	task [dreg:s6], $0x5FFFF  }
0xac: {  	[dreg:$0x1] =	wrdreg $0xFFFFFFFF  }
0xad: {  	[dreg:$0x0] =	wrdreg $0x60  }
0xae: {  	[dreg:$0x2] =	wrdreg s24  }
0xaf: {  	[dreg:$0x3] =	wrdreg $0x35000  }
0xb0: {  	[dreg:$0x4] =	wrdreg $0x9  }
0xb1: {  	_ =	task.clear_ibuf [dreg:s6], $0x5FFFF;
	_ =	strace $0x90000046  }
0xb2: {  	s29 =	simm.s32 $0x9;
	_ =	strace $0x80000048  }
0xb3: {  	_ =	swait.ge [sflag:s29], $0x1  }
0xb4: {  	[sflag:s29] =	ssyncadd.s32 $0xFFFFFFFF  }
0xb5: {  	_ =	strace $0x90000048  }
0xb6: {  	_ =	sfence  }
0xb7: {  	s30 =	sld [smem:$0x0];
	_ =	sdelay $0x2  }
0xb8: {  	s31 =	sshll.u32 s1, $0xD;
	s1 =	sshrl.u32 s1, $0x2  }
0xb9: {  	s3 =	sand.u32 $0x4000, s31;
	s1 =	sadd.s32 s1, s30  }
0xba: {  	s0 =	sor.u32 s3, s0;
	s1 =	sshll.u32 s1, $0x11  }
0xbb: {  	s0 =	sor.u32 s1, s0  }
0xbc: {  	s0 =	sadd.s32 $0x8F2B, s0  }
0xbd: {  	[sflag:s0] =	ssyncadd.remote.s32 $0x1  }
0xbe: {  	_ =	sfence.sel $0xFFFF  }
0xbf: {  	[dreg:$0x0] =	wrdreg $0xFFFFFFFF;
	(pc) =	sbr.abs _section_cstart, $3  }
0xc0: {  	[dreg:$0x1] =	wrdreg $0xFFFFFFFF  }
0xc1: {  	_ =	task.clear_ibuf [dreg:s6], $0x2FFFF;
	_ =	strace $0x9FFFFFFF  }
0xc2: {  	(tm) =	ssettm $0x7FFFFFFF  }
0xc3: {  	_ =	shalt  }
tec
execute0_lowered:
.L_overlay_start_1:
0x0: {  	(tag) =	ssettag $0x1  }
0x1: {  	s0 =	stileid.u32  }
0x2: {  	s1 =	srdreg.scid;
	s8 =	smul.u32 $0x1400, s0;
	s12 =	sor.u32 $0x10, s0  }
0x3: {  	s5 =	sand.u32 $0x1, s1;
	s17 =	smul.u32 $0x1400, s12  }
0x4: {  	s13 =	sor.u32 $0x20, s0;
	s19 =	smul.u32 $0x138800, s5  }
0x5: {  	s4 =	rddreg [dreg:$0x0];
	s15 =	sor.u32 $0x30, s0;
	s9 =	smul.u32 $0x1400, s13  }
0x6: {  	s2 =	rddreg [dreg:$0x1];
	s3 =	simm.s32 $0x0;
	s23 =	smul.u32 $0x1400, s15  }
0x7: {  	s28 =	simm.s32 $0x10;
	s6 =	sshll.u32 s0, $0x1;
	s24 =	smul.u32 $0x2800, s12  }
0x8: {  	[smem:$0x7FF] =	sst s3;
	s21 =	sadd.s32 $0x17600, s4;
	s25 =	smul.u32 $0x2800, s13  }
0x9: {  	s6 =	sor.u32 s5, s6;
	s16 =	ssub.s32 $0x2, s5;
	s29 =	smul.u32 $0x2800, s15  }
0xa: {  	_ =	strace $0x80000047;
	s6 =	smul.u32 $0x500, s6;
	s7 =	sshrl.u32 s16, $0x1  }
0xb: {  	s18 =	sshrl.u32 s8, $0x2;
	s7 =	ssub.s32 s16, s7;
	s20 =	sshrl.u32 s17, $0x2  }
0xc: {  	s22 =	sshrl.u32 s9, $0x2;
	s16 =	sor.u32 $0x40, s0;
	s17 =	sor.u32 $0x50, s0  }
0xd: {  	s9 =	sshrl.u32 s23, $0x2;
	s24 =	sadd.s32 s19, s24;
	s26 =	sadd.s32 s19, s25  }
0xe: {  	s25 =	sadd.s32 s19, s29;
	s6 =	sadd.s32 s6, s4;
	s5 =	smax.u32 s7, $0x1  }
0xf: {  	s7 =	sadd.s32 s20, s2;
	s8 =	sadd.s32 s22, s2;
	s10 =	smul.u32 $0x1400, s16  }
0x10: {  	s11 =	smul.u32 $0x1400, s17;
	s9 =	sadd.s32 s9, s2;
	s22 =	sor.u32 $0x70, s0  }
0x11: {  	s20 =	smul.u32 $0x2800, s0;
	s30 =	sshrl.u32 s24, $0x3;
	s31 =	sshrl.u32 s26, $0x3  }
0x12: {  	s1 =	smul.u32 $0x2800, s17;
	s17 =	sshrl.u32 s25, $0x3;
	s25 =	simm.s32 $0x2800  }
0x13: {  	s4 =	sadd.s32 $0xD600, s6;
	s6 =	sadd.s32 s18, s2;
	s23 =	smul.u32 $0x1400, s22  }
0x14: {  	s18 =	sor.u32 $0x60, s0;
	s0 =	smul.u32 $0x2800, s16;
	s15 =	sadd.s32 s21, s30  }
0x15: {  	s16 =	sadd.s32 s21, s31;
	s30 =	smul.u32 $0x2800, s22;
	s17 =	sadd.s32 s21, s17  }
0x16: {  	p0 =	sgt.u32 s22, $0x7C;
	s22 =	simm.s32 $0x3000;
	s10 =	sshrl.u32 s10, $0x2  }
0x17: {  	s14 =	smul.u32 $0x1400, s18;
	s11 =	sshrl.u32 s11, $0x2;
	s20 =	sadd.s32 s19, s20  }
0x18: {  	s26 =	smul.u32 $0x2800, s18;
	s10 =	sadd.s32 s10, s2;
	s11 =	sadd.s32 s11, s2  }
0x19: {  	s23 =	sshrl.u32 s23, $0x2;
	s20 =	sshrl.u32 s20, $0x3;
	s14 =	sshrl.u32 s14, $0x2  }
0x1a: {  	s13 =	sadd.s32 s23, s2;
	s23 =	sadd.s32 s19, s0;
	s24 =	sadd.s32 s19, s26  }
0x1b: {  	s26 =	simm.s32 $0x1;
	s12 =	sadd.s32 s14, s2;
	s14 =	sadd.s32 s21, s20  }
0x1c: {  	s29 =	sshrl.u32 s23, $0x3;
	s20 =	sadd.s32 s19, s1;
	s23 =	sadd.s32 s19, s30  }
0x1d: {  	s31 =	sshrl.u32 s24, $0x3;
	s24 =	simm.s32 $0x80;
	s20 =	sshrl.u32 s20, $0x3  }
0x1e: {  	s18 =	sadd.s32 s21, s29;
	s23 =	sshrl.u32 s23, $0x3;
	s19 =	sadd.s32 s21, s20  }
0x1f: {  	v0 =	vimm.f32 $1.000000000e+00;
	v1 =	vimm.f32 $0.0e+00;
	s20 =	sadd.s32 s21, s31;
	s21 =	sadd.s32 s21, s23;
	s23 =	simm.s32 $0x2  }
.LBB2_1:
0x20: {  	s29 =	simm.s32 $0x0  }
.LBB2_2:
0x21: {  	p1 =	sne.s32 s29, $0x1FC0  }
.Ltmp0:
0x22: {  	_ = 	snop;
	(pc) =	sbr.rel @p1 .LBB2_2-.Ltmp0, $3  }
0x23: {  	_ =	sdelay $0x1  }
0x24: {  	s30 =	sshra.s32 s29, $0x2  }
0x25: {  	s29 =	sadd.s32 $0x40, s29;
	[tilespmem:s30+$0x2800] =	vst v0  }
0x26: {  	s29 =	simm.s32 $0x40;
	s30 =	simm.s32 $0x0  }
.LBB2_4:
0x27: {  	p1 =	sne.s32 s29, $0x13C0;
	[tilespmem:s30+$0x3000] =	vst v1;
	s30 =	smov.u32 s29;
	s29 =	sadd.s32 $0x40, s29  }
.Ltmp1:
0x28: {  	(pc) =	sbr.rel @p1 .LBB2_4-.Ltmp1, $2  }
0x29: {  	_ =	sdelay $0x2  }
0x2a: {  	s30 =	sshra.s32 s30, $0x2  }
0x2b: {  	[tilespmem:s30+$0x3000] =	vst v1  }
0x2c: {  	[spmem:s6] =	stream.linear.scatter [tilespmem:s22], [sflag:$0x2], $0x500, $0x38;
	[tilespmem:$0x5C90] =	vst v63  }
0x2d: {  	_ =	swait.ge [sflag:s23], $0x500  }
0x2e: {  	[sflag:s23] =	ssyncset.done $0x0  }
0x2f: {  	[sflag:s23] =	ssyncadd.s32 $0xFFFFFB00  }
0x30: {  	[spmem:s7] =	stream.linear.scatter [tilespmem:s22], [sflag:$0x2], $0x500, $0x38;
	[tilespmem:$0x5C90] =	vst v63  }
0x31: {  	_ =	swait.ge [sflag:s23], $0x500  }
0x32: {  	[sflag:s23] =	ssyncset.done $0x0  }
0x33: {  	[sflag:s23] =	ssyncadd.s32 $0xFFFFFB00  }
0x34: {  	[spmem:s8] =	stream.linear.scatter [tilespmem:s22], [sflag:$0x2], $0x500, $0x38;
	[tilespmem:$0x5C90] =	vst v63  }
0x35: {  	_ =	swait.ge [sflag:s23], $0x500  }
0x36: {  	[sflag:s23] =	ssyncset.done $0x0  }
0x37: {  	[sflag:s23] =	ssyncadd.s32 $0xFFFFFB00  }
0x38: {  	[spmem:s9] =	stream.linear.scatter [tilespmem:s22], [sflag:$0x2], $0x500, $0x38;
	[tilespmem:$0x5C90] =	vst v63  }
0x39: {  	_ =	swait.ge [sflag:s23], $0x500  }
0x3a: {  	[sflag:s23] =	ssyncset.done $0x0  }
0x3b: {  	[sflag:s23] =	ssyncadd.s32 $0xFFFFFB00  }
0x3c: {  	[spmem:s10] =	stream.linear.scatter [tilespmem:s22], [sflag:$0x2], $0x500, $0x38;
	[tilespmem:$0x5C90] =	vst v63  }
0x3d: {  	_ =	swait.ge [sflag:s23], $0x500  }
0x3e: {  	[sflag:s23] =	ssyncset.done $0x0  }
0x3f: {  	[sflag:s23] =	ssyncadd.s32 $0xFFFFFB00  }
0x40: {  	[spmem:s11] =	stream.linear.scatter [tilespmem:s22], [sflag:$0x2], $0x500, $0x38;
	[tilespmem:$0x5C90] =	vst v63  }
0x41: {  	_ =	swait.ge [sflag:s23], $0x500  }
0x42: {  	[sflag:s23] =	ssyncset.done $0x0  }
0x43: {  	[sflag:s23] =	ssyncadd.s32 $0xFFFFFB00  }
0x44: {  	[spmem:s12] =	stream.linear.scatter [tilespmem:s22], [sflag:$0x2], $0x500, $0x38;
	[tilespmem:$0x5C90] =	vst v63  }
0x45: {  	_ =	swait.ge [sflag:s23], $0x500  }
0x46: {  	[sflag:s23] =	ssyncset.done $0x0  }
0x47: {  	s29 =	simm.s32 @!p0 $0x3000;
	[sflag:s23] =	ssyncadd.s32 $0xFFFFFB00  }
0x48: {  	[spmem:s13] =	stream.linear.scatter @!p0 [tilespmem:s29], [sflag:$0x2], $0x500, $0x38;
	[tilespmem:$0x5C90] =	vst v63  }
0x49: {  	s29 =	simm.s32 @!p0 $0x2  }
0x4a: {  	_ =	swait.ge @!p0 [sflag:s29], $0x500  }
0x4b: {  	[sflag:s29] =	ssyncset.done @!p0 $0x0  }
0x4c: {  	[sflag:s29] =	ssyncadd.s32 @!p0 $0xFFFFFB00  }
0x4d: {  	s29 =	simm.s32 $0x0;
	[bflag:$0x0] =	sbarrier.arrive $0xFFFF  }
0x4e: {  	[tilespmem:s29], [sflag:$0x2] =	stream.linear.gather [hbm4b:s4+s29], $0x2800, $0x38;
	[tilespmem:$0x5C90] =	vst v63  }
0x4f: {  	_ =	swait.ge [sflag:s23], $0x2800  }
0x50: {  	[sflag:s23] =	ssyncset.done $0x0  }
0x51: {  	[sflag:s23] =	ssyncadd.s32 $0xFFFFD800  }
.LBB2_6:
0x52: {  	p1 =	sne.s32 s29, $0x9E00  }
.Ltmp2:
0x53: {  	_ = 	snop;
	(pc) =	sbr.rel @p1 .LBB2_6-.Ltmp2, $3  }
0x54: {  	_ =	sdelay $0x1  }
0x55: {  	s30 =	sshra.s32 s29, $0x2;
	s29 =	sadd.s32 $0x200, s29  }
0x56: {  	[spmem:s2] =	stream.indirect.scatter.add.f32 [tilespmem:s25], [sflag:$0x1], $0x10, s30, s24, $0xb8;
	[tilespmem:$0x5C90] =	vst v63  }
0x57: {  	_ =	swait.ge [sflag:s26], $0x800  }
0x58: {  	s29 =	simm.s32 $0x4F;
	[sflag:s26] =	ssyncset.done $0x0  }
.LBB2_8:
0x59: {  	p1 =	sne.s32 s29, $0x1;
	s29 =	sadd.s32 $0xFFFFFFFF, s29;
	[sflag:s26] =	ssyncadd.s32 $0xFFFFF800  }
.Ltmp3:
0x5a: {  	(pc) =	sbr.rel @p1 .LBB2_8-.Ltmp3, $3  }
0x5b: {  	_ =	sdelay $0x1  }
0x5c: {  	_ =	swait.ge [sflag:s26], $0x800  }
0x5d: {  	[sflag:s26] =	ssyncset.done $0x0  }
0x5e: {  	s0 =	stileid.u32  }
0x5f: {  	[sflag:s26] =	ssyncadd.s32 $0xFFFFF800;
	s29 =	sshll.u32 s0, $0x6  }
0x60: {  	s30 =	sshrl.u32 s6, $0x3;
	[bflag:$0x0] =	sbarrier.arrive $0xFFFF;
	s29 =	sor.u32 $0x1C02, s29  }
0x61: {  	[hbm:s14@s28], [sflag:s29] =	dma.strided [spmem:s30@s23], $0xA0, s26, $0x2   }
0x62: {  	_ =	swait.ge [sflag:s23], $0xA0  }
0x63: {  	[sflag:s23] =	ssyncset.done $0x0  }
0x64: {  	s0 =	sshrl.u32 s7, $0x3;
	[sflag:s23] =	ssyncadd.s32 $0xFFFFFF60  }
0x65: {  	[hbm:s15@s28], [sflag:s29] =	dma.strided [spmem:s0@s23], $0xA0, s26, $0x2   }
0x66: {  	_ =	swait.ge [sflag:s23], $0xA0  }
0x67: {  	[sflag:s23] =	ssyncset.done $0x0  }
0x68: {  	s1 =	sshrl.u32 s8, $0x3;
	[sflag:s23] =	ssyncadd.s32 $0xFFFFFF60  }
0x69: {  	[hbm:s16@s28], [sflag:s29] =	dma.strided [spmem:s1@s23], $0xA0, s26, $0x2   }
0x6a: {  	_ =	swait.ge [sflag:s23], $0xA0  }
0x6b: {  	[sflag:s23] =	ssyncset.done $0x0  }
0x6c: {  	s31 =	sshrl.u32 s9, $0x3;
	[sflag:s23] =	ssyncadd.s32 $0xFFFFFF60  }
0x6d: {  	[hbm:s17@s28], [sflag:s29] =	dma.strided [spmem:s31@s23], $0xA0, s26, $0x2   }
0x6e: {  	_ =	swait.ge [sflag:s23], $0xA0  }
0x6f: {  	[sflag:s23] =	ssyncset.done $0x0  }
0x70: {  	s0 =	sshrl.u32 s10, $0x3;
	[sflag:s23] =	ssyncadd.s32 $0xFFFFFF60  }
0x71: {  	[hbm:s18@s28], [sflag:s29] =	dma.strided [spmem:s0@s23], $0xA0, s26, $0x2   }
0x72: {  	_ =	swait.ge [sflag:s23], $0xA0  }
0x73: {  	[sflag:s23] =	ssyncset.done $0x0  }
0x74: {  	s1 =	sshrl.u32 s11, $0x3;
	[sflag:s23] =	ssyncadd.s32 $0xFFFFFF60  }
0x75: {  	[hbm:s19@s28], [sflag:s29] =	dma.strided [spmem:s1@s23], $0xA0, s26, $0x2   }
0x76: {  	_ =	swait.ge [sflag:s23], $0xA0  }
0x77: {  	[sflag:s23] =	ssyncset.done $0x0  }
0x78: {  	s3 =	sadd.s32 $0x1, s3;
	s31 =	sshrl.u32 s12, $0x3;
	[sflag:s23] =	ssyncadd.s32 $0xFFFFFF60  }
0x79: {  	[hbm:s20@s28], [sflag:s29] =	dma.strided [spmem:s31@s23], $0xA0, s26, $0x2   }
0x7a: {  	p1 =	sne.s32 s3, s5;
	s30 =	sshrl.u32 @!p0 s13, $0x3;
	_ =	swait.ge [sflag:s23], $0xA0  }
0x7b: {  	s0 =	simm.s32 @!p0 $0x2;
	s1 =	simm.s32 @!p0 $0x10;
	[sflag:s23] =	ssyncset.done $0x0  }
.Ltmp4:
0x7c: {  	s31 =	simm.s32 @!p0 $0x1;
	[sflag:s23] =	ssyncadd.s32 $0xFFFFFF60;
	(pc) =	sbr.rel @p1 .LBB2_1-.Ltmp4, $4  }
0x7d: {  	[hbm:s21@s1], [sflag:s29] =	dma.strided @!p0 [spmem:s30@s0], $0xA0, s31, $0x2   }
0x7e: {  	_ =	swait.ge @!p0 [sflag:s0], $0xA0  }
0x7f: {  	[sflag:s0] =	ssyncset.done @!p0 $0x0  }
0x80: {  	[sflag:s0] =	ssyncadd.s32 @!p0 $0xFFFFFF60  }
0x81: {  	_ =	sfence.sel $0x180000  }
0x82: {  	[bflag:$0x0] =	sbarrier.arrive $0xFFFF  }
0x83: {  	_ =	strace $0x90000047  }
0x84: {  	s0 =	stileid.u32;
	[bflag:$0x2] =	sbarrier.arrive $0xFFFF  }
0x85: {  	p0 =	sne.s32 s0, $0x0;
	s0 =	rddreg [dreg:$0x2]  }
0x86: {  	s0 =	sadd.s32 @!p0 $0x100000, s0  }
0x87: {  	[sflag:s0] =	ssyncadd.tile.s32 @!p0 $0x1;
	_ =	shalt  }
.Lfunc_end2:
_tile_overlayer_lowered:
.L_overlay_start_2:
0x88: {  	(tag) =	ssettag $0x2  }
0x89: {  	s0 =	rddreg [dreg:$0x0];
	s2 =	stileid.u32  }
0x8a: {  	s1 =	rddreg [dreg:$0x1];
	p0 =	sne.s32 s2, $0x0  }
0x8b: {  	s3 =	rddreg [dreg:$0x2];
	[bflag:$0x3] =	sbarrier.arrive $0xFFFF;
	s2 =	simm.s32 @!p0 $0x1C02  }
0x8c: {  	[timem:s3], [sflag:s2] =	dma.local @!p0 [hbm:s0], s1  }
0x8d: {  	s0 =	simm.s32 @!p0 $0x2  }
0x8e: {  	_ =	swait.ge @!p0 [sflag:s0], s1  }
0x8f: {  	s1 =	ssub.s32 @!p0 $0x0, s1;
	[sflag:s0] =	ssyncset.done @!p0 $0x0  }
0x90: {  	[sflag:s0] =	ssyncadd.s32 @!p0 s1  }
0x91: {  	[bflag:$0x3] =	sbarrier.arrive $0xFFFF  }
0x92: {  	_ =	shalt  }

// kernel: kernel.13.cloned.1.call-start
scs
__scs_entry_jumppad:
0x0: {  	(pc) =	sbr.rel $0x88, $3  }
0x1: {  	(tag) =	ssettag $0x0;
	lr =	simm.s32 $0x1  }
0x2: {  	[smem:$0x3F9A] =	sst lr;
	_ =	strace $0xD0000000  }
0x3: {  	_ = 	snop  }
0x4: {  	_ = 	snop  }
0x5: {  	_ = 	snop  }
0x6: {  	_ = 	snop  }
0x7: {  	_ = 	snop  }
__scs_overlays_trampoline_lowered:
0x8: {  	[smem:$0x3FA9] =	sst s0  }
0x9: {  	[smem:$0x3FAA] =	sst s1  }
0xa: {  	[smem:$0x3FAB] =	sst s2  }
0xb: {  	[smem:$0x3FAC] =	sst s3  }
0xc: {  	[smem:$0x3FAD] =	sst s4  }
0xd: {  	[smem:$0x3FAE] =	sst s5  }
0xe: {  	[smem:$0x3FAF] =	sst s6  }
0xf: {  	[smem:$0x3FB0] =	sst s7  }
0x10: {  	[smem:$0x3FB1] =	sst s8  }
0x11: {  	[smem:$0x3FB2] =	sst s9;
	s0 =	simm.s32 @!p0 $0x0  }
0x12: {  	s1 =	sld [smem:$0x3F98];
	s0 =	simm.s32 @p0 $0x1  }
0x13: {  	[smem:$0x3FB3] =	sst s0;
	s0 =	simm.s32 @!p1 $0x0  }
0x14: {  	s2 =	sld [smem:$0x3F97];
	s0 =	simm.s32 @p1 $0x1  }
0x15: {  	[smem:$0x3FB4] =	sst s0;
	s0 =	simm.s32 @!p2 $0x0  }
0x16: {  	s3 =	sld [smem:$0x3FDB];
	s0 =	simm.s32 @p2 $0x1  }
0x17: {  	s4 =	simm.s32 $0x1BF5;
	[smem:$0x3FB6] =	sst s0  }
0x18: {  	s0 =	sld [smem:$0x3F99];
	_ =	swait.ge [sflag:s4], $0x0  }
0x19: {  	s7 =	sld [smem:$0x3F9A]  }
0x1a: {  	s8 =	sadd.s32 $0xFFFFE003, lr  }
0x1b: {  	s9 =	sadd.s32 $0xFFFFFEF7, lr;
	s5 =	simm.s32 $0xFFFFFFFF;
	p2 =	slt.u32 s8, $0xFFFFF086  }
0x1c: {  	p1 =	slt.u32 s9, $0xF7A;
	s5 =	simm.s32 @!p2 $0x0  }
0x1d: {  	s5 =	simm.s32 @p1 $0x1;
	p0 =	seq.s32 s7, s2  }
0x1e: {  	s7 =	smul.u32 @!p0 $0xF7A, s2;
	p2 =	seq.s32 @!p0 s5, $0x0  }
0x1f: {  	s9 =	smul.u32 $0xF7A, s1;
	s8 =	simm.s32 @!p0 $0x1BF5;
	p2 =	por !p2, p0  }
0x20: {  	[sflag:s8] =	ssyncset.s32 @!p0 $0xFFFFF086;
	s6 =	sadd.s32 @!p0 s3, s7;
	s7 =	simm.s32 @!p0 $0x108  }
0x21: {  	s3 =	sadd.s32 s3, s9;
	s6 =	sadd.s32 @!p0 $0x88, s6;
	s7 =	simm.s32 @p2 $0x1082  }
0x22: {  	[simem:s7], [sflag:s8] =	dma.local @!p0 [hbm:s6], $0xF7A  }
0x23: {  	s9 =	sor.u32 $0xD0000000, s2;
	s6 =	simm.s32 $0x108;
	_ =	swait.ge @!p0 [sflag:s8], $0x0  }
0x24: {  	s3 =	sadd.s32 $0x88, s3;
	s6 =	simm.s32 @!p1 $0x1082;
	[sflag:s4] =	ssyncset.s32 $0xFFFFF086  }
0x25: {  	[simem:s6], [sflag:s4] =	dma.local [hbm:s3], $0xF7A  }
0x26: {  	[smem:$0x3F9A] =	sst s1;
	(tag) =	ssettag s2;
	_ =	strace s9  }
0x27: {  	s1 =	sld [smem:$0x3FAA]  }
0x28: {  	s2 =	sld [smem:$0x3FAB]  }
0x29: {  	s4 =	sld [smem:$0x3FAD]  }
0x2a: {  	p0 =	seq.s32 s5, $0x0;
	s5 =	sld [smem:$0x3FAE]  }
0x2b: {  	s6 =	sld [smem:$0x3FAF]  }
0x2c: {  	s7 =	sld [smem:$0x3FB0]  }
0x2d: {  	s3 =	simm.s32 $0x108;
	s8 =	sld [smem:$0x3FB1]  }
0x2e: {  	s3 =	simm.s32 @!p0 $0x1082;
	s9 =	sld [smem:$0x3FB2]  }
0x2f: {  	lr =	sadd.s32 s0, s3;
	s0 =	sld [smem:$0x3FA9]  }
0x30: {  	s3 =	sld [smem:$0x3FAC]  }
0x31: {  	[smem:$0x3FB5] =	sst s10  }
0x32: {  	s10 =	sld [smem:$0x3FB3];
	_ =	sdelay $0x3  }
0x33: {  	p0 =	seq.s32 s10, $0x1;
	s10 =	sld [smem:$0x3FB5];
	_ =	sdelay $0x3  }
0x34: {  	[smem:$0x3FB5] =	sst s10  }
0x35: {  	s10 =	sld [smem:$0x3FB4];
	_ =	sdelay $0x3  }
0x36: {  	p1 =	seq.s32 s10, $0x1;
	s10 =	sld [smem:$0x3FB5];
	_ =	sdelay $0x3  }
0x37: {  	[smem:$0x3FB5] =	sst s10  }
0x38: {  	s10 =	sld [smem:$0x3FB6]  }
0x39: {  	_ = 	snop;
	(pc) =	sbr.ind lr, $3  }
0x3a: {  	_ = 	snop  }
0x3b: {  	_ = 	snop  }
0x3c: {  	p2 =	seq.s32 s10, $0x1;
	s10 =	sld [smem:$0x3FB5]  }
0x3d: {  	_ =	shalt  }
0x3e: {  	_ =	shalt  }
0x3f: {  	_ =	shalt  }
0x40: {  	_ =	shalt  }
0x41: {  	_ =	shalt  }
0x42: {  	_ =	shalt  }
0x43: {  	_ =	shalt  }
0x44: {  	_ =	shalt  }
0x45: {  	_ =	shalt  }
0x46: {  	_ =	shalt  }
0x47: {  	_ =	shalt  }
0x48: {  	_ =	shalt  }
0x49: {  	_ =	shalt  }
0x4a: {  	_ =	shalt  }
0x4b: {  	_ =	shalt  }
0x4c: {  	_ =	shalt  }
0x4d: {  	_ =	shalt  }
0x4e: {  	_ =	shalt  }
0x4f: {  	_ =	shalt  }
0x50: {  	_ =	shalt  }
0x51: {  	_ =	shalt  }
0x52: {  	_ =	shalt  }
0x53: {  	_ =	shalt  }
0x54: {  	_ =	shalt  }
0x55: {  	_ =	shalt  }
0x56: {  	_ =	shalt  }
0x57: {  	_ =	shalt  }
0x58: {  	_ =	shalt  }
0x59: {  	_ =	shalt  }
0x5a: {  	_ =	shalt  }
0x5b: {  	_ =	shalt  }
0x5c: {  	_ =	shalt  }
0x5d: {  	_ =	shalt  }
0x5e: {  	_ =	shalt  }
0x5f: {  	_ =	shalt  }
0x60: {  	_ =	shalt  }
0x61: {  	_ =	shalt  }
0x62: {  	_ =	shalt  }
0x63: {  	_ =	shalt  }
0x64: {  	_ =	shalt  }
0x65: {  	_ =	shalt  }
0x66: {  	_ =	shalt  }
0x67: {  	_ =	shalt  }
0x68: {  	_ =	shalt  }
0x69: {  	_ =	shalt  }
0x6a: {  	_ =	shalt  }
0x6b: {  	_ =	shalt  }
0x6c: {  	_ =	shalt  }
0x6d: {  	_ =	shalt  }
0x6e: {  	_ =	shalt  }
0x6f: {  	_ =	shalt  }
0x70: {  	_ =	shalt  }
0x71: {  	_ =	shalt  }
0x72: {  	_ =	shalt  }
0x73: {  	_ =	shalt  }
0x74: {  	_ =	shalt  }
0x75: {  	_ =	shalt  }
0x76: {  	_ =	shalt  }
0x77: {  	_ =	shalt  }
0x78: {  	_ =	shalt  }
0x79: {  	_ =	shalt  }
0x7a: {  	_ =	shalt  }
0x7b: {  	_ =	shalt  }
0x7c: {  	_ =	shalt  }
0x7d: {  	_ =	shalt  }
0x7e: {  	_ =	shalt  }
0x7f: {  	_ =	shalt  }
0x80: {  	_ =	shalt  }
0x81: {  	_ =	shalt  }
0x82: {  	_ =	shalt  }
0x83: {  	_ =	shalt  }
0x84: {  	_ =	shalt  }
0x85: {  	_ =	shalt  }
0x86: {  	_ =	shalt  }
0x87: {  	_ =	shalt  }
.Lfunc_end0:
.L_simem_size_0:
called_computation.1_lowered:
.L_overlay_start_0:
0x88: {  	s2 =	sld [smem:$0x3FD9]  }
0x89: {  	s3 =	sld [smem:$0x3FFE];
	_ =	sdelay $0x1  }
0x8a: {  	s1 =	srdreg.scid  }
0x8b: {  	s0 =	sand.u32 $0x1, s1  }
0x8c: {  	s16 =	sshll.u32 s0, $0xA;
	s2 =	sadd.s32 s3, s2  }
0x8d: {  	s2 =	sadd.s32 s2, s16  }
0x8e: {  	[smem:$0x3FC1] =	sst s2  }
0x8f: {  	_ = 	snop  }
0x90: {  	(tm) =	ssettm $0x1  }
0x91: {  	s17 =	sld [smem:$0x3FFB];
	_ =	sdelay $0x3  }
0x92: {  	_ =	strace s17  }
0x93: {  	s2 =	sld [smem:$0x3FFC];
	_ =	sdelay $0x3  }
0x94: {  	_ =	strace s2  }
0x95: {  	s2 =	sld [smem:$0x3FFD];
	_ =	sdelay $0x3  }
0x96: {  	_ =	strace s2  }
0x97: {  	_ =	strace $0x8FFFFFFF  }
0x98: {  	s18 =	sld [smem:$0x3FDB];
	_ =	sdelay $0x1  }
0x99: {  	s19 =	simm.s32 $_scs_section_size  }
0x9a: {  	s4 =	simm.s32 $_size__tile_overlayer_lowered;
	s5 =	simm.s32 $_tile_overlayer_lowered  }
0x9b: {  	s22 =	simm.s32 $0x1BFF;
	s21 =	sshll.u32 s5, $0x1;
	s2 =	sadd.s32 s19, s18  }
0x9c: {  	s6 =	simm.s32 $0x0;
	s20 =	sshll.u32 s4, $0x1;
	s4 =	sadd.s32 s21, s2  }
0x9d: {  	[timem:s6], [sflag:s22] =	dma.local [hbm:s4], s20  }
0x9e: {  	_ =	swait.ge [sflag:s22], s20  }
0x9f: {  	s3 =	ssub.s32 $0x0, s20;
	[sflag:s22] =	ssyncset.done $0x0  }
0xa0: {  	[sflag:s22] =	ssyncadd.s32 s3;
	_ =	sdelay $0x1  }
0xa1: {  	s23 =	simm.s32 $0x1B8B  }
0xa2: {  	_ =	swait.ge [sflag:s23], $0x1  }
0xa3: {  	[sflag:s23] =	ssyncset.done $0x0  }
0xa4: {  	s25 =	simm.s32 $0x1B8E;
	s24 =	sld [smem:$0x3FFE];
	[sflag:s23] =	ssyncadd.s32 $0xFFFFFFFF  }
0xa5: {  	s26 =	simm.s32 $execute0_lowered;
	[smem:$0x3FD2] =	sst s25  }
0xa6: {  	s4 =	sshll.u32 s26, $0x1;
	_ =	strace $0x80000049;
	[dreg:$0x1] =	wrdreg $0xFFFFFFFF  }
0xa7: {  	s28 =	simm.s32 $_size_execute0_lowered;
	s2 =	sadd.s32 s2, s4;
	[dreg:$0x0] =	wrdreg $0x0  }
0xa8: {  	s4 =	sshll.u32 s28, $0x1;
	[dreg:$0x2] =	wrdreg s2  }
0xa9: {  	[dreg:$0x3] =	wrdreg s4  }
0xaa: {  	[dreg:$0x4] =	wrdreg $0xC0  }
0xab: {  	_ =	task [dreg:s6], $0x5FFFF  }
0xac: {  	[dreg:$0x1] =	wrdreg $0xFFFFFFFF  }
0xad: {  	[dreg:$0x0] =	wrdreg $0x60  }
0xae: {  	[dreg:$0x2] =	wrdreg s24  }
0xaf: {  	[dreg:$0x3] =	wrdreg $0x134000  }
0xb0: {  	[dreg:$0x4] =	wrdreg $0x9  }
0xb1: {  	_ =	task.clear_ibuf [dreg:s6], $0x5FFFF;
	_ =	strace $0x90000049  }
0xb2: {  	s29 =	simm.s32 $0x9;
	_ =	strace $0x8000004B  }
0xb3: {  	_ =	swait.ge [sflag:s29], $0x1  }
0xb4: {  	[sflag:s29] =	ssyncadd.s32 $0xFFFFFFFF  }
0xb5: {  	_ =	strace $0x9000004B  }
0xb6: {  	_ =	sfence  }
0xb7: {  	s30 =	sld [smem:$0x0];
	_ =	sdelay $0x2  }
0xb8: {  	s31 =	sshll.u32 s1, $0xD;
	s1 =	sshrl.u32 s1, $0x2  }
0xb9: {  	s3 =	sand.u32 $0x4000, s31;
	s1 =	sadd.s32 s1, s30  }
0xba: {  	s0 =	sor.u32 s3, s0;
	s1 =	sshll.u32 s1, $0x11  }
0xbb: {  	s0 =	sor.u32 s1, s0  }
0xbc: {  	s0 =	sadd.s32 $0x8F2B, s0  }
0xbd: {  	[sflag:s0] =	ssyncadd.remote.s32 $0x1  }
0xbe: {  	_ =	sfence.sel $0xFFFF  }
0xbf: {  	[dreg:$0x0] =	wrdreg $0xFFFFFFFF;
	(pc) =	sbr.abs _section_cstart, $3  }
0xc0: {  	[dreg:$0x1] =	wrdreg $0xFFFFFFFF  }
0xc1: {  	_ =	task.clear_ibuf [dreg:s6], $0x2FFFF;
	_ =	strace $0x9FFFFFFF  }
0xc2: {  	(tm) =	ssettm $0x7FFFFFFF  }
0xc3: {  	_ =	shalt  }
tec
execute0_lowered:
.L_overlay_start_1:
0x0: {  	(tag) =	ssettag $0x1  }
0x1: {  	s20 =	stileid.u32  }
0x2: {  	s0 =	rddreg [dreg:$0x0];
	s1 =	smul.u32 $0xA00, s20  }
0x3: {  	s2 =	rddreg [dreg:$0x1];
	s3 =	simm.s32 $0x0;
	s5 =	smul.u32 $0x5000, s20  }
0x4: {  	s7 =	srdreg.scid;
	s6 =	sor.u32 $0x10, s20;
	s9 =	smul.u32 $0x2800, s20  }
0x5: {  	s28 =	simm.s32 $0x80;
	s29 =	simm.s32 $0xA000;
	s8 =	smul.u32 $0x5000, s6  }
0x6: {  	s30 =	simm.s32 $0xC000;
	s11 =	sor.u32 $0x20, s20;
	s6 =	smul.u32 $0x2800, s6  }
0x7: {  	s31 =	simm.s32 $0x10000;
	s13 =	sor.u32 $0x30, s20;
	s14 =	smul.u32 $0x2800, s11  }
0x8: {  	[smem:$0x7FF] =	sst s3;
	s17 =	sor.u32 $0x50, s20;
	s15 =	smul.u32 $0x2800, s13  }
0x9: {  	s4 =	sadd.s32 $0x17600, s0;
	s19 =	sor.u32 $0x60, s20;
	s23 =	smul.u32 $0x2800, s17  }
0xa: {  	s7 =	sand.u32 $0x1, s7;
	s24 =	sor.u32 $0x70, s20;
	s25 =	smul.u32 $0x2800, s19  }
0xb: {  	_ =	strace $0x8000004A;
	s10 =	ssub.s32 $0x2, s7;
	s22 =	smul.u32 $0x2800, s24  }
0xc: {  	s16 =	sshll.u32 s7, $0x6;
	s11 =	smul.u32 $0x5000, s11;
	p0 =	sgt.u32 s24, $0x7C  }
0xd: {  	v0 =	vmov s7;
	s7 =	simm.s32 $0x10;
	s1 =	sadd.s32 s1, s0;
	s0 =	sadd.s32 $0x65A00, s0  }
0xe: {  	s12 =	sshrl.u32 s10, $0x1;
	s21 =	sor.u32 s16, s9;
	s5 =	sshrl.u32 s5, $0x2  }
0xf: {  	s10 =	ssub.s32 s10, s12;
	s12 =	sor.u32 $0x40, s20;
	s6 =	sor.u32 s16, s6  }
0x10: {  	s14 =	sor.u32 s16, s14;
	s15 =	sor.u32 s16, s15;
	s20 =	sor.u32 s16, s23  }
0x11: {  	s23 =	sor.u32 s16, s25;
	s26 =	sadd.s32 $0x3600, s1;
	s1 =	sadd.s32 $0xD600, s1  }
0x12: {  	s25 =	sshrl.u32 s8, $0x2;
	s8 =	sadd.s32 s5, s2;
	s18 =	smul.u32 $0x2800, s12  }
0x13: {  	s11 =	sshrl.u32 s11, $0x2;
	[dreg:$0x3] =	wrdreg s26;
	s26 =	smul.u32 $0x5000, s12  }
0x14: {  	s5 =	simm.s32 $0x3;
	s9 =	sadd.s32 s25, s2;
	s25 =	smul.u32 $0x5000, s17  }
0x15: {  	[dreg:$0x4] =	wrdreg s1;
	s10 =	smax.u32 s10, $0x1;
	s12 =	smul.u32 $0x5000, s19  }
0x16: {  	s6 =	sshrl.u32 s6, $0x3;
	s14 =	sshrl.u32 s14, $0x3;
	s17 =	sshrl.u32 s15, $0x3  }
0x17: {  	s20 =	sshrl.u32 s20, $0x3;
	[dreg:$0x5] =	wrdreg s10;
	s6 =	sadd.s32 s0, s6  }
0x18: {  	s18 =	sor.u32 s16, s18;
	s16 =	sor.u32 s16, s22;
	s22 =	smul.u32 $0x5000, s13  }
0x19: {  	s10 =	sshrl.u32 s26, $0x2;
	s26 =	sshrl.u32 s21, $0x3;
	[dreg:$0x7] =	wrdreg s6  }
0x1a: {  	s6 =	sadd.s32 s0, s14;
	s21 =	sshrl.u32 s23, $0x3;
	s23 =	smul.u32 $0x5000, s24  }
0x1b: {  	s25 =	sshrl.u32 s25, $0x2;
	s24 =	simm.s32 $0x12000;
	s13 =	sadd.s32 s0, s26  }
0x1c: {  	[dreg:$0x8] =	wrdreg s6;
	s18 =	sshrl.u32 s18, $0x3;
	s6 =	sadd.s32 s0, s17  }
0x1d: {  	s26 =	sshrl.u32 s12, $0x2;
	s1 =	sshrl.u32 s22, $0x2;
	[dreg:$0x6] =	wrdreg s13  }
0x1e: {  	[dreg:$0x9] =	wrdreg s6;
	s19 =	sadd.s32 s0, s18;
	s6 =	sadd.s32 s0, s20  }
0x1f: {  	s22 =	sshrl.u32 s16, $0x3;
	s16 =	sadd.s32 s0, s21;
	s18 =	sadd.s32 s11, s2  }
0x20: {  	s20 =	sadd.s32 s10, s2;
	s21 =	sadd.s32 s25, s2;
	[dreg:$0xa] =	wrdreg s19  }
0x21: {  	s25 =	simm.s32 $0x5;
	s10 =	simm.s32 $0x8;
	[dreg:$0xb] =	wrdreg s6  }
0x22: {  	s17 =	sadd.s32 s0, s22;
	s19 =	sadd.s32 s1, s2;
	s0 =	sshrl.u32 s23, $0x2  }
0x23: {  	s22 =	sadd.s32 s26, s2;
	s26 =	simm.s32 $0x1;
	s1 =	simm.s32 $0x2  }
0x24: {  	v1 =	vimm.f32 $0.0e+00;
	s6 =	simm.s32 $0x4;
	s23 =	sadd.s32 s0, s2;
	s0 =	simm.s32 $0xE000  }
.LBB2_1:
0x25: {  	s12 =	simm.s32 $0x100;
	s11 =	simm.s32 $0x0  }
.LBB2_2:
0x26: {  	p1 =	sne.s32 s12, $0x4F00;
	[tilespmem:s11+$0x12030] =	vst v1;
	s13 =	smov.u32 s12;
	s12 =	sadd.s32 $0x100, s12  }
.Ltmp0:
0x27: {  	[tilespmem:s11+$0x12020] =	vst v1;
	(pc) =	sbr.rel @p1 .LBB2_2-.Ltmp0, $3  }
0x28: {  	[tilespmem:s11+$0x12000] =	vst v1  }
0x29: {  	[tilespmem:s11+$0x12010] =	vst v1;
	_ =	sdelay $0x1  }
0x2a: {  	s11 =	sshra.s32 s13, $0x2  }
0x2b: {  	[tilespmem:s11+$0x12030] =	vst v1  }
0x2c: {  	[tilespmem:s11+$0x12020] =	vst v1  }
0x2d: {  	[tilespmem:s11+$0x12000] =	vst v1  }
0x2e: {  	[tilespmem:s11+$0x12010] =	vst v1  }
0x2f: {  	[spmem:s8] =	stream.linear.scatter [tilespmem:s24], [sflag:$0x5], $0x1400, $0x38;
	[tilespmem:$0x1D240] =	vst v63  }
0x30: {  	_ =	swait.ge [sflag:s25], $0x1400  }
0x31: {  	[sflag:s25] =	ssyncset.done $0x0  }
0x32: {  	[sflag:s25] =	ssyncadd.s32 $0xFFFFEC00  }
0x33: {  	[spmem:s9] =	stream.linear.scatter [tilespmem:s24], [sflag:$0x5], $0x1400, $0x38;
	[tilespmem:$0x1D240] =	vst v63  }
0x34: {  	_ =	swait.ge [sflag:s25], $0x1400  }
0x35: {  	[sflag:s25] =	ssyncset.done $0x0  }
0x36: {  	[sflag:s25] =	ssyncadd.s32 $0xFFFFEC00  }
0x37: {  	[spmem:s18] =	stream.linear.scatter [tilespmem:s24], [sflag:$0x5], $0x1400, $0x38;
	[tilespmem:$0x1D240] =	vst v63  }
0x38: {  	_ =	swait.ge [sflag:s25], $0x1400  }
0x39: {  	[sflag:s25] =	ssyncset.done $0x0  }
0x3a: {  	[sflag:s25] =	ssyncadd.s32 $0xFFFFEC00  }
0x3b: {  	[spmem:s19] =	stream.linear.scatter [tilespmem:s24], [sflag:$0x5], $0x1400, $0x38;
	[tilespmem:$0x1D240] =	vst v63  }
0x3c: {  	_ =	swait.ge [sflag:s25], $0x1400  }
0x3d: {  	[sflag:s25] =	ssyncset.done $0x0  }
0x3e: {  	[sflag:s25] =	ssyncadd.s32 $0xFFFFEC00  }
0x3f: {  	[spmem:s20] =	stream.linear.scatter [tilespmem:s24], [sflag:$0x5], $0x1400, $0x38;
	[tilespmem:$0x1D240] =	vst v63  }
0x40: {  	_ =	swait.ge [sflag:s25], $0x1400  }
0x41: {  	[sflag:s25] =	ssyncset.done $0x0  }
0x42: {  	[sflag:s25] =	ssyncadd.s32 $0xFFFFEC00  }
0x43: {  	[spmem:s21] =	stream.linear.scatter [tilespmem:s24], [sflag:$0x5], $0x1400, $0x38;
	[tilespmem:$0x1D240] =	vst v63  }
0x44: {  	_ =	swait.ge [sflag:s25], $0x1400  }
0x45: {  	[sflag:s25] =	ssyncset.done $0x0  }
0x46: {  	[sflag:s25] =	ssyncadd.s32 $0xFFFFEC00  }
0x47: {  	[spmem:s22] =	stream.linear.scatter [tilespmem:s24], [sflag:$0x5], $0x1400, $0x38;
	[tilespmem:$0x1D240] =	vst v63  }
0x48: {  	_ =	swait.ge [sflag:s25], $0x1400  }
0x49: {  	[sflag:s25] =	ssyncset.done $0x0  }
0x4a: {  	s11 =	simm.s32 @!p0 $0x12000;
	[sflag:s25] =	ssyncadd.s32 $0xFFFFEC00  }
0x4b: {  	[spmem:s23] =	stream.linear.scatter @!p0 [tilespmem:s11], [sflag:$0x5], $0x1400, $0x38;
	[tilespmem:$0x1D240] =	vst v63  }
0x4c: {  	s11 =	simm.s32 @!p0 $0x5  }
0x4d: {  	_ =	swait.ge @!p0 [sflag:s11], $0x1400  }
0x4e: {  	[sflag:s11] =	ssyncset.done @!p0 $0x0  }
0x4f: {  	s14 =	simm.s32 $0x0;
	s12 =	rddreg [dreg:$0x3];
	[sflag:s11] =	ssyncadd.s32 @!p0 $0xFFFFEC00  }
0x50: {  	[tilespmem:s14], [sflag:$0x5] =	stream.linear.gather [hbm4b:s12+s14], $0x5000, $0x38;
	[tilespmem:$0x1D240] =	vst v63  }
0x51: {  	_ =	swait.ge [sflag:s25], $0x5000  }
0x52: {  	[sflag:s25] =	ssyncset.done $0x0  }
0x53: {  	s13 =	simm.s32 $0x5000;
	s15 =	rddreg [dreg:$0x4];
	[sflag:s25] =	ssyncadd.s32 $0xFFFFB000  }
0x54: {  	[tilespmem:s13], [sflag:$0x5] =	stream.linear.gather [hbm4b:s15+s14], $0x5000, $0x38;
	[tilespmem:$0x1D240] =	vst v63  }
0x55: {  	_ =	swait.ge [sflag:s25], $0x5000  }
0x56: {  	[sflag:s25] =	ssyncset.done $0x0  }
0x57: {  	s11 =	simm.s32 $0x0;
	[sflag:s25] =	ssyncadd.s32 $0xFFFFB000  }
0x58: {  	v3 =	vld [tilespmem:s11+$0x0]  }
0x59: {  	v4 =	vld [tilespmem:s11+$0x10]  }
0x5a: {  	v6 =	vld [tilespmem:s11+$0x20]  }
0x5b: {  	v5 =	vld [tilespmem:s11+$0x30]  }
0x5c: {  	v2 =	vld [tilespmem:s11+$0x40]  }
0x5d: {  	v7 =	vshll.u32 v3, $0x1;
	v3 =	vld [tilespmem:s11+$0x50]  }
0x5e: {  	s12 =	simm.s32 $0x200;
	v8 =	vshll.u32 v4, $0x1;
	v4 =	vld [tilespmem:s11+$0x60];
	v7 =	vor.u32 v0, v7  }
.LBB2_4:
0x5f: {  	s13 =	sshra.s32 s12, $0x2;
	p1 =	sne.s32 s12, $0x13E00;
	[tilespmem:s11+$0x0] =	vst v7;
	v7 =	vor.u32 v0, v8;
	v6 =	vshll.u32 v6, $0x1;
	v8 =	vld [tilespmem:s11+$0x70]  }
0x60: {  	v9 =	vld [tilespmem:s13+$0x0];
	[tilespmem:s11+$0x10] =	vst v7;
	v6 =	vor.u32 v0, v6;
	v5 =	vshll.u32 v5, $0x1  }
0x61: {  	v10 =	vld [tilespmem:s13+$0x10];
	[tilespmem:s11+$0x20] =	vst v6;
	v5 =	vor.u32 v0, v5;
	v2 =	vshll.u32 v2, $0x1  }
.Ltmp1:
0x62: {  	v6 =	vld [tilespmem:s13+$0x20];
	[tilespmem:s11+$0x30] =	vst v5;
	v2 =	vor.u32 v0, v2;
	v3 =	vshll.u32 v3, $0x1;
	(pc) =	sbr.rel @p1 .LBB2_4-.Ltmp1, $4  }
0x63: {  	v5 =	vld [tilespmem:s13+$0x30];
	[tilespmem:s11+$0x40] =	vst v2;
	v3 =	vor.u32 v0, v3;
	v4 =	vshll.u32 v4, $0x1  }
0x64: {  	v2 =	vld [tilespmem:s13+$0x40];
	[tilespmem:s11+$0x50] =	vst v3;
	v4 =	vor.u32 v0, v4;
	v7 =	vshll.u32 v8, $0x1  }
0x65: {  	v8 =	vshll.u32 v9, $0x1;
	v3 =	vld [tilespmem:s13+$0x50];
	[tilespmem:s11+$0x60] =	vst v4;
	v9 =	vor.u32 v0, v7  }
0x66: {  	s12 =	sadd.s32 $0x200, s12;
	v7 =	vor.u32 v0, v8;
	v8 =	vshll.u32 v10, $0x1;
	v4 =	vld [tilespmem:s13+$0x60];
	[tilespmem:s11+$0x70] =	vst v9;
	s11 =	smov.u32 s13  }
0x67: {  	[tilespmem:s11+$0x0] =	vst v7;
	v62 =	vor.u32 v0, v8;
	v6 =	vshll.u32 v6, $0x1;
	v63 =	vld [tilespmem:s11+$0x70]  }
0x68: {  	[tilespmem:s11+$0x10] =	vst v62;
	v6 =	vor.u32 v0, v6;
	v5 =	vshll.u32 v5, $0x1  }
0x69: {  	[tilespmem:s11+$0x20] =	vst v6;
	v5 =	vor.u32 v0, v5;
	v2 =	vshll.u32 v2, $0x1  }
0x6a: {  	[tilespmem:s11+$0x30] =	vst v5;
	v2 =	vor.u32 v0, v2;
	v3 =	vshll.u32 v3, $0x1  }
0x6b: {  	[tilespmem:s11+$0x40] =	vst v2;
	v2 =	vor.u32 v0, v3;
	v3 =	vshll.u32 v4, $0x1  }
0x6c: {  	[tilespmem:s11+$0x50] =	vst v2;
	v2 =	vor.u32 v0, v3;
	v3 =	vshll.u32 v63, $0x1  }
0x6d: {  	[tilespmem:s11+$0x60] =	vst v2;
	v2 =	vor.u32 v0, v3  }
0x6e: {  	[tilespmem:s11+$0x70] =	vst v2  }
0x6f: {  	s14 =	simm.s32 $0x0;
	[bflag:$0x0] =	sbarrier.arrive $0xFFFF  }
0x70: {  	[tilespmem:s29], [sflag:$0x1] =	stream.indirect.gather [hbm4b:s4+s28], $0x40, s14, s28, $0xb8;
	[tilespmem:$0x1D240] =	vst v63  }
0x71: {  	_ = 	snop  }
0x72: {  	[tilespmem:s30], [sflag:$0x2] =	stream.indirect.gather [hbm4b:s4+s28], $0x40, s28, s28, $0xb8;
	[tilespmem:$0x1D240] =	vst v63  }
0x73: {  	s15 =	simm.s32 $0x100  }
0x74: {  	[tilespmem:s0], [sflag:$0x3] =	stream.indirect.gather [hbm4b:s4+s28], $0x40, s15, s28, $0xb8;
	[tilespmem:$0x1D240] =	vst v63  }
0x75: {  	s12 =	simm.s32 $0x180  }
0x76: {  	[tilespmem:s31], [sflag:$0x4] =	stream.indirect.gather [hbm4b:s4+s28], $0x40, s12, s28, $0xb8;
	[tilespmem:$0x1D240] =	vst v63  }
0x77: {  	_ =	swait.ge [sflag:s26], $0x2000  }
0x78: {  	[sflag:s26] =	ssyncset.done $0x0  }
0x79: {  	s13 =	simm.s32 $0x5000;
	[sflag:s26] =	ssyncadd.s32 $0xFFFFE000  }
0x7a: {  	[spmem:s2] =	stream.indirect.scatter.add.f32 [tilespmem:s29], [sflag:$0x5], $0x40, s13, s28, $0xb8;
	[tilespmem:$0x1D240] =	vst v63  }
0x7b: {  	_ =	swait.ge [sflag:s25], $0x2000  }
0x7c: {  	[sflag:s25] =	ssyncset.done $0x0  }
0x7d: {  	s14 =	simm.s32 $0x200;
	[sflag:s25] =	ssyncadd.s32 $0xFFFFE000  }
0x7e: {  	[tilespmem:s29], [sflag:$0x1] =	stream.indirect.gather [hbm4b:s4+s28], $0x40, s14, s28, $0xb8;
	[tilespmem:$0x1D240] =	vst v63  }
0x7f: {  	_ =	swait.ge [sflag:s1], $0x2000  }
0x80: {  	[sflag:s1] =	ssyncset.done $0x0  }
0x81: {  	s15 =	simm.s32 $0x5080;
	[sflag:s1] =	ssyncadd.s32 $0xFFFFE000  }
0x82: {  	[spmem:s2] =	stream.indirect.scatter.add.f32 [tilespmem:s30], [sflag:$0x5], $0x40, s15, s28, $0xb8;
	[tilespmem:$0x1D240] =	vst v63  }
0x83: {  	_ =	swait.ge [sflag:s25], $0x2000  }
0x84: {  	[sflag:s25] =	ssyncset.done $0x0  }
0x85: {  	s12 =	simm.s32 $0x280;
	[sflag:s25] =	ssyncadd.s32 $0xFFFFE000  }
0x86: {  	[tilespmem:s30], [sflag:$0x2] =	stream.indirect.gather [hbm4b:s4+s28], $0x40, s12, s28, $0xb8;
	[tilespmem:$0x1D240] =	vst v63  }
0x87: {  	_ =	swait.ge [sflag:s5], $0x2000  }
0x88: {  	[sflag:s5] =	ssyncset.done $0x0  }
0x89: {  	s13 =	simm.s32 $0x5100;
	[sflag:s5] =	ssyncadd.s32 $0xFFFFE000  }
0x8a: {  	[spmem:s2] =	stream.indirect.scatter.add.f32 [tilespmem:s0], [sflag:$0x5], $0x40, s13, s28, $0xb8;
	[tilespmem:$0x1D240] =	vst v63  }
0x8b: {  	_ =	swait.ge [sflag:s25], $0x2000  }
0x8c: {  	[sflag:s25] =	ssyncset.done $0x0  }
0x8d: {  	s14 =	simm.s32 $0x300;
	[sflag:s25] =	ssyncadd.s32 $0xFFFFE000  }
0x8e: {  	[tilespmem:s0], [sflag:$0x3] =	stream.indirect.gather [hbm4b:s4+s28], $0x40, s14, s28, $0xb8;
	[tilespmem:$0x1D240] =	vst v63  }
0x8f: {  	_ =	swait.ge [sflag:s6], $0x2000  }
0x90: {  	[sflag:s6] =	ssyncset.done $0x0  }
0x91: {  	s15 =	simm.s32 $0x5180;
	[sflag:s6] =	ssyncadd.s32 $0xFFFFE000  }
0x92: {  	[spmem:s2] =	stream.indirect.scatter.add.f32 [tilespmem:s31], [sflag:$0x5], $0x40, s15, s28, $0xb8;
	[tilespmem:$0x1D240] =	vst v63  }
0x93: {  	_ =	swait.ge [sflag:s25], $0x2000  }
0x94: {  	[sflag:s25] =	ssyncset.done $0x0  }
0x95: {  	s11 =	simm.s32 $0x800;
	s12 =	simm.s32 $0x380;
	[sflag:s25] =	ssyncadd.s32 $0xFFFFE000  }
.LBB2_6:
0x96: {  	[tilespmem:s31], [sflag:$0x4] =	stream.indirect.gather [hbm4b:s4+s28], $0x40, s12, s28, $0xb8;
	[tilespmem:$0x1D240] =	vst v63  }
0x97: {  	s12 =	smov.u32 s11  }
0x98: {  	p1 =	sne.s32 s11, $0x13000;
	s11 =	sadd.s32 $0x800, s11;
	_ =	swait.ge [sflag:s26], $0x2000  }
0x99: {  	s12 =	sshra.s32 s12, $0x2;
	[sflag:s26] =	ssyncset.done $0x0  }
0x9a: {  	s13 =	sadd.s32 $0x5000, s12;
	[sflag:s26] =	ssyncadd.s32 $0xFFFFE000  }
0x9b: {  	[spmem:s2] =	stream.indirect.scatter.add.f32 [tilespmem:s29], [sflag:$0x5], $0x40, s13, s28, $0xb8;
	[tilespmem:$0x1D240] =	vst v63  }
0x9c: {  	_ =	swait.ge [sflag:s25], $0x2000  }
0x9d: {  	[sflag:s25] =	ssyncset.done $0x0  }
0x9e: {  	s13 =	sadd.s32 $0x200, s12;
	[sflag:s25] =	ssyncadd.s32 $0xFFFFE000  }
0x9f: {  	[tilespmem:s29], [sflag:$0x1] =	stream.indirect.gather [hbm4b:s4+s28], $0x40, s13, s28, $0xb8;
	[tilespmem:$0x1D240] =	vst v63  }
0xa0: {  	_ =	swait.ge [sflag:s1], $0x2000  }
0xa1: {  	[sflag:s1] =	ssyncset.done $0x0  }
0xa2: {  	s13 =	sadd.s32 $0x5080, s12;
	[sflag:s1] =	ssyncadd.s32 $0xFFFFE000  }
0xa3: {  	[spmem:s2] =	stream.indirect.scatter.add.f32 [tilespmem:s30], [sflag:$0x5], $0x40, s13, s28, $0xb8;
	[tilespmem:$0x1D240] =	vst v63  }
0xa4: {  	_ =	swait.ge [sflag:s25], $0x2000  }
0xa5: {  	[sflag:s25] =	ssyncset.done $0x0  }
0xa6: {  	s13 =	sadd.s32 $0x280, s12;
	[sflag:s25] =	ssyncadd.s32 $0xFFFFE000  }
0xa7: {  	[tilespmem:s30], [sflag:$0x2] =	stream.indirect.gather [hbm4b:s4+s28], $0x40, s13, s28, $0xb8;
	[tilespmem:$0x1D240] =	vst v63  }
0xa8: {  	_ =	swait.ge [sflag:s5], $0x2000  }
0xa9: {  	[sflag:s5] =	ssyncset.done $0x0  }
0xaa: {  	s13 =	sadd.s32 $0x5100, s12;
	[sflag:s5] =	ssyncadd.s32 $0xFFFFE000  }
0xab: {  	[spmem:s2] =	stream.indirect.scatter.add.f32 [tilespmem:s0], [sflag:$0x5], $0x40, s13, s28, $0xb8;
	[tilespmem:$0x1D240] =	vst v63  }
0xac: {  	_ =	swait.ge [sflag:s25], $0x2000  }
0xad: {  	[sflag:s25] =	ssyncset.done $0x0  }
0xae: {  	s13 =	sadd.s32 $0x300, s12;
	[sflag:s25] =	ssyncadd.s32 $0xFFFFE000  }
0xaf: {  	[tilespmem:s0], [sflag:$0x3] =	stream.indirect.gather [hbm4b:s4+s28], $0x40, s13, s28, $0xb8;
	[tilespmem:$0x1D240] =	vst v63  }
0xb0: {  	_ =	swait.ge [sflag:s6], $0x2000  }
0xb1: {  	[sflag:s6] =	ssyncset.done $0x0  }
.Ltmp2:
0xb2: {  	s13 =	sadd.s32 $0x5180, s12;
	[sflag:s6] =	ssyncadd.s32 $0xFFFFE000;
	(pc) =	sbr.rel @p1 .LBB2_6-.Ltmp2, $4  }
0xb3: {  	[spmem:s2] =	stream.indirect.scatter.add.f32 [tilespmem:s31], [sflag:$0x5], $0x40, s13, s28, $0xb8;
	[tilespmem:$0x1D240] =	vst v63  }
0xb4: {  	_ =	swait.ge [sflag:s25], $0x2000  }
0xb5: {  	[sflag:s25] =	ssyncset.done $0x0  }
0xb6: {  	s12 =	sadd.s32 $0x380, s12;
	[sflag:s25] =	ssyncadd.s32 $0xFFFFE000  }
0xb7: {  	[tilespmem:s31], [sflag:$0x4] =	stream.indirect.gather [hbm4b:s4+s28], $0x40, s12, s28, $0xb8;
	[tilespmem:$0x1D240] =	vst v63  }
0xb8: {  	_ =	swait.ge [sflag:s26], $0x2000  }
0xb9: {  	[sflag:s26] =	ssyncset.done $0x0  }
0xba: {  	s11 =	simm.s32 $0x9E00;
	[sflag:s26] =	ssyncadd.s32 $0xFFFFE000  }
0xbb: {  	[spmem:s2] =	stream.indirect.scatter.add.f32 [tilespmem:s29], [sflag:$0x5], $0x40, s11, s28, $0xb8;
	[tilespmem:$0x1D240] =	vst v63  }
0xbc: {  	_ =	swait.ge [sflag:s25], $0x2000  }
0xbd: {  	[sflag:s25] =	ssyncset.done $0x0  }
0xbe: {  	[sflag:s25] =	ssyncadd.s32 $0xFFFFE000  }
0xbf: {  	_ =	swait.ge [sflag:s1], $0x2000  }
0xc0: {  	[sflag:s1] =	ssyncset.done $0x0  }
0xc1: {  	s15 =	simm.s32 $0x9E80;
	[sflag:s1] =	ssyncadd.s32 $0xFFFFE000  }
0xc2: {  	[spmem:s2] =	stream.indirect.scatter.add.f32 [tilespmem:s30], [sflag:$0x5], $0x40, s15, s28, $0xb8;
	[tilespmem:$0x1D240] =	vst v63  }
0xc3: {  	_ =	swait.ge [sflag:s25], $0x2000  }
0xc4: {  	[sflag:s25] =	ssyncset.done $0x0  }
0xc5: {  	[sflag:s25] =	ssyncadd.s32 $0xFFFFE000  }
0xc6: {  	_ =	swait.ge [sflag:s5], $0x2000  }
0xc7: {  	[sflag:s5] =	ssyncset.done $0x0  }
0xc8: {  	s12 =	simm.s32 $0x9F00;
	[sflag:s5] =	ssyncadd.s32 $0xFFFFE000  }
0xc9: {  	[spmem:s2] =	stream.indirect.scatter.add.f32 [tilespmem:s0], [sflag:$0x5], $0x40, s12, s28, $0xb8;
	[tilespmem:$0x1D240] =	vst v63  }
0xca: {  	_ =	swait.ge [sflag:s25], $0x2000  }
0xcb: {  	[sflag:s25] =	ssyncset.done $0x0  }
0xcc: {  	[sflag:s25] =	ssyncadd.s32 $0xFFFFE000  }
0xcd: {  	_ =	swait.ge [sflag:s6], $0x2000  }
0xce: {  	[sflag:s6] =	ssyncset.done $0x0  }
0xcf: {  	s13 =	simm.s32 $0x9F80;
	[sflag:s6] =	ssyncadd.s32 $0xFFFFE000  }
0xd0: {  	[spmem:s2] =	stream.indirect.scatter.add.f32 [tilespmem:s31], [sflag:$0x5], $0x40, s13, s28, $0xb8;
	[tilespmem:$0x1D240] =	vst v63  }
0xd1: {  	_ =	swait.ge [sflag:s25], $0x2000  }
0xd2: {  	[sflag:s25] =	ssyncset.done $0x0  }
0xd3: {  	s14 =	stileid.u32;
	[sflag:s25] =	ssyncadd.s32 $0xFFFFE000  }
0xd4: {  	s11 =	sshll.u32 s14, $0x6;
	[bflag:$0x0] =	sbarrier.arrive $0xFFFF  }
0xd5: {  	s11 =	sor.u32 $0x1C05, s11;
	s15 =	sshrl.u32 s8, $0x3;
	s13 =	rddreg [dreg:$0x6]  }
0xd6: {  	[hbm:s13@s7], [sflag:s11] =	dma.strided [spmem:s15@s10], $0x280, s26, $0x8   }
0xd7: {  	_ =	swait.ge [sflag:s25], $0x280  }
0xd8: {  	[sflag:s25] =	ssyncset.done $0x0  }
0xd9: {  	s14 =	sshrl.u32 s9, $0x3;
	s15 =	rddreg [dreg:$0x7];
	[sflag:s25] =	ssyncadd.s32 $0xFFFFFD80  }
0xda: {  	[hbm:s15@s7], [sflag:s11] =	dma.strided [spmem:s14@s10], $0x280, s26, $0x8   }
0xdb: {  	_ =	swait.ge [sflag:s25], $0x280  }
0xdc: {  	[sflag:s25] =	ssyncset.done $0x0  }
0xdd: {  	s14 =	sshrl.u32 s18, $0x3;
	s15 =	rddreg [dreg:$0x8];
	[sflag:s25] =	ssyncadd.s32 $0xFFFFFD80  }
0xde: {  	[hbm:s15@s7], [sflag:s11] =	dma.strided [spmem:s14@s10], $0x280, s26, $0x8   }
0xdf: {  	_ =	swait.ge [sflag:s25], $0x280  }
0xe0: {  	[sflag:s25] =	ssyncset.done $0x0  }
0xe1: {  	s14 =	sshrl.u32 s19, $0x3;
	s15 =	rddreg [dreg:$0x9];
	[sflag:s25] =	ssyncadd.s32 $0xFFFFFD80  }
0xe2: {  	[hbm:s15@s7], [sflag:s11] =	dma.strided [spmem:s14@s10], $0x280, s26, $0x8   }
0xe3: {  	_ =	swait.ge [sflag:s25], $0x280  }
0xe4: {  	[sflag:s25] =	ssyncset.done $0x0  }
0xe5: {  	s14 =	sshrl.u32 s20, $0x3;
	s15 =	rddreg [dreg:$0xa];
	[sflag:s25] =	ssyncadd.s32 $0xFFFFFD80  }
0xe6: {  	[hbm:s15@s7], [sflag:s11] =	dma.strided [spmem:s14@s10], $0x280, s26, $0x8   }
0xe7: {  	_ =	swait.ge [sflag:s25], $0x280  }
0xe8: {  	[sflag:s25] =	ssyncset.done $0x0  }
0xe9: {  	s14 =	sshrl.u32 s21, $0x3;
	s15 =	rddreg [dreg:$0xb];
	[sflag:s25] =	ssyncadd.s32 $0xFFFFFD80  }
0xea: {  	[hbm:s15@s7], [sflag:s11] =	dma.strided [spmem:s14@s10], $0x280, s26, $0x8   }
0xeb: {  	_ =	swait.ge [sflag:s25], $0x280  }
0xec: {  	[sflag:s25] =	ssyncset.done $0x0  }
0xed: {  	s14 =	sshrl.u32 s22, $0x3;
	[sflag:s25] =	ssyncadd.s32 $0xFFFFFD80  }
0xee: {  	[hbm:s16@s7], [sflag:s11] =	dma.strided [spmem:s14@s10], $0x280, s26, $0x8   }
0xef: {  	_ =	swait.ge [sflag:s25], $0x280  }
0xf0: {  	s12 =	sshrl.u32 @!p0 s23, $0x3;
	s13 =	simm.s32 @!p0 $0x1;
	[sflag:s25] =	ssyncset.done $0x0  }
0xf1: {  	s15 =	simm.s32 @!p0 $0x8;
	s14 =	simm.s32 @!p0 $0x10;
	[sflag:s25] =	ssyncadd.s32 $0xFFFFFD80  }
0xf2: {  	[hbm:s17@s14], [sflag:s11] =	dma.strided @!p0 [spmem:s12@s15], $0x280, s13, $0x8   }
0xf3: {  	s11 =	simm.s32 @!p0 $0x5  }
0xf4: {  	_ =	swait.ge @!p0 [sflag:s11], $0x280  }
0xf5: {  	s3 =	sadd.s32 $0x1, s3;
	s15 =	rddreg [dreg:$0x5]  }
0xf6: {  	p1 =	sne.s32 s3, s15  }
.Ltmp3:
0xf7: {  	_ = 	snop;
	(pc) =	sbr.rel @p1 .LBB2_1-.Ltmp3, $3  }
0xf8: {  	_ =	sdelay $0x1  }
0xf9: {  	[sflag:s11] =	ssyncset.done @!p0 $0x0  }
0xfa: {  	[sflag:s11] =	ssyncadd.s32 @!p0 $0xFFFFFD80  }
0xfb: {  	_ =	sfence.sel $0x180000  }
0xfc: {  	[bflag:$0x0] =	sbarrier.arrive $0xFFFF  }
0xfd: {  	_ =	strace $0x9000004A  }
0xfe: {  	s0 =	stileid.u32;
	[bflag:$0x2] =	sbarrier.arrive $0xFFFF  }
0xff: {  	p0 =	sne.s32 s0, $0x0;
	s0 =	rddreg [dreg:$0x2]  }
0x100: {  	s0 =	sadd.s32 @!p0 $0x100000, s0  }
0x101: {  	[sflag:s0] =	ssyncadd.tile.s32 @!p0 $0x1;
	_ =	shalt  }
.Lfunc_end2:
_tile_overlayer_lowered:
.L_overlay_start_2:
0x102: {  	(tag) =	ssettag $0x2  }
0x103: {  	s0 =	rddreg [dreg:$0x0];
	s2 =	stileid.u32  }
0x104: {  	s1 =	rddreg [dreg:$0x1];
	p0 =	sne.s32 s2, $0x0  }
0x105: {  	s3 =	rddreg [dreg:$0x2];
	[bflag:$0x3] =	sbarrier.arrive $0xFFFF;
	s2 =	simm.s32 @!p0 $0x1C05  }
0x106: {  	[timem:s3], [sflag:s2] =	dma.local @!p0 [hbm:s0], s1  }
0x107: {  	s0 =	simm.s32 @!p0 $0x5  }
0x108: {  	_ =	swait.ge @!p0 [sflag:s0], s1  }
0x109: {  	s1 =	ssub.s32 @!p0 $0x0, s1;
	[sflag:s0] =	ssyncset.done @!p0 $0x0  }
0x10a: {  	[sflag:s0] =	ssyncadd.s32 @!p0 s1  }
0x10b: {  	[bflag:$0x3] =	sbarrier.arrive $0xFFFF  }
0x10c: {  	_ =	shalt  }

// kernel: kernel.16.cloned.1.call-start
scs
__scs_entry_jumppad:
0x0: {  	(pc) =	sbr.rel $0x88, $3  }
0x1: {  	(tag) =	ssettag $0x0;
	lr =	simm.s32 $0x1  }
0x2: {  	[smem:$0x3F9A] =	sst lr;
	_ =	strace $0xD0000000  }
0x3: {  	_ = 	snop  }
0x4: {  	_ = 	snop  }
0x5: {  	_ = 	snop  }
0x6: {  	_ = 	snop  }
0x7: {  	_ = 	snop  }
__scs_overlays_trampoline_lowered:
0x8: {  	[smem:$0x3FA9] =	sst s0  }
0x9: {  	[smem:$0x3FAA] =	sst s1  }
0xa: {  	[smem:$0x3FAB] =	sst s2  }
0xb: {  	[smem:$0x3FAC] =	sst s3  }
0xc: {  	[smem:$0x3FAD] =	sst s4  }
0xd: {  	[smem:$0x3FAE] =	sst s5  }
0xe: {  	[smem:$0x3FAF] =	sst s6  }
0xf: {  	[smem:$0x3FB0] =	sst s7  }
0x10: {  	[smem:$0x3FB1] =	sst s8  }
0x11: {  	[smem:$0x3FB2] =	sst s9;
	s0 =	simm.s32 @!p0 $0x0  }
0x12: {  	s1 =	sld [smem:$0x3F98];
	s0 =	simm.s32 @p0 $0x1  }
0x13: {  	[smem:$0x3FB3] =	sst s0;
	s0 =	simm.s32 @!p1 $0x0  }
0x14: {  	s2 =	sld [smem:$0x3F97];
	s0 =	simm.s32 @p1 $0x1  }
0x15: {  	[smem:$0x3FB4] =	sst s0;
	s0 =	simm.s32 @!p2 $0x0  }
0x16: {  	s3 =	sld [smem:$0x3FDB];
	s0 =	simm.s32 @p2 $0x1  }
0x17: {  	s4 =	simm.s32 $0x1BF5;
	[smem:$0x3FB6] =	sst s0  }
0x18: {  	s0 =	sld [smem:$0x3F99];
	_ =	swait.ge [sflag:s4], $0x0  }
0x19: {  	s7 =	sld [smem:$0x3F9A]  }
0x1a: {  	s8 =	sadd.s32 $0xFFFFE003, lr  }
0x1b: {  	s9 =	sadd.s32 $0xFFFFFEF7, lr;
	s5 =	simm.s32 $0xFFFFFFFF;
	p2 =	slt.u32 s8, $0xFFFFF086  }
0x1c: {  	p1 =	slt.u32 s9, $0xF7A;
	s5 =	simm.s32 @!p2 $0x0  }
0x1d: {  	s5 =	simm.s32 @p1 $0x1;
	p0 =	seq.s32 s7, s2  }
0x1e: {  	s7 =	smul.u32 @!p0 $0xF7A, s2;
	p2 =	seq.s32 @!p0 s5, $0x0  }
0x1f: {  	s9 =	smul.u32 $0xF7A, s1;
	s8 =	simm.s32 @!p0 $0x1BF5;
	p2 =	por !p2, p0  }
0x20: {  	[sflag:s8] =	ssyncset.s32 @!p0 $0xFFFFF086;
	s6 =	sadd.s32 @!p0 s3, s7;
	s7 =	simm.s32 @!p0 $0x108  }
0x21: {  	s3 =	sadd.s32 s3, s9;
	s6 =	sadd.s32 @!p0 $0x88, s6;
	s7 =	simm.s32 @p2 $0x1082  }
0x22: {  	[simem:s7], [sflag:s8] =	dma.local @!p0 [hbm:s6], $0xF7A  }
0x23: {  	s9 =	sor.u32 $0xD0000000, s2;
	s6 =	simm.s32 $0x108;
	_ =	swait.ge @!p0 [sflag:s8], $0x0  }
0x24: {  	s3 =	sadd.s32 $0x88, s3;
	s6 =	simm.s32 @!p1 $0x1082;
	[sflag:s4] =	ssyncset.s32 $0xFFFFF086  }
0x25: {  	[simem:s6], [sflag:s4] =	dma.local [hbm:s3], $0xF7A  }
0x26: {  	[smem:$0x3F9A] =	sst s1;
	(tag) =	ssettag s2;
	_ =	strace s9  }
0x27: {  	s1 =	sld [smem:$0x3FAA]  }
0x28: {  	s2 =	sld [smem:$0x3FAB]  }
0x29: {  	s4 =	sld [smem:$0x3FAD]  }
0x2a: {  	p0 =	seq.s32 s5, $0x0;
	s5 =	sld [smem:$0x3FAE]  }
0x2b: {  	s6 =	sld [smem:$0x3FAF]  }
0x2c: {  	s7 =	sld [smem:$0x3FB0]  }
0x2d: {  	s3 =	simm.s32 $0x108;
	s8 =	sld [smem:$0x3FB1]  }
0x2e: {  	s3 =	simm.s32 @!p0 $0x1082;
	s9 =	sld [smem:$0x3FB2]  }
0x2f: {  	lr =	sadd.s32 s0, s3;
	s0 =	sld [smem:$0x3FA9]  }
0x30: {  	s3 =	sld [smem:$0x3FAC]  }
0x31: {  	[smem:$0x3FB5] =	sst s10  }
0x32: {  	s10 =	sld [smem:$0x3FB3];
	_ =	sdelay $0x3  }
0x33: {  	p0 =	seq.s32 s10, $0x1;
	s10 =	sld [smem:$0x3FB5];
	_ =	sdelay $0x3  }
0x34: {  	[smem:$0x3FB5] =	sst s10  }
0x35: {  	s10 =	sld [smem:$0x3FB4];
	_ =	sdelay $0x3  }
0x36: {  	p1 =	seq.s32 s10, $0x1;
	s10 =	sld [smem:$0x3FB5];
	_ =	sdelay $0x3  }
0x37: {  	[smem:$0x3FB5] =	sst s10  }
0x38: {  	s10 =	sld [smem:$0x3FB6]  }
0x39: {  	_ = 	snop;
	(pc) =	sbr.ind lr, $3  }
0x3a: {  	_ = 	snop  }
0x3b: {  	_ = 	snop  }
0x3c: {  	p2 =	seq.s32 s10, $0x1;
	s10 =	sld [smem:$0x3FB5]  }
0x3d: {  	_ =	shalt  }
0x3e: {  	_ =	shalt  }
0x3f: {  	_ =	shalt  }
0x40: {  	_ =	shalt  }
0x41: {  	_ =	shalt  }
0x42: {  	_ =	shalt  }
0x43: {  	_ =	shalt  }
0x44: {  	_ =	shalt  }
0x45: {  	_ =	shalt  }
0x46: {  	_ =	shalt  }
0x47: {  	_ =	shalt  }
0x48: {  	_ =	shalt  }
0x49: {  	_ =	shalt  }
0x4a: {  	_ =	shalt  }
0x4b: {  	_ =	shalt  }
0x4c: {  	_ =	shalt  }
0x4d: {  	_ =	shalt  }
0x4e: {  	_ =	shalt  }
0x4f: {  	_ =	shalt  }
0x50: {  	_ =	shalt  }
0x51: {  	_ =	shalt  }
0x52: {  	_ =	shalt  }
0x53: {  	_ =	shalt  }
0x54: {  	_ =	shalt  }
0x55: {  	_ =	shalt  }
0x56: {  	_ =	shalt  }
0x57: {  	_ =	shalt  }
0x58: {  	_ =	shalt  }
0x59: {  	_ =	shalt  }
0x5a: {  	_ =	shalt  }
0x5b: {  	_ =	shalt  }
0x5c: {  	_ =	shalt  }
0x5d: {  	_ =	shalt  }
0x5e: {  	_ =	shalt  }
0x5f: {  	_ =	shalt  }
0x60: {  	_ =	shalt  }
0x61: {  	_ =	shalt  }
0x62: {  	_ =	shalt  }
0x63: {  	_ =	shalt  }
0x64: {  	_ =	shalt  }
0x65: {  	_ =	shalt  }
0x66: {  	_ =	shalt  }
0x67: {  	_ =	shalt  }
0x68: {  	_ =	shalt  }
0x69: {  	_ =	shalt  }
0x6a: {  	_ =	shalt  }
0x6b: {  	_ =	shalt  }
0x6c: {  	_ =	shalt  }
0x6d: {  	_ =	shalt  }
0x6e: {  	_ =	shalt  }
0x6f: {  	_ =	shalt  }
0x70: {  	_ =	shalt  }
0x71: {  	_ =	shalt  }
0x72: {  	_ =	shalt  }
0x73: {  	_ =	shalt  }
0x74: {  	_ =	shalt  }
0x75: {  	_ =	shalt  }
0x76: {  	_ =	shalt  }
0x77: {  	_ =	shalt  }
0x78: {  	_ =	shalt  }
0x79: {  	_ =	shalt  }
0x7a: {  	_ =	shalt  }
0x7b: {  	_ =	shalt  }
0x7c: {  	_ =	shalt  }
0x7d: {  	_ =	shalt  }
0x7e: {  	_ =	shalt  }
0x7f: {  	_ =	shalt  }
0x80: {  	_ =	shalt  }
0x81: {  	_ =	shalt  }
0x82: {  	_ =	shalt  }
0x83: {  	_ =	shalt  }
0x84: {  	_ =	shalt  }
0x85: {  	_ =	shalt  }
0x86: {  	_ =	shalt  }
0x87: {  	_ =	shalt  }
.Lfunc_end0:
.L_simem_size_0:
called_computation.2_lowered:
.L_overlay_start_0:
0x88: {  	s2 =	sld [smem:$0x3FD9]  }
0x89: {  	s3 =	sld [smem:$0x3FFE];
	_ =	sdelay $0x1  }
0x8a: {  	s1 =	srdreg.scid  }
0x8b: {  	s0 =	sand.u32 $0x1, s1  }
0x8c: {  	s14 =	sshll.u32 s0, $0xA;
	s2 =	sadd.s32 s3, s2  }
0x8d: {  	s2 =	sadd.s32 s2, s14  }
0x8e: {  	[smem:$0x3FC1] =	sst s2  }
0x8f: {  	_ = 	snop  }
0x90: {  	s2 =	sld [smem:$0x3FD0];
	_ =	sdelay $0x2  }
0x91: {  	s15 =	simm.s32 $0xA;
	s4 =	simm.s32 $0x10  }
0x92: {  	[smem:s4], [sflag:s15] =	dma.local [hbm:s2], $0x1  }
0x93: {  	_ =	swait.eq [sflag:s15], $0x1  }
0x94: {  	[sflag:s15] =	ssyncset.done $0x0  }
0x95: {  	[sflag:s15] =	ssyncadd.s32 $0xFFFFFFFF  }
0x96: {  	s16 =	sld [smem:$0x10];
	(tm) =	ssettm $0x1  }
0x97: {  	s17 =	sld [smem:$0x3FFB];
	_ =	sdelay $0x3  }
0x98: {  	_ =	strace s17  }
0x99: {  	s3 =	sld [smem:$0x3FFC];
	_ =	sdelay $0x3  }
0x9a: {  	_ =	strace s3  }
0x9b: {  	s3 =	sld [smem:$0x3FFD];
	_ =	sdelay $0x3  }
0x9c: {  	_ =	strace s3  }
0x9d: {  	_ =	strace $0x8FFFFFFF  }
0x9e: {  	s18 =	sld [smem:$0x3FDB];
	_ =	sdelay $0x1  }
0x9f: {  	s19 =	simm.s32 $_scs_section_size  }
0xa0: {  	s5 =	simm.s32 $_size__tile_overlayer_lowered;
	s6 =	simm.s32 $_tile_overlayer_lowered  }
0xa1: {  	s22 =	simm.s32 $0x1BFF;
	s21 =	sshll.u32 s6, $0x1;
	s3 =	sadd.s32 s19, s18  }
0xa2: {  	s7 =	simm.s32 $0x0;
	s20 =	sshll.u32 s5, $0x1;
	s5 =	sadd.s32 s21, s3  }
0xa3: {  	[timem:s7], [sflag:s22] =	dma.local [hbm:s5], s20  }
0xa4: {  	_ =	swait.ge [sflag:s22], s20  }
0xa5: {  	s4 =	ssub.s32 $0x0, s20;
	[sflag:s22] =	ssyncset.done $0x0  }
0xa6: {  	[sflag:s22] =	ssyncadd.s32 s4;
	_ =	sdelay $0x1  }
0xa7: {  	s23 =	simm.s32 $0x1B8B  }
0xa8: {  	_ =	swait.ge [sflag:s23], $0x1  }
0xa9: {  	[sflag:s23] =	ssyncset.done $0x0  }
0xaa: {  	s25 =	simm.s32 $0x1B8E;
	s24 =	sld [smem:$0x3FFE];
	[sflag:s23] =	ssyncadd.s32 $0xFFFFFFFF  }
0xab: {  	s26 =	simm.s32 $execute0_lowered;
	[smem:$0x3FD2] =	sst s25  }
0xac: {  	s5 =	sshll.u32 s26, $0x1;
	_ =	strace $0x8000004C;
	[dreg:$0x1] =	wrdreg $0xFFFFFFFF  }
0xad: {  	s28 =	simm.s32 $_size_execute0_lowered;
	s3 =	sadd.s32 s3, s5;
	[dreg:$0x0] =	wrdreg $0x0  }
0xae: {  	s5 =	sshll.u32 s28, $0x1;
	[dreg:$0x2] =	wrdreg s3  }
0xaf: {  	[dreg:$0x3] =	wrdreg s5  }
0xb0: {  	[dreg:$0x4] =	wrdreg $0xC0  }
0xb1: {  	_ =	task [dreg:s7], $0x5FFFF  }
0xb2: {  	[dreg:$0x1] =	wrdreg $0xFFFFFFFF  }
0xb3: {  	[dreg:$0x0] =	wrdreg $0x60  }
0xb4: {  	[dreg:$0x2] =	wrdreg s16  }
0xb5: {  	[dreg:$0x3] =	wrdreg s24  }
0xb6: {  	[dreg:$0x4] =	wrdreg $0x95000  }
0xb7: {  	[dreg:$0x5] =	wrdreg $0x9  }
0xb8: {  	_ =	task.clear_ibuf [dreg:s7], $0x6FFFF;
	_ =	strace $0x9000004C  }
0xb9: {  	s29 =	simm.s32 $0x9;
	_ =	strace $0x8000004E  }
0xba: {  	_ =	swait.ge [sflag:s29], $0x1  }
0xbb: {  	[sflag:s29] =	ssyncadd.s32 $0xFFFFFFFF  }
0xbc: {  	_ =	strace $0x9000004E  }
0xbd: {  	_ =	sfence  }
0xbe: {  	s30 =	sld [smem:$0x0];
	_ =	sdelay $0x2  }
0xbf: {  	s31 =	sshll.u32 s1, $0xD;
	s1 =	sshrl.u32 s1, $0x2  }
0xc0: {  	s3 =	sand.u32 $0x4000, s31;
	s1 =	sadd.s32 s1, s30  }
0xc1: {  	s0 =	sor.u32 s3, s0;
	s1 =	sshll.u32 s1, $0x11  }
0xc2: {  	s0 =	sor.u32 s1, s0  }
0xc3: {  	s0 =	sadd.s32 $0x8F2B, s0  }
0xc4: {  	[sflag:s0] =	ssyncadd.remote.s32 $0x1  }
0xc5: {  	_ =	sfence.sel $0xFFFF  }
0xc6: {  	[dreg:$0x0] =	wrdreg $0xFFFFFFFF;
	(pc) =	sbr.abs _section_cstart, $3  }
0xc7: {  	[dreg:$0x1] =	wrdreg $0xFFFFFFFF  }
0xc8: {  	_ =	task.clear_ibuf [dreg:s7], $0x2FFFF;
	_ =	strace $0x9FFFFFFF  }
0xc9: {  	(tm) =	ssettm $0x7FFFFFFF  }
tec
execute0_lowered:
.L_overlay_start_1:
0x0: {  	(tag) =	ssettag $0x1  }
0x1: {  	s20 =	stileid.u32  }
0x2: {  	s0 =	srdreg.scid;
	s7 =	smul.u32 $0x1400, s20  }
0x3: {  	s2 =	sand.u32 $0x1, s0;
	s26 =	smul.u32 $0x2800, s20  }
0x4: {  	s8 =	sor.u32 $0x10, s20;
	s6 =	smul.u32 $0x138800, s2  }
0x5: {  	s10 =	sor.u32 $0x20, s20;
	s9 =	smul.u32 $0x1400, s8  }
0x6: {  	s13 =	sor.u32 $0x30, s20;
	s12 =	smul.u32 $0x1400, s10  }
0x7: {  	s1 =	rddreg [dreg:$0x0];
	s14 =	sor.u32 $0x40, s20;
	s24 =	smul.u32 $0x1400, s13  }
0x8: {  	s5 =	rddreg [dreg:$0x1];
	s16 =	sor.u32 $0x50, s20;
	s15 =	smul.u32 $0x1400, s14  }
0x9: {  	s3 =	rddreg [dreg:$0x2];
	s18 =	smul.u32 $0x1400, s16  }
0xa: {  	s4 =	simm.s32 $0x0;
	s28 =	simm.s32 $0x80;
	s8 =	smul.u32 $0x2800, s8  }
0xb: {  	s29 =	simm.s32 $0x5000;
	s30 =	simm.s32 $0x5800;
	s13 =	smul.u32 $0x2800, s13  }
0xc: {  	s31 =	simm.s32 $0x6000;
	s23 =	sshll.u32 s20, $0x1;
	s14 =	smul.u32 $0x2800, s14  }
0xd: {  	[smem:$0x7FF] =	sst s4;
	s19 =	sor.u32 $0x60, s20;
	s22 =	smul.u32 $0x2800, s16  }
0xe: {  	s0 =	sor.u32 s2, s23;
	_ =	strace $0x8000004D;
	s23 =	smul.u32 $0x2800, s19  }
0xf: {  	s2 =	ssub.s32 $0x2, s2;
	s16 =	sor.u32 $0x70, s20;
	s0 =	smul.u32 $0x500, s0  }
0x10: {  	s17 =	sshrl.u32 s2, $0x1;
	s7 =	sshrl.u32 s7, $0x2;
	p0 =	sgt.u32 s16, $0x7C  }
0x11: {  	s2 =	ssub.s32 s2, s17;
	s17 =	smul.u32 $0x1400, s19;
	s9 =	sshrl.u32 s9, $0x2  }
0x12: {  	s7 =	sadd.s32 s7, s3;
	s12 =	sshrl.u32 s12, $0x2;
	s15 =	sshrl.u32 s15, $0x2  }
0x13: {  	s21 =	sshrl.u32 s18, $0x2;
	s8 =	sadd.s32 s6, s8;
	s18 =	simm.s32 $0x4  }
0x14: {  	s11 =	sadd.s32 s0, s5;
	s0 =	sadd.s32 $0x65A00, s5;
	s2 =	smax.u32 s2, $0x1  }
0x15: {  	[dreg:$0x7] =	wrdreg s7;
	s9 =	sadd.s32 s9, s3;
	s5 =	sshrl.u32 s24, $0x2  }
0x16: {  	s24 =	smul.u32 $0x2800, s16;
	s25 =	sadd.s32 $0x3600, s11;
	[dreg:$0x6] =	wrdreg s2  }
0x17: {  	s11 =	sadd.s32 $0xD600, s11;
	[dreg:$0x8] =	wrdreg s9;
	s9 =	sadd.s32 s12, s3  }
0x18: {  	s5 =	sadd.s32 s5, s3;
	s2 =	sadd.s32 s6, s26;
	[dreg:$0x4] =	wrdreg s25  }
0x19: {  	s12 =	sadd.s32 s6, s22;
	s26 =	smul.u32 $0x1400, s16;
	[dreg:$0x5] =	wrdreg s11  }
0x1a: {  	s16 =	simm.s32 $0x2;
	s11 =	smul.u32 $0x2800, s10;
	[dreg:$0x9] =	wrdreg s9  }
0x1b: {  	[dreg:$0xa] =	wrdreg s5;
	s10 =	sadd.s32 s6, s13;
	s5 =	sadd.s32 s6, s14  }
0x1c: {  	s25 =	sadd.s32 s6, s23;
	s9 =	sadd.s32 s15, s3;
	s13 =	sadd.s32 s21, s3  }
0x1d: {  	s14 =	sshrl.u32 s17, $0x2;
	s2 =	sshrl.u32 s2, $0x3;
	s17 =	sshrl.u32 s8, $0x3  }
0x1e: {  	s23 =	sshrl.u32 s12, $0x3;
	s8 =	simm.s32 $0x10;
	[dreg:$0xb] =	wrdreg s9  }
0x1f: {  	[dreg:$0xc] =	wrdreg s13;
	s9 =	sadd.s32 s14, s3;
	s15 =	sshrl.u32 s26, $0x2  }
0x20: {  	s2 =	sadd.s32 s0, s2;
	s20 =	sshrl.u32 s10, $0x3;
	s22 =	sshrl.u32 s5, $0x3  }
0x21: {  	s5 =	simm.s32 $0x8000;
	s7 =	sadd.s32 s6, s11;
	[dreg:$0x15] =	wrdreg s9  }
0x22: {  	s6 =	sadd.s32 s6, s24;
	s15 =	sadd.s32 s15, s3;
	[dreg:$0xd] =	wrdreg s2  }
0x23: {  	s2 =	sadd.s32 s0, s17;
	s21 =	sadd.s32 s0, s20;
	s24 =	sshrl.u32 s25, $0x3  }
0x24: {  	s17 =	simm.s32 $0x3;
	s20 =	simm.s32 $0x6;
	[dreg:$0xe] =	wrdreg s2  }
0x25: {  	s19 =	sshrl.u32 s7, $0x3;
	[dreg:$0x10] =	wrdreg s21;
	s25 =	sadd.s32 s0, s24  }
0x26: {  	s26 =	sshrl.u32 s6, $0x3;
	s24 =	simm.s32 $0x9000;
	s6 =	simm.s32 $0x8800  }
0x27: {  	s7 =	simm.s32 $0x1;
	s21 =	simm.s32 $0x7;
	s2 =	sadd.s32 s0, s19  }
0x28: {  	[dreg:$0x13] =	wrdreg s25;
	s25 =	simm.s32 $0xA;
	s19 =	simm.s32 $0x5  }
0x29: {  	[dreg:$0xf] =	wrdreg s2;
	s2 =	sadd.s32 s0, s22;
	s22 =	simm.s32 $0x8  }
0x2a: {  	[dreg:$0x11] =	wrdreg s2;
	s2 =	sadd.s32 s0, s23;
	s0 =	sadd.s32 s0, s26  }
0x2b: {  	s26 =	simm.s32 $0x7000;
	s23 =	simm.s32 $0x9;
	[dreg:$0x12] =	wrdreg s2  }
0x2c: {  	v0 =	vimm.f32 $0.0e+00;
	[dreg:$0x14] =	wrdreg s0;
	s2 =	simm.s32 $0x6800;
	s0 =	simm.s32 $0x7800  }
.LBB2_1:
0x2d: {  	s9 =	simm.s32 $0x40;
	s10 =	simm.s32 $0x0  }
.LBB2_2:
0x2e: {  	p1 =	sne.s32 s9, $0x13C0;
	[tilespmem:s10+$0x9000] =	vst v0;
	s10 =	smov.u32 s9;
	s9 =	sadd.s32 $0x40, s9  }
.Ltmp0:
0x2f: {  	(pc) =	sbr.rel @p1 .LBB2_2-.Ltmp0, $2  }
0x30: {  	_ =	sdelay $0x2  }
0x31: {  	s10 =	sshra.s32 s10, $0x2  }
0x32: {  	[tilespmem:s10+$0x9000] =	vst v0;
	s9 =	rddreg [dreg:$0x7]  }
0x33: {  	[spmem:s9] =	stream.linear.scatter [tilespmem:s24], [sflag:$0xA], $0x500, $0x38;
	[tilespmem:$0xBC90] =	vst v63  }
0x34: {  	_ =	swait.ge [sflag:s25], $0x500  }
0x35: {  	[sflag:s25] =	ssyncset.done $0x0  }
0x36: {  	s13 =	rddreg [dreg:$0x8];
	[sflag:s25] =	ssyncadd.s32 $0xFFFFFB00  }
0x37: {  	[spmem:s13] =	stream.linear.scatter [tilespmem:s24], [sflag:$0xA], $0x500, $0x38;
	[tilespmem:$0xBC90] =	vst v63  }
0x38: {  	_ =	swait.ge [sflag:s25], $0x500  }
0x39: {  	[sflag:s25] =	ssyncset.done $0x0  }
0x3a: {  	s14 =	rddreg [dreg:$0x9];
	[sflag:s25] =	ssyncadd.s32 $0xFFFFFB00  }
0x3b: {  	[spmem:s14] =	stream.linear.scatter [tilespmem:s24], [sflag:$0xA], $0x500, $0x38;
	[tilespmem:$0xBC90] =	vst v63  }
0x3c: {  	_ =	swait.ge [sflag:s25], $0x500  }
0x3d: {  	[sflag:s25] =	ssyncset.done $0x0  }
0x3e: {  	s10 =	rddreg [dreg:$0xa];
	[sflag:s25] =	ssyncadd.s32 $0xFFFFFB00  }
0x3f: {  	[spmem:s10] =	stream.linear.scatter [tilespmem:s24], [sflag:$0xA], $0x500, $0x38;
	[tilespmem:$0xBC90] =	vst v63  }
0x40: {  	_ =	swait.ge [sflag:s25], $0x500  }
0x41: {  	[sflag:s25] =	ssyncset.done $0x0  }
0x42: {  	s11 =	rddreg [dreg:$0xb];
	[sflag:s25] =	ssyncadd.s32 $0xFFFFFB00  }
0x43: {  	[spmem:s11] =	stream.linear.scatter [tilespmem:s24], [sflag:$0xA], $0x500, $0x38;
	[tilespmem:$0xBC90] =	vst v63  }
0x44: {  	_ =	swait.ge [sflag:s25], $0x500  }
0x45: {  	[sflag:s25] =	ssyncset.done $0x0  }
0x46: {  	s12 =	rddreg [dreg:$0xc];
	[sflag:s25] =	ssyncadd.s32 $0xFFFFFB00  }
0x47: {  	[spmem:s12] =	stream.linear.scatter [tilespmem:s24], [sflag:$0xA], $0x500, $0x38;
	[tilespmem:$0xBC90] =	vst v63  }
0x48: {  	_ =	swait.ge [sflag:s25], $0x500  }
0x49: {  	[sflag:s25] =	ssyncset.done $0x0  }
0x4a: {  	s13 =	rddreg [dreg:$0x15];
	[sflag:s25] =	ssyncadd.s32 $0xFFFFFB00  }
0x4b: {  	[spmem:s13] =	stream.linear.scatter [tilespmem:s24], [sflag:$0xA], $0x500, $0x38;
	[tilespmem:$0xBC90] =	vst v63  }
0x4c: {  	_ =	swait.ge [sflag:s25], $0x500  }
0x4d: {  	[sflag:s25] =	ssyncset.done $0x0  }
0x4e: {  	s9 =	simm.s32 @!p0 $0x9000;
	[sflag:s25] =	ssyncadd.s32 $0xFFFFFB00  }
0x4f: {  	[spmem:s15] =	stream.linear.scatter @!p0 [tilespmem:s9], [sflag:$0xA], $0x500, $0x38;
	[tilespmem:$0xBC90] =	vst v63  }
0x50: {  	s9 =	simm.s32 @!p0 $0xA  }
0x51: {  	_ =	swait.ge @!p0 [sflag:s9], $0x500  }
0x52: {  	[sflag:s9] =	ssyncset.done @!p0 $0x0  }
0x53: {  	[sflag:s9] =	ssyncadd.s32 @!p0 $0xFFFFFB00  }
0x54: {  	[bflag:$0x0] =	sbarrier.arrive $0xFFFF  }
0x55: {  	s14 =	simm.s32 $0x0;
	s12 =	rddreg [dreg:$0x4]  }
0x56: {  	[tilespmem:s14], [sflag:$0xA] =	stream.linear.gather [hbm4b:s12+s14], $0x2800, $0x38;
	[tilespmem:$0xBC90] =	vst v63  }
0x57: {  	_ =	swait.ge [sflag:s25], $0x2800  }
0x58: {  	[sflag:s25] =	ssyncset.done $0x0  }
0x59: {  	s11 =	simm.s32 $0x2800;
	s13 =	rddreg [dreg:$0x5];
	[sflag:s25] =	ssyncadd.s32 $0xFFFFD800  }
0x5a: {  	[tilespmem:s11], [sflag:$0xA] =	stream.linear.gather [hbm4b:s13+s14], $0x2800, $0x38;
	[tilespmem:$0xBC90] =	vst v63  }
0x5b: {  	_ =	swait.ge [sflag:s25], $0x2800  }
0x5c: {  	[sflag:s25] =	ssyncset.done $0x0  }
0x5d: {  	s14 =	simm.s32 $0x0;
	[sflag:s25] =	ssyncadd.s32 $0xFFFFD800  }
0x5e: {  	[tilespmem:s29], [sflag:$0x1] =	stream.indirect.gather [hbm4b:s1+s28], $0x10, s14, s28, $0xb8;
	[tilespmem:$0xBC90] =	vst v63  }
0x5f: {  	s10 =	simm.s32 $0x80  }
0x60: {  	[tilespmem:s30], [sflag:$0x2] =	stream.indirect.gather [hbm4b:s1+s28], $0x10, s10, s28, $0xb8;
	[tilespmem:$0xBC90] =	vst v63  }
0x61: {  	s11 =	simm.s32 $0x100  }
0x62: {  	[tilespmem:s31], [sflag:$0x3] =	stream.indirect.gather [hbm4b:s1+s28], $0x10, s11, s28, $0xb8;
	[tilespmem:$0xBC90] =	vst v63  }
0x63: {  	s12 =	simm.s32 $0x180  }
0x64: {  	[tilespmem:s2], [sflag:$0x4] =	stream.indirect.gather [hbm4b:s1+s28], $0x10, s12, s28, $0xb8;
	[tilespmem:$0xBC90] =	vst v63  }
0x65: {  	s13 =	simm.s32 $0x200  }
0x66: {  	[tilespmem:s26], [sflag:$0x5] =	stream.indirect.gather [hbm4b:s1+s28], $0x10, s13, s28, $0xb8;
	[tilespmem:$0xBC90] =	vst v63  }
0x67: {  	s14 =	simm.s32 $0x280  }
0x68: {  	[tilespmem:s0], [sflag:$0x6] =	stream.indirect.gather [hbm4b:s1+s28], $0x10, s14, s28, $0xb8;
	[tilespmem:$0xBC90] =	vst v63  }
0x69: {  	s10 =	simm.s32 $0x300  }
0x6a: {  	[tilespmem:s5], [sflag:$0x7] =	stream.indirect.gather [hbm4b:s1+s28], $0x10, s10, s28, $0xb8;
	[tilespmem:$0xBC90] =	vst v63  }
0x6b: {  	s11 =	simm.s32 $0x380  }
0x6c: {  	[tilespmem:s6], [sflag:$0x8] =	stream.indirect.gather [hbm4b:s1+s28], $0x10, s11, s28, $0xb8;
	[tilespmem:$0xBC90] =	vst v63  }
0x6d: {  	_ =	swait.ge [sflag:s7], $0x800  }
0x6e: {  	[sflag:s7] =	ssyncset.done $0x0  }
0x6f: {  	s12 =	simm.s32 $0x2800;
	[sflag:s7] =	ssyncadd.s32 $0xFFFFF800  }
0x70: {  	[spmem:s3] =	stream.indirect.scatter.add.f32 [tilespmem:s29], [sflag:$0x9], $0x10, s12, s28, $0xb8;
	[tilespmem:$0xBC90] =	vst v63  }
0x71: {  	_ =	swait.ge [sflag:s16], $0x800  }
0x72: {  	[sflag:s16] =	ssyncset.done $0x0  }
0x73: {  	s13 =	simm.s32 $0x2880;
	[sflag:s16] =	ssyncadd.s32 $0xFFFFF800  }
0x74: {  	[spmem:s3] =	stream.indirect.scatter.add.f32 [tilespmem:s30], [sflag:$0x9], $0x10, s13, s28, $0xb8;
	[tilespmem:$0xBC90] =	vst v63  }
0x75: {  	_ =	swait.ge [sflag:s17], $0x800  }
0x76: {  	[sflag:s17] =	ssyncset.done $0x0  }
0x77: {  	s14 =	simm.s32 $0x2900;
	[sflag:s17] =	ssyncadd.s32 $0xFFFFF800  }
0x78: {  	[spmem:s3] =	stream.indirect.scatter.add.f32 [tilespmem:s31], [sflag:$0x9], $0x10, s14, s28, $0xb8;
	[tilespmem:$0xBC90] =	vst v63  }
0x79: {  	_ =	swait.ge [sflag:s18], $0x800  }
0x7a: {  	[sflag:s18] =	ssyncset.done $0x0  }
0x7b: {  	s10 =	simm.s32 $0x2980;
	[sflag:s18] =	ssyncadd.s32 $0xFFFFF800  }
0x7c: {  	[spmem:s3] =	stream.indirect.scatter.add.f32 [tilespmem:s2], [sflag:$0x9], $0x10, s10, s28, $0xb8;
	[tilespmem:$0xBC90] =	vst v63  }
0x7d: {  	_ =	swait.ge [sflag:s19], $0x800  }
0x7e: {  	[sflag:s19] =	ssyncset.done $0x0  }
0x7f: {  	s11 =	simm.s32 $0x2A00;
	[sflag:s19] =	ssyncadd.s32 $0xFFFFF800  }
0x80: {  	[spmem:s3] =	stream.indirect.scatter.add.f32 [tilespmem:s26], [sflag:$0x9], $0x10, s11, s28, $0xb8;
	[tilespmem:$0xBC90] =	vst v63  }
0x81: {  	_ =	swait.ge [sflag:s20], $0x800  }
0x82: {  	[sflag:s20] =	ssyncset.done $0x0  }
0x83: {  	s12 =	simm.s32 $0x2A80;
	[sflag:s20] =	ssyncadd.s32 $0xFFFFF800  }
0x84: {  	[spmem:s3] =	stream.indirect.scatter.add.f32 [tilespmem:s0], [sflag:$0x9], $0x10, s12, s28, $0xb8;
	[tilespmem:$0xBC90] =	vst v63  }
0x85: {  	_ =	swait.ge [sflag:s21], $0x800  }
0x86: {  	[sflag:s21] =	ssyncset.done $0x0  }
0x87: {  	s13 =	simm.s32 $0x2B00;
	[sflag:s21] =	ssyncadd.s32 $0xFFFFF800  }
0x88: {  	[spmem:s3] =	stream.indirect.scatter.add.f32 [tilespmem:s5], [sflag:$0x9], $0x10, s13, s28, $0xb8;
	[tilespmem:$0xBC90] =	vst v63  }
0x89: {  	_ =	swait.ge [sflag:s22], $0x800  }
0x8a: {  	[sflag:s22] =	ssyncset.done $0x0  }
0x8b: {  	s14 =	simm.s32 $0x2B80;
	[sflag:s22] =	ssyncadd.s32 $0xFFFFF800  }
0x8c: {  	[spmem:s3] =	stream.indirect.scatter.add.f32 [tilespmem:s6], [sflag:$0x9], $0x10, s14, s28, $0xb8;
	[tilespmem:$0xBC90] =	vst v63  }
0x8d: {  	_ =	swait.ge [sflag:s23], $0x800  }
0x8e: {  	[sflag:s23] =	ssyncset.done $0x0  }
0x8f: {  	[sflag:s23] =	ssyncadd.s32 $0xFFFFF800  }
0x90: {  	_ =	swait.ge [sflag:s23], $0x800  }
0x91: {  	[sflag:s23] =	ssyncset.done $0x0  }
0x92: {  	[sflag:s23] =	ssyncadd.s32 $0xFFFFF800  }
0x93: {  	_ =	swait.ge [sflag:s23], $0x800  }
0x94: {  	[sflag:s23] =	ssyncset.done $0x0  }
0x95: {  	[sflag:s23] =	ssyncadd.s32 $0xFFFFF800  }
0x96: {  	_ =	swait.ge [sflag:s23], $0x800  }
0x97: {  	[sflag:s23] =	ssyncset.done $0x0  }
0x98: {  	[sflag:s23] =	ssyncadd.s32 $0xFFFFF800  }
0x99: {  	_ =	swait.ge [sflag:s23], $0x800  }
0x9a: {  	[sflag:s23] =	ssyncset.done $0x0  }
0x9b: {  	[sflag:s23] =	ssyncadd.s32 $0xFFFFF800  }
0x9c: {  	_ =	swait.ge [sflag:s23], $0x800  }
0x9d: {  	[sflag:s23] =	ssyncset.done $0x0  }
0x9e: {  	[sflag:s23] =	ssyncadd.s32 $0xFFFFF800  }
0x9f: {  	_ =	swait.ge [sflag:s23], $0x800  }
0xa0: {  	[sflag:s23] =	ssyncset.done $0x0  }
0xa1: {  	[sflag:s23] =	ssyncadd.s32 $0xFFFFF800  }
0xa2: {  	_ =	swait.ge [sflag:s23], $0x800  }
0xa3: {  	s9 =	simm.s32 $0x1000;
	s10 =	simm.s32 $0x2000;
	[sflag:s23] =	ssyncset.done $0x0  }
.LBB2_4:
0xa4: {  	s11 =	sshra.s32 s9, $0x2  }
0xa5: {  	[sflag:s23] =	ssyncadd.s32 $0xFFFFF800;
	s9 =	smov.u32 s10;
	s12 =	sadd.s32 $0x1000, s10  }
0xa6: {  	[tilespmem:s29], [sflag:$0x1] =	stream.indirect.gather [hbm4b:s1+s28], $0x10, s11, s28, $0xb8;
	[tilespmem:$0xBC90] =	vst v63  }
0xa7: {  	p1 =	sne.s32 s10, $0x9000;
	s10 =	sadd.s32 $0x80, s11  }
0xa8: {  	[tilespmem:s30], [sflag:$0x2] =	stream.indirect.gather [hbm4b:s1+s28], $0x10, s10, s28, $0xb8;
	[tilespmem:$0xBC90] =	vst v63  }
0xa9: {  	s10 =	sadd.s32 $0x100, s11  }
0xaa: {  	[tilespmem:s31], [sflag:$0x3] =	stream.indirect.gather [hbm4b:s1+s28], $0x10, s10, s28, $0xb8;
	[tilespmem:$0xBC90] =	vst v63  }
0xab: {  	s10 =	sadd.s32 $0x180, s11  }
0xac: {  	[tilespmem:s2], [sflag:$0x4] =	stream.indirect.gather [hbm4b:s1+s28], $0x10, s10, s28, $0xb8;
	[tilespmem:$0xBC90] =	vst v63  }
0xad: {  	s10 =	sadd.s32 $0x200, s11  }
0xae: {  	[tilespmem:s26], [sflag:$0x5] =	stream.indirect.gather [hbm4b:s1+s28], $0x10, s10, s28, $0xb8;
	[tilespmem:$0xBC90] =	vst v63  }
0xaf: {  	s10 =	sadd.s32 $0x280, s11  }
0xb0: {  	[tilespmem:s0], [sflag:$0x6] =	stream.indirect.gather [hbm4b:s1+s28], $0x10, s10, s28, $0xb8;
	[tilespmem:$0xBC90] =	vst v63  }
0xb1: {  	s10 =	sadd.s32 $0x300, s11  }
0xb2: {  	[tilespmem:s5], [sflag:$0x7] =	stream.indirect.gather [hbm4b:s1+s28], $0x10, s10, s28, $0xb8;
	[tilespmem:$0xBC90] =	vst v63  }
0xb3: {  	s10 =	sadd.s32 $0x380, s11  }
0xb4: {  	[tilespmem:s6], [sflag:$0x8] =	stream.indirect.gather [hbm4b:s1+s28], $0x10, s10, s28, $0xb8;
	[tilespmem:$0xBC90] =	vst v63  }
0xb5: {  	_ =	swait.ge [sflag:s7], $0x800  }
0xb6: {  	[sflag:s7] =	ssyncset.done $0x0  }
0xb7: {  	s10 =	sadd.s32 $0x2800, s11;
	[sflag:s7] =	ssyncadd.s32 $0xFFFFF800  }
0xb8: {  	[spmem:s3] =	stream.indirect.scatter.add.f32 [tilespmem:s29], [sflag:$0x9], $0x10, s10, s28, $0xb8;
	[tilespmem:$0xBC90] =	vst v63  }
0xb9: {  	_ =	swait.ge [sflag:s16], $0x800  }
0xba: {  	[sflag:s16] =	ssyncset.done $0x0  }
0xbb: {  	s10 =	sadd.s32 $0x2880, s11;
	[sflag:s16] =	ssyncadd.s32 $0xFFFFF800  }
0xbc: {  	[spmem:s3] =	stream.indirect.scatter.add.f32 [tilespmem:s30], [sflag:$0x9], $0x10, s10, s28, $0xb8;
	[tilespmem:$0xBC90] =	vst v63  }
0xbd: {  	_ =	swait.ge [sflag:s17], $0x800  }
0xbe: {  	[sflag:s17] =	ssyncset.done $0x0  }
0xbf: {  	s10 =	sadd.s32 $0x2900, s11;
	[sflag:s17] =	ssyncadd.s32 $0xFFFFF800  }
0xc0: {  	[spmem:s3] =	stream.indirect.scatter.add.f32 [tilespmem:s31], [sflag:$0x9], $0x10, s10, s28, $0xb8;
	[tilespmem:$0xBC90] =	vst v63  }
0xc1: {  	_ =	swait.ge [sflag:s18], $0x800  }
0xc2: {  	[sflag:s18] =	ssyncset.done $0x0  }
0xc3: {  	s10 =	sadd.s32 $0x2980, s11;
	[sflag:s18] =	ssyncadd.s32 $0xFFFFF800  }
0xc4: {  	[spmem:s3] =	stream.indirect.scatter.add.f32 [tilespmem:s2], [sflag:$0x9], $0x10, s10, s28, $0xb8;
	[tilespmem:$0xBC90] =	vst v63  }
0xc5: {  	_ =	swait.ge [sflag:s19], $0x800  }
0xc6: {  	[sflag:s19] =	ssyncset.done $0x0  }
0xc7: {  	s10 =	sadd.s32 $0x2A00, s11;
	[sflag:s19] =	ssyncadd.s32 $0xFFFFF800  }
0xc8: {  	[spmem:s3] =	stream.indirect.scatter.add.f32 [tilespmem:s26], [sflag:$0x9], $0x10, s10, s28, $0xb8;
	[tilespmem:$0xBC90] =	vst v63  }
0xc9: {  	_ =	swait.ge [sflag:s20], $0x800  }
0xca: {  	[sflag:s20] =	ssyncset.done $0x0  }
0xcb: {  	s10 =	sadd.s32 $0x2A80, s11;
	[sflag:s20] =	ssyncadd.s32 $0xFFFFF800  }
0xcc: {  	[spmem:s3] =	stream.indirect.scatter.add.f32 [tilespmem:s0], [sflag:$0x9], $0x10, s10, s28, $0xb8;
	[tilespmem:$0xBC90] =	vst v63  }
0xcd: {  	_ =	swait.ge [sflag:s21], $0x800  }
0xce: {  	[sflag:s21] =	ssyncset.done $0x0  }
0xcf: {  	s10 =	sadd.s32 $0x2B00, s11;
	[sflag:s21] =	ssyncadd.s32 $0xFFFFF800  }
0xd0: {  	[spmem:s3] =	stream.indirect.scatter.add.f32 [tilespmem:s5], [sflag:$0x9], $0x10, s10, s28, $0xb8;
	[tilespmem:$0xBC90] =	vst v63  }
0xd1: {  	_ =	swait.ge [sflag:s22], $0x800  }
0xd2: {  	[sflag:s22] =	ssyncset.done $0x0  }
0xd3: {  	s10 =	sadd.s32 $0x2B80, s11;
	[sflag:s22] =	ssyncadd.s32 $0xFFFFF800  }
0xd4: {  	[spmem:s3] =	stream.indirect.scatter.add.f32 [tilespmem:s6], [sflag:$0x9], $0x10, s10, s28, $0xb8;
	[tilespmem:$0xBC90] =	vst v63  }
0xd5: {  	_ =	swait.ge [sflag:s23], $0x800  }
0xd6: {  	[sflag:s23] =	ssyncset.done $0x0  }
0xd7: {  	[sflag:s23] =	ssyncadd.s32 $0xFFFFF800  }
0xd8: {  	_ =	swait.ge [sflag:s23], $0x800  }
0xd9: {  	[sflag:s23] =	ssyncset.done $0x0  }
0xda: {  	[sflag:s23] =	ssyncadd.s32 $0xFFFFF800  }
0xdb: {  	_ =	swait.ge [sflag:s23], $0x800  }
0xdc: {  	[sflag:s23] =	ssyncset.done $0x0  }
0xdd: {  	[sflag:s23] =	ssyncadd.s32 $0xFFFFF800  }
0xde: {  	_ =	swait.ge [sflag:s23], $0x800  }
0xdf: {  	[sflag:s23] =	ssyncset.done $0x0  }
0xe0: {  	[sflag:s23] =	ssyncadd.s32 $0xFFFFF800  }
0xe1: {  	_ =	swait.ge [sflag:s23], $0x800  }
0xe2: {  	[sflag:s23] =	ssyncset.done $0x0  }
0xe3: {  	[sflag:s23] =	ssyncadd.s32 $0xFFFFF800  }
0xe4: {  	_ =	swait.ge [sflag:s23], $0x800  }
0xe5: {  	[sflag:s23] =	ssyncset.done $0x0  }
0xe6: {  	[sflag:s23] =	ssyncadd.s32 $0xFFFFF800  }
.Ltmp1:
0xe7: {  	_ =	swait.ge [sflag:s23], $0x800;
	(pc) =	sbr.rel @p1 .LBB2_4-.Ltmp1, $4  }
0xe8: {  	[sflag:s23] =	ssyncset.done $0x0  }
0xe9: {  	[sflag:s23] =	ssyncadd.s32 $0xFFFFF800  }
0xea: {  	_ =	swait.ge [sflag:s23], $0x800  }
0xeb: {  	s10 =	smov.u32 s12;
	[sflag:s23] =	ssyncset.done $0x0  }
0xec: {  	s9 =	sshra.s32 s9, $0x2;
	[sflag:s23] =	ssyncadd.s32 $0xFFFFF800  }
0xed: {  	[tilespmem:s29], [sflag:$0x1] =	stream.indirect.gather [hbm4b:s1+s28], $0x10, s9, s28, $0xb8;
	[tilespmem:$0xBC90] =	vst v63  }
0xee: {  	s10 =	sadd.s32 $0x80, s9  }
0xef: {  	[tilespmem:s30], [sflag:$0x2] =	stream.indirect.gather [hbm4b:s1+s28], $0x10, s10, s28, $0xb8;
	[tilespmem:$0xBC90] =	vst v63  }
0xf0: {  	s14 =	sadd.s32 $0x100, s9  }
0xf1: {  	[tilespmem:s31], [sflag:$0x3] =	stream.indirect.gather [hbm4b:s1+s28], $0x10, s14, s28, $0xb8;
	[tilespmem:$0xBC90] =	vst v63  }
0xf2: {  	s11 =	sadd.s32 $0x180, s9  }
0xf3: {  	[tilespmem:s2], [sflag:$0x4] =	stream.indirect.gather [hbm4b:s1+s28], $0x10, s11, s28, $0xb8;
	[tilespmem:$0xBC90] =	vst v63  }
0xf4: {  	s12 =	sadd.s32 $0x200, s9  }
0xf5: {  	[tilespmem:s26], [sflag:$0x5] =	stream.indirect.gather [hbm4b:s1+s28], $0x10, s12, s28, $0xb8;
	[tilespmem:$0xBC90] =	vst v63  }
0xf6: {  	s13 =	sadd.s32 $0x280, s9  }
0xf7: {  	[tilespmem:s0], [sflag:$0x6] =	stream.indirect.gather [hbm4b:s1+s28], $0x10, s13, s28, $0xb8;
	[tilespmem:$0xBC90] =	vst v63  }
0xf8: {  	s14 =	sadd.s32 $0x300, s9  }
0xf9: {  	[tilespmem:s5], [sflag:$0x7] =	stream.indirect.gather [hbm4b:s1+s28], $0x10, s14, s28, $0xb8;
	[tilespmem:$0xBC90] =	vst v63  }
0xfa: {  	s11 =	sadd.s32 $0x380, s9  }
0xfb: {  	[tilespmem:s6], [sflag:$0x8] =	stream.indirect.gather [hbm4b:s1+s28], $0x10, s11, s28, $0xb8;
	[tilespmem:$0xBC90] =	vst v63  }
0xfc: {  	_ =	swait.ge [sflag:s7], $0x800  }
0xfd: {  	[sflag:s7] =	ssyncset.done $0x0  }
0xfe: {  	s12 =	sadd.s32 $0x2800, s9;
	[sflag:s7] =	ssyncadd.s32 $0xFFFFF800  }
0xff: {  	[spmem:s3] =	stream.indirect.scatter.add.f32 [tilespmem:s29], [sflag:$0x9], $0x10, s12, s28, $0xb8;
	[tilespmem:$0xBC90] =	vst v63  }
0x100: {  	_ =	swait.ge [sflag:s16], $0x800  }
0x101: {  	[sflag:s16] =	ssyncset.done $0x0  }
0x102: {  	s13 =	sadd.s32 $0x2880, s9;
	[sflag:s16] =	ssyncadd.s32 $0xFFFFF800  }
0x103: {  	[spmem:s3] =	stream.indirect.scatter.add.f32 [tilespmem:s30], [sflag:$0x9], $0x10, s13, s28, $0xb8;
	[tilespmem:$0xBC90] =	vst v63  }
0x104: {  	_ =	swait.ge [sflag:s17], $0x800  }
0x105: {  	[sflag:s17] =	ssyncset.done $0x0  }
0x106: {  	s14 =	sadd.s32 $0x2900, s9;
	[sflag:s17] =	ssyncadd.s32 $0xFFFFF800  }
0x107: {  	[spmem:s3] =	stream.indirect.scatter.add.f32 [tilespmem:s31], [sflag:$0x9], $0x10, s14, s28, $0xb8;
	[tilespmem:$0xBC90] =	vst v63  }
0x108: {  	_ =	swait.ge [sflag:s18], $0x800  }
0x109: {  	[sflag:s18] =	ssyncset.done $0x0  }
0x10a: {  	s11 =	sadd.s32 $0x2980, s9;
	[sflag:s18] =	ssyncadd.s32 $0xFFFFF800  }
0x10b: {  	[spmem:s3] =	stream.indirect.scatter.add.f32 [tilespmem:s2], [sflag:$0x9], $0x10, s11, s28, $0xb8;
	[tilespmem:$0xBC90] =	vst v63  }
0x10c: {  	_ =	swait.ge [sflag:s19], $0x800  }
0x10d: {  	[sflag:s19] =	ssyncset.done $0x0  }
0x10e: {  	s12 =	sadd.s32 $0x2A00, s9;
	[sflag:s19] =	ssyncadd.s32 $0xFFFFF800  }
0x10f: {  	[spmem:s3] =	stream.indirect.scatter.add.f32 [tilespmem:s26], [sflag:$0x9], $0x10, s12, s28, $0xb8;
	[tilespmem:$0xBC90] =	vst v63  }
0x110: {  	_ =	swait.ge [sflag:s20], $0x800  }
0x111: {  	[sflag:s20] =	ssyncset.done $0x0  }
0x112: {  	s13 =	sadd.s32 $0x2A80, s9;
	[sflag:s20] =	ssyncadd.s32 $0xFFFFF800  }
0x113: {  	[spmem:s3] =	stream.indirect.scatter.add.f32 [tilespmem:s0], [sflag:$0x9], $0x10, s13, s28, $0xb8;
	[tilespmem:$0xBC90] =	vst v63  }
0x114: {  	_ =	swait.ge [sflag:s21], $0x800  }
0x115: {  	[sflag:s21] =	ssyncset.done $0x0  }
0x116: {  	s14 =	sadd.s32 $0x2B00, s9;
	[sflag:s21] =	ssyncadd.s32 $0xFFFFF800  }
0x117: {  	[spmem:s3] =	stream.indirect.scatter.add.f32 [tilespmem:s5], [sflag:$0x9], $0x10, s14, s28, $0xb8;
	[tilespmem:$0xBC90] =	vst v63  }
0x118: {  	_ =	swait.ge [sflag:s22], $0x800  }
0x119: {  	[sflag:s22] =	ssyncset.done $0x0  }
0x11a: {  	s9 =	sadd.s32 $0x2B80, s9;
	[sflag:s22] =	ssyncadd.s32 $0xFFFFF800  }
0x11b: {  	[spmem:s3] =	stream.indirect.scatter.add.f32 [tilespmem:s6], [sflag:$0x9], $0x10, s9, s28, $0xb8;
	[tilespmem:$0xBC90] =	vst v63  }
0x11c: {  	_ =	swait.ge [sflag:s23], $0x800  }
0x11d: {  	[sflag:s23] =	ssyncset.done $0x0  }
0x11e: {  	[sflag:s23] =	ssyncadd.s32 $0xFFFFF800  }
0x11f: {  	_ =	swait.ge [sflag:s23], $0x800  }
0x120: {  	[sflag:s23] =	ssyncset.done $0x0  }
0x121: {  	[sflag:s23] =	ssyncadd.s32 $0xFFFFF800  }
0x122: {  	_ =	swait.ge [sflag:s23], $0x800  }
0x123: {  	[sflag:s23] =	ssyncset.done $0x0  }
0x124: {  	[sflag:s23] =	ssyncadd.s32 $0xFFFFF800  }
0x125: {  	_ =	swait.ge [sflag:s23], $0x800  }
0x126: {  	[sflag:s23] =	ssyncset.done $0x0  }
0x127: {  	[sflag:s23] =	ssyncadd.s32 $0xFFFFF800  }
0x128: {  	_ =	swait.ge [sflag:s23], $0x800  }
0x129: {  	[sflag:s23] =	ssyncset.done $0x0  }
0x12a: {  	[sflag:s23] =	ssyncadd.s32 $0xFFFFF800  }
0x12b: {  	_ =	swait.ge [sflag:s23], $0x800  }
0x12c: {  	[sflag:s23] =	ssyncset.done $0x0  }
0x12d: {  	[sflag:s23] =	ssyncadd.s32 $0xFFFFF800  }
0x12e: {  	_ =	swait.ge [sflag:s23], $0x800  }
0x12f: {  	[sflag:s23] =	ssyncset.done $0x0  }
0x130: {  	[sflag:s23] =	ssyncadd.s32 $0xFFFFF800  }
0x131: {  	_ =	swait.ge [sflag:s23], $0x800  }
0x132: {  	[sflag:s23] =	ssyncset.done $0x0  }
0x133: {  	[sflag:s23] =	ssyncadd.s32 $0xFFFFF800  }
0x134: {  	s11 =	stileid.u32;
	[bflag:$0x0] =	sbarrier.arrive $0xFFFF  }
0x135: {  	s9 =	sshll.u32 s11, $0x6;
	s12 =	rddreg [dreg:$0x7]  }
0x136: {  	s9 =	sor.u32 $0x1C0A, s9;
	s11 =	rddreg [dreg:$0xd];
	s10 =	sshrl.u32 s12, $0x3  }
0x137: {  	[hbm:s11@s8], [sflag:s9] =	dma.strided [spmem:s10@s16], $0xA0, s7, $0x2   }
0x138: {  	_ =	swait.ge [sflag:s25], $0xA0  }
0x139: {  	[sflag:s25] =	ssyncset.done $0x0;
	s13 =	rddreg [dreg:$0x8]  }
0x13a: {  	s14 =	rddreg [dreg:$0xe];
	[sflag:s25] =	ssyncadd.s32 $0xFFFFFF60;
	s10 =	sshrl.u32 s13, $0x3  }
0x13b: {  	[hbm:s14@s8], [sflag:s9] =	dma.strided [spmem:s10@s16], $0xA0, s7, $0x2   }
0x13c: {  	_ =	swait.ge [sflag:s25], $0xA0  }
0x13d: {  	[sflag:s25] =	ssyncset.done $0x0;
	s11 =	rddreg [dreg:$0x9]  }
0x13e: {  	s12 =	rddreg [dreg:$0xf];
	[sflag:s25] =	ssyncadd.s32 $0xFFFFFF60;
	s10 =	sshrl.u32 s11, $0x3  }
0x13f: {  	[hbm:s12@s8], [sflag:s9] =	dma.strided [spmem:s10@s16], $0xA0, s7, $0x2   }
0x140: {  	_ =	swait.ge [sflag:s25], $0xA0  }
0x141: {  	[sflag:s25] =	ssyncset.done $0x0;
	s13 =	rddreg [dreg:$0xa]  }
0x142: {  	s14 =	rddreg [dreg:$0x10];
	[sflag:s25] =	ssyncadd.s32 $0xFFFFFF60;
	s10 =	sshrl.u32 s13, $0x3  }
0x143: {  	[hbm:s14@s8], [sflag:s9] =	dma.strided [spmem:s10@s16], $0xA0, s7, $0x2   }
0x144: {  	_ =	swait.ge [sflag:s25], $0xA0  }
0x145: {  	[sflag:s25] =	ssyncset.done $0x0;
	s11 =	rddreg [dreg:$0xb]  }
0x146: {  	s12 =	rddreg [dreg:$0x11];
	[sflag:s25] =	ssyncadd.s32 $0xFFFFFF60;
	s10 =	sshrl.u32 s11, $0x3  }
0x147: {  	[hbm:s12@s8], [sflag:s9] =	dma.strided [spmem:s10@s16], $0xA0, s7, $0x2   }
0x148: {  	_ =	swait.ge [sflag:s25], $0xA0  }
0x149: {  	[sflag:s25] =	ssyncset.done $0x0;
	s13 =	rddreg [dreg:$0xc]  }
0x14a: {  	s14 =	rddreg [dreg:$0x12];
	[sflag:s25] =	ssyncadd.s32 $0xFFFFFF60;
	s10 =	sshrl.u32 s13, $0x3  }
0x14b: {  	[hbm:s14@s8], [sflag:s9] =	dma.strided [spmem:s10@s16], $0xA0, s7, $0x2   }
0x14c: {  	_ =	swait.ge [sflag:s25], $0xA0  }
0x14d: {  	[sflag:s25] =	ssyncset.done $0x0;
	s12 =	rddreg [dreg:$0x15]  }
0x14e: {  	s13 =	rddreg [dreg:$0x13];
	[sflag:s25] =	ssyncadd.s32 $0xFFFFFF60;
	s10 =	sshrl.u32 s12, $0x3  }
0x14f: {  	[hbm:s13@s8], [sflag:s9] =	dma.strided [spmem:s10@s16], $0xA0, s7, $0x2   }
0x150: {  	s11 =	simm.s32 @!p0 $0x1;
	_ =	swait.ge [sflag:s25], $0xA0  }
0x151: {  	s12 =	simm.s32 @!p0 $0x10;
	s10 =	sshrl.u32 @!p0 s15, $0x3;
	[sflag:s25] =	ssyncset.done $0x0  }
0x152: {  	s13 =	simm.s32 @!p0 $0x2;
	s14 =	rddreg [dreg:$0x14];
	[sflag:s25] =	ssyncadd.s32 $0xFFFFFF60  }
0x153: {  	[hbm:s14@s12], [sflag:s9] =	dma.strided @!p0 [spmem:s10@s13], $0xA0, s11, $0x2   }
0x154: {  	s9 =	simm.s32 @!p0 $0xA  }
0x155: {  	_ =	swait.ge @!p0 [sflag:s9], $0xA0  }
0x156: {  	s4 =	sadd.s32 $0x1, s4;
	s14 =	rddreg [dreg:$0x6]  }
0x157: {  	p1 =	sne.s32 s4, s14  }
.Ltmp2:
0x158: {  	_ = 	snop;
	(pc) =	sbr.rel @p1 .LBB2_1-.Ltmp2, $3  }
0x159: {  	_ =	sdelay $0x1  }
0x15a: {  	[sflag:s9] =	ssyncset.done @!p0 $0x0  }
0x15b: {  	[sflag:s9] =	ssyncadd.s32 @!p0 $0xFFFFFF60  }
0x15c: {  	_ =	sfence.sel $0x180000  }
0x15d: {  	[bflag:$0x0] =	sbarrier.arrive $0xFFFF  }
0x15e: {  	_ =	strace $0x9000004D  }
0x15f: {  	s0 =	stileid.u32;
	[bflag:$0x2] =	sbarrier.arrive $0xFFFF  }
0x160: {  	p0 =	sne.s32 s0, $0x0;
	s0 =	rddreg [dreg:$0x3]  }
0x161: {  	s0 =	sadd.s32 @!p0 $0x100000, s0  }
0x162: {  	[sflag:s0] =	ssyncadd.tile.s32 @!p0 $0x1;
	_ =	shalt  }
.Lfunc_end2:
_tile_overlayer_lowered:
.L_overlay_start_2:
0x163: {  	(tag) =	ssettag $0x2  }
0x164: {  	s0 =	rddreg [dreg:$0x0];
	s2 =	stileid.u32  }
0x165: {  	s1 =	rddreg [dreg:$0x1];
	p0 =	sne.s32 s2, $0x0  }
0x166: {  	s3 =	rddreg [dreg:$0x2];
	[bflag:$0x3] =	sbarrier.arrive $0xFFFF;
	s2 =	simm.s32 @!p0 $0x1C0A  }
0x167: {  	[timem:s3], [sflag:s2] =	dma.local @!p0 [hbm:s0], s1  }
0x168: {  	s0 =	simm.s32 @!p0 $0xA  }
0x169: {  	_ =	swait.ge @!p0 [sflag:s0], s1  }
0x16a: {  	s1 =	ssub.s32 @!p0 $0x0, s1;
	[sflag:s0] =	ssyncset.done @!p0 $0x0  }
0x16b: {  	[sflag:s0] =	ssyncadd.s32 @!p0 s1  }
0x16c: {  	[bflag:$0x3] =	sbarrier.arrive $0xFFFF  }
0x16d: {  	_ =	shalt  }

</sc_bundles>
